<compile_context>
chip_gen: v7x
topology: tpu7x:2x2x1
jax: 0.10.2.dev20260603
libtpu: 0.0.44.dev20260713+nightly
codegen_flags: <defaults>
</compile_context>

<pallas_src>
import jax
import jax.numpy as jnp
from jax import lax
from jax.experimental import pallas as pl
from jax.experimental.pallas import tpu as pltpu
from jax.experimental.pallas import tpu_sc as plsc

_E = 1600000
_D = 32
_NW = 32
_B = 1280
_NCHUNK = _E // _B
_NPAIR = _NCHUNK // 2
_NPIT = -(-_NPAIR // _NW)


def _table_body(w0_ref, w1_ref, w2_ref, t_ref):
    def norm(e):
        ss = jnp.sum(e * e, axis=-1, keepdims=True)
        n = jnp.sqrt(ss)
        scale = jnp.minimum(1.0, 1.0 / jnp.maximum(n, 1e-12))
        return e * scale

    n0 = norm(w0_ref[...])
    n1 = norm(w1_ref[...])
    n2 = norm(w2_ref[...])
    c = lax.broadcasted_iota(jnp.int32, (60, 1), 0)
    oh0 = (c // 12 == lax.broadcasted_iota(jnp.int32, (60, 5), 1)).astype(jnp.float32)
    oh1 = ((c // 2) % 6 == lax.broadcasted_iota(jnp.int32, (60, 6), 1)).astype(jnp.float32)
    oh2 = (c % 2 == lax.broadcasted_iota(jnp.int32, (60, 2), 1)).astype(jnp.float32)
    hi = lax.Precision.HIGHEST
    t = (
        jnp.dot(oh0, n0, preferred_element_type=jnp.float32, precision=hi)
        + jnp.dot(oh1, n1, preferred_element_type=jnp.float32, precision=hi)
        + jnp.dot(oh2, n2, preferred_element_type=jnp.float32, precision=hi)
    )
    t_ref[...] = jnp.concatenate([t, t[:, :1]], axis=1)


_table_call = pl.pallas_call(
    _table_body,
    out_shape=jax.ShapeDtypeStruct((60, _D + 1), jnp.float32),
)


def _sc_body(cols_hbm, t_hbm, out_hbm, t_v, idx0_v, idx1_v, rows0_v, rows1_v,
             sem0, sem1, semi0, semi1):
    cid = lax.axis_index("c")
    sid = lax.axis_index("s")
    wid = sid * 2 + cid
    pltpu.sync_copy(t_hbm, t_v)
    idx_bufs = (idx0_v, idx1_v)
    rows_bufs = (rows0_v, rows1_v)
    sems = (sem0, sem1)
    sem_ins = (semi0, semi1)

    def do_chunk(k, phase, first):
        idx_v = idx_bufs[phase]
        rows_v = rows_bufs[phase]
        base = k * _B
        out_slice = out_hbm.at[:, pl.ds(base, _B)]
        if first:
            pltpu.sync_copy(cols_hbm.at[:, pl.ds(base, _B)], idx_v)
        else:
            pltpu.make_async_copy(
                cols_hbm.at[:, pl.ds(base, _B)], idx_v, sem_ins[phase]).wait()
            pltpu.make_async_copy(rows_v, out_slice, sems[phase]).wait()

        @plsc.parallel_loop(0, _B, 16)
        def cbody(s):
            v0 = idx_v[0, pl.ds(s, 16)]
            v1 = idx_v[1, pl.ds(s, 16)]
            v2 = idx_v[2, pl.ds(s, 16)]
            c33 = v0 * 396 + v1 * 66 + v2 * 33
            vals = [plsc.load_gather(t_v, [c33 + d]) for d in range(_D)]
            for d in range(_D):
                rows_v[d, pl.ds(s, 16)] = vals[d]

        pltpu.async_copy(rows_v, out_slice, sems[phase])
        knext = k + 2 * _NW

        @pl.when(knext < _NCHUNK)
        def _prefetch():
            pltpu.async_copy(
                cols_hbm.at[:, pl.ds(knext * _B, _B)], idx_v, sem_ins[phase])

    do_chunk(wid * 2, 0, True)
    do_chunk(wid * 2 + 1, 1, True)

    def pair(t, carry):
        p = wid + t * _NW

        @pl.when(p < _NPAIR)
        def _do_pair():
            do_chunk(p * 2, 0, False)
            do_chunk(p * 2 + 1, 1, False)

        return carry

    lax.fori_loop(1, _NPIT, pair, 0)

    pltpu.make_async_copy(
        rows0_v, out_hbm.at[:, pl.ds(wid * 2 * _B, _B)], sem0).wait()
    pltpu.make_async_copy(
        rows1_v, out_hbm.at[:, pl.ds((wid * 2 + 1) * _B, _B)], sem1).wait()


_sc_call = pl.kernel(
    _sc_body,
    mesh=plsc.VectorSubcoreMesh(core_axis_name="c", subcore_axis_name="s"),
    compiler_params=pltpu.CompilerParams(needs_layout_passes=False),
    out_type=jax.ShapeDtypeStruct((_D, _E), jnp.float32),
    scratch_types=[
        pltpu.VMEM((60 * (_D + 1),), jnp.float32),
        pltpu.VMEM((3, _B), jnp.int32),
        pltpu.VMEM((3, _B), jnp.int32),
        pltpu.VMEM((_D, _B), jnp.float32),
        pltpu.VMEM((_D, _B), jnp.float32),
        pltpu.SemaphoreType.DMA,
        pltpu.SemaphoreType.DMA,
        pltpu.SemaphoreType.DMA,
        pltpu.SemaphoreType.DMA,
    ],
)


def kernel(edge_attr, W0, W1, W2):
    t = _table_call(W0, W1, W2)
    out_t = _sc_call(edge_attr.T, t.reshape(-1))
    return out_t.T

# --- scband reference (transcript-rebuilt; emitter-appended) ---
"""Pipeline reference for scband-bond-encoder-20641612825162 (READ-ONLY COPY).

The authoritative reference and input builder live on the scoring server;
editing this copy changes nothing except your own understanding.
"""

import jax, jax.numpy as jnp
import numpy as np

FULL_BOND_FEATURE_DIMS = [5, 6, 2]
EMB_DIM = 32
E = 1600000


def _xavier_uniform(key, shape):
    fan_in, fan_out = shape[0], shape[1]
    bound = float(np.sqrt(6.0 / (fan_in + fan_out)))
    return jax.random.uniform(key, shape, dtype=jnp.float32, minval=-bound, maxval=bound)


def setup_inputs(seed: int = 0) -> dict:
    key = jax.random.key(seed)
    k_idx, k0, k1, k2 = jax.random.split(key, 4)
    edge_attr = jax.random.randint(k_idx, (E, 3), 0, 2, dtype=jnp.int32)
    W0 = _xavier_uniform(k0, (FULL_BOND_FEATURE_DIMS[0], EMB_DIM))
    W1 = _xavier_uniform(k1, (FULL_BOND_FEATURE_DIMS[1], EMB_DIM))
    W2 = _xavier_uniform(k2, (FULL_BOND_FEATURE_DIMS[2], EMB_DIM))
    return {"edge_attr": edge_attr, "W0": W0, "W1": W1, "W2": W2}


def _lookup_maxnorm(W, idx):
    # torch.nn.Embedding(max_norm=1): rows are renormalized to norm <= 1 at lookup time
    e = jnp.take(W, idx, axis=0)
    n = jnp.linalg.norm(e, axis=-1, keepdims=True)
    scale = jnp.minimum(1.0, 1.0 / jnp.maximum(n, 1e-12))
    return e * scale


def reference(edge_attr, W0, W1, W2):
    bond_embedding = _lookup_maxnorm(W0, edge_attr[:, 0])
    bond_embedding = bond_embedding + _lookup_maxnorm(W1, edge_attr[:, 1])
    bond_embedding = bond_embedding + _lookup_maxnorm(W2, edge_attr[:, 2])
    return bond_embedding

if __name__ == "__main__":
    import jax
    _d = setup_inputs()
    print(jax.jit(kernel)(*tuple(_d.values())))

</pallas_src>

<mosaic_0001>
#map = affine_map<(d0, d1) -> (0, 0)>
#map1 = affine_map<(d0, d1) -> (0)>
module attributes {stable_mosaic.version = 14 : i64} {
  func.func @_sc_body(%arg0: i32, %arg1: i32, %arg2: memref<3x1600000xi32, #tpu.memory_space<hbm>>, %arg3: memref<1980xf32, #tpu.memory_space<hbm>>, %arg4: memref<32x1600000xf32, #tpu.memory_space<hbm>>, %arg5: memref<1980xf32, #tpu.memory_space<vmem>>, %arg6: memref<3x1280xi32, #tpu.memory_space<vmem>>, %arg7: memref<3x1280xi32, #tpu.memory_space<vmem>>, %arg8: memref<32x1280xf32, #tpu.memory_space<vmem>>, %arg9: memref<32x1280xf32, #tpu.memory_space<vmem>>, %arg10: memref<!tpu.dma_semaphore, #tpu.memory_space<semaphore_mem>>, %arg11: memref<!tpu.dma_semaphore, #tpu.memory_space<semaphore_mem>>, %arg12: memref<!tpu.dma_semaphore, #tpu.memory_space<semaphore_mem>>, %arg13: memref<!tpu.dma_semaphore, #tpu.memory_space<semaphore_mem>>) attributes {dimension_semantics = [#tpu.dimension_semantics<core_parallel>, #tpu.dimension_semantics<subcore_parallel>], iteration_bounds = array<i64: 2, 16>, scalar_prefetch = 0 : i64, scratch_operands = 9 : i64, tpu.core_type = #tpu.core_type<sc_vector_subcore>, window_params = [{transform_indices = #map}, {transform_indices = #map1}, {transform_indices = #map}]} {
    %mul3A = arith.constant 2 : i32
    %mul3A_0 = arith.muli %arg1, %mul3A : i32
    %add3A = arith.addi %mul3A_0, %arg0 : i32
    "tpu.region"() ({
      %run_scoped3A = tpu.sem_alloc : memref<!tpu.dma_semaphore, #tpu.memory_space<semaphore_mem>>
      tpu.enqueue_dma source(%arg3 : memref<1980xf32, #tpu.memory_space<hbm>>) target(%arg5 : memref<1980xf32, #tpu.memory_space<vmem>>) target_semaphore(%run_scoped3A : memref<!tpu.dma_semaphore, #tpu.memory_space<semaphore_mem>>)
      tpu.wait_dma2 semaphore(%run_scoped3A : memref<!tpu.dma_semaphore, #tpu.memory_space<semaphore_mem>>) src(%arg3 : memref<1980xf32, #tpu.memory_space<hbm>>) dst(%arg5 : memref<1980xf32, #tpu.memory_space<vmem>>)
      tpu.yield
    }) : () -> ()
    %mul3A_1 = arith.constant 2 : i32
    %mul3A_2 = arith.muli %add3A, %mul3A_1 : i32
    %mul3A_3 = arith.constant 1280 : i32
    %mul3A_4 = arith.muli %mul3A_2, %mul3A_3 : i32
    "tpu.region"() ({
      %run_scoped3A = tpu.sem_alloc : memref<!tpu.dma_semaphore, #tpu.memory_space<semaphore_mem>>
      %dma_start3A_56 = arith.constant 0 : i32
      %dma_start3A_57 = tpu.memref_slice %arg2[%dma_start3A_56, %mul3A_4] : memref<3x1600000xi32, #tpu.memory_space<hbm>> -> memref<3x1280xi32, #tpu.memory_space<hbm>>
      %dma_start3A_58 = arith.constant 0 : i32
      %dma_start3A_59 = tpu.memref_slice %arg2[%dma_start3A_58, %mul3A_4] : memref<3x1600000xi32, #tpu.memory_space<hbm>> -> memref<3x1280xi32, #tpu.memory_space<hbm>>
      tpu.enqueue_dma source(%dma_start3A_59 : memref<3x1280xi32, #tpu.memory_space<hbm>>) target(%arg6 : memref<3x1280xi32, #tpu.memory_space<vmem>>) target_semaphore(%run_scoped3A : memref<!tpu.dma_semaphore, #tpu.memory_space<semaphore_mem>>)
      %dma_wait3A_60 = arith.constant 0 : i32
      %dma_wait3A_61 = tpu.memref_slice %arg2[%dma_wait3A_60, %mul3A_4] : memref<3x1600000xi32, #tpu.memory_space<hbm>> -> memref<3x1280xi32, #tpu.memory_space<hbm>>
      %dma_wait3A_62 = arith.constant 0 : i32
      %dma_wait3A_63 = tpu.memref_slice %arg2[%dma_wait3A_62, %mul3A_4] : memref<3x1600000xi32, #tpu.memory_space<hbm>> -> memref<3x1280xi32, #tpu.memory_space<hbm>>
      tpu.wait_dma2 semaphore(%run_scoped3A : memref<!tpu.dma_semaphore, #tpu.memory_space<semaphore_mem>>) src(%dma_wait3A_63 : memref<3x1280xi32, #tpu.memory_space<hbm>>) dst(%arg6 : memref<3x1280xi32, #tpu.memory_space<vmem>>)
      tpu.yield
    }) : () -> ()
    %parallel_loop3A = arith.constant 0 : i32
    %parallel_loop3A_5 = arith.constant 1280 : i32
    %parallel_loop3A_6 = arith.constant 16 : i32
    scf.for %parallel_loop3A_56 = %parallel_loop3A to %parallel_loop3A_5 step %parallel_loop3A_6  : i32 {
      %parallel_loop3A_57 = arith.constant 0 : i32
      %parallel_loop3A_58 = arith.index_cast %parallel_loop3A_57 : i32 to index
      %parallel_loop3A_59 = arith.index_cast %parallel_loop3A_56 : i32 to index
      %parallel_loop3A_60 = tpu.vector_load %arg6[%parallel_loop3A_58, %parallel_loop3A_59] {strides = array<i32>} : memref<3x1280xi32, #tpu.memory_space<vmem>>, vector<16xi32>,
      %parallel_loop3A_61 = arith.constant 1 : i32
      %parallel_loop3A_62 = arith.index_cast %parallel_loop3A_61 : i32 to index
      %parallel_loop3A_63 = arith.index_cast %parallel_loop3A_56 : i32 to index
      %parallel_loop3A_64 = tpu.vector_load %arg6[%parallel_loop3A_62, %parallel_loop3A_63] {strides = array<i32>} : memref<3x1280xi32, #tpu.memory_space<vmem>>, vector<16xi32>,
      %parallel_loop3A_65 = arith.constant 2 : i32
      %parallel_loop3A_66 = arith.index_cast %parallel_loop3A_65 : i32 to index
      %parallel_loop3A_67 = arith.index_cast %parallel_loop3A_56 : i32 to index
      %parallel_loop3A_68 = tpu.vector_load %arg6[%parallel_loop3A_66, %parallel_loop3A_67] {strides = array<i32>} : memref<3x1280xi32, #tpu.memory_space<vmem>>, vector<16xi32>,
      %parallel_loop3A_69 = arith.constant 396 : i32
      %parallel_loop3A_70 = vector.broadcast %parallel_loop3A_69 : i32 to vector<16xi32>
      %parallel_loop3A_71 = arith.muli %parallel_loop3A_60, %parallel_loop3A_70 : vector<16xi32>
      %parallel_loop3A_72 = arith.constant 66 : i32
      %parallel_loop3A_73 = vector.broadcast %parallel_loop3A_72 : i32 to vector<16xi32>
      %parallel_loop3A_74 = arith.muli %parallel_loop3A_64, %parallel_loop3A_73 : vector<16xi32>
      %parallel_loop3A_75 = arith.addi %parallel_loop3A_71, %parallel_loop3A_74 : vector<16xi32>
      %parallel_loop3A_76 = arith.constant 33 : i32
      %parallel_loop3A_77 = vector.broadcast %parallel_loop3A_76 : i32 to vector<16xi32>
      %parallel_loop3A_78 = arith.muli %parallel_loop3A_68, %parallel_loop3A_77 : vector<16xi32>
      %parallel_loop3A_79 = arith.addi %parallel_loop3A_75, %parallel_loop3A_78 : vector<16xi32>
      %parallel_loop3A_80 = arith.constant 0 : i32
      %parallel_loop3A_81 = vector.broadcast %parallel_loop3A_80 : i32 to vector<16xi32>
      %parallel_loop3A_82 = arith.addi %parallel_loop3A_79, %parallel_loop3A_81 : vector<16xi32>
      %parallel_loop3A_83 = tpu.vector_load_idx %arg5[%parallel_loop3A_82] : memref<1980xf32, #tpu.memory_space<vmem>>[vector<16xi32>], vector<16xf32>,
      %parallel_loop3A_84 = arith.constant 1 : i32
      %parallel_loop3A_85 = vector.broadcast %parallel_loop3A_84 : i32 to vector<16xi32>
      %parallel_loop3A_86 = arith.addi %parallel_loop3A_79, %parallel_loop3A_85 : vector<16xi32>
      %parallel_loop3A_87 = tpu.vector_load_idx %arg5[%parallel_loop3A_86] : memref<1980xf32, #tpu.memory_space<vmem>>[vector<16xi32>], vector<16xf32>,
      %parallel_loop3A_88 = arith.constant 2 : i32
      %parallel_loop3A_89 = vector.broadcast %parallel_loop3A_88 : i32 to vector<16xi32>
      %parallel_loop3A_90 = arith.addi %parallel_loop3A_79, %parallel_loop3A_89 : vector<16xi32>
      %parallel_loop3A_91 = tpu.vector_load_idx %arg5[%parallel_loop3A_90] : memref<1980xf32, #tpu.memory_space<vmem>>[vector<16xi32>], vector<16xf32>,
      %parallel_loop3A_92 = arith.constant 3 : i32
      %parallel_loop3A_93 = vector.broadcast %parallel_loop3A_92 : i32 to vector<16xi32>
      %parallel_loop3A_94 = arith.addi %parallel_loop3A_79, %parallel_loop3A_93 : vector<16xi32>
      %parallel_loop3A_95 = tpu.vector_load_idx %arg5[%parallel_loop3A_94] : memref<1980xf32, #tpu.memory_space<vmem>>[vector<16xi32>], vector<16xf32>,
      %parallel_loop3A_96 = arith.constant 4 : i32
      %parallel_loop3A_97 = vector.broadcast %parallel_loop3A_96 : i32 to vector<16xi32>
      %parallel_loop3A_98 = arith.addi %parallel_loop3A_79, %parallel_loop3A_97 : vector<16xi32>
      %parallel_loop3A_99 = tpu.vector_load_idx %arg5[%parallel_loop3A_98] : memref<1980xf32, #tpu.memory_space<vmem>>[vector<16xi32>], vector<16xf32>,
      %parallel_loop3A_100 = arith.constant 5 : i32
      %parallel_loop3A_101 = vector.broadcast %parallel_loop3A_100 : i32 to vector<16xi32>
      %parallel_loop3A_102 = arith.addi %parallel_loop3A_79, %parallel_loop3A_101 : vector<16xi32>
      %parallel_loop3A_103 = tpu.vector_load_idx %arg5[%parallel_loop3A_102] : memref<1980xf32, #tpu.memory_space<vmem>>[vector<16xi32>], vector<16xf32>,
      %parallel_loop3A_104 = arith.constant 6 : i32
      %parallel_loop3A_105 = vector.broadcast %parallel_loop3A_104 : i32 to vector<16xi32>
      %parallel_loop3A_106 = arith.addi %parallel_loop3A_79, %parallel_loop3A_105 : vector<16xi32>
      %parallel_loop3A_107 = tpu.vector_load_idx %arg5[%parallel_loop3A_106] : memref<1980xf32, #tpu.memory_space<vmem>>[vector<16xi32>], vector<16xf32>,
      %parallel_loop3A_108 = arith.constant 7 : i32
      %parallel_loop3A_109 = vector.broadcast %parallel_loop3A_108 : i32 to vector<16xi32>
      %parallel_loop3A_110 = arith.addi %parallel_loop3A_79, %parallel_loop3A_109 : vector<16xi32>
      %parallel_loop3A_111 = tpu.vector_load_idx %arg5[%parallel_loop3A_110] : memref<1980xf32, #tpu.memory_space<vmem>>[vector<16xi32>], vector<16xf32>,
      %parallel_loop3A_112 = arith.constant 8 : i32
      %parallel_loop3A_113 = vector.broadcast %parallel_loop3A_112 : i32 to vector<16xi32>
      %parallel_loop3A_114 = arith.addi %parallel_loop3A_79, %parallel_loop3A_113 : vector<16xi32>
      %parallel_loop3A_115 = tpu.vector_load_idx %arg5[%parallel_loop3A_114] : memref<1980xf32, #tpu.memory_space<vmem>>[vector<16xi32>], vector<16xf32>,
      %parallel_loop3A_116 = arith.constant 9 : i32
      %parallel_loop3A_117 = vector.broadcast %parallel_loop3A_116 : i32 to vector<16xi32>
      %parallel_loop3A_118 = arith.addi %parallel_loop3A_79, %parallel_loop3A_117 : vector<16xi32>
      %parallel_loop3A_119 = tpu.vector_load_idx %arg5[%parallel_loop3A_118] : memref<1980xf32, #tpu.memory_space<vmem>>[vector<16xi32>], vector<16xf32>,
      %parallel_loop3A_120 = arith.constant 10 : i32
      %parallel_loop3A_121 = vector.broadcast %parallel_loop3A_120 : i32 to vector<16xi32>
      %parallel_loop3A_122 = arith.addi %parallel_loop3A_79, %parallel_loop3A_121 : vector<16xi32>
      %parallel_loop3A_123 = tpu.vector_load_idx %arg5[%parallel_loop3A_122] : memref<1980xf32, #tpu.memory_space<vmem>>[vector<16xi32>], vector<16xf32>,
      %parallel_loop3A_124 = arith.constant 11 : i32
      %parallel_loop3A_125 = vector.broadcast %parallel_loop3A_124 : i32 to vector<16xi32>
      %parallel_loop3A_126 = arith.addi %parallel_loop3A_79, %parallel_loop3A_125 : vector<16xi32>
      %parallel_loop3A_127 = tpu.vector_load_idx %arg5[%parallel_loop3A_126] : memref<1980xf32, #tpu.memory_space<vmem>>[vector<16xi32>], vector<16xf32>,
      %parallel_loop3A_128 = arith.constant 12 : i32
      %parallel_loop3A_129 = vector.broadcast %parallel_loop3A_128 : i32 to vector<16xi32>
      %parallel_loop3A_130 = arith.addi %parallel_loop3A_79, %parallel_loop3A_129 : vector<16xi32>
      %parallel_loop3A_131 = tpu.vector_load_idx %arg5[%parallel_loop3A_130] : memref<1980xf32, #tpu.memory_space<vmem>>[vector<16xi32>], vector<16xf32>,
      %parallel_loop3A_132 = arith.constant 13 : i32
      %parallel_loop3A_133 = vector.broadcast %parallel_loop3A_132 : i32 to vector<16xi32>
      %parallel_loop3A_134 = arith.addi %parallel_loop3A_79, %parallel_loop3A_133 : vector<16xi32>
      %parallel_loop3A_135 = tpu.vector_load_idx %arg5[%parallel_loop3A_134] : memref<1980xf32, #tpu.memory_space<vmem>>[vector<16xi32>], vector<16xf32>,
      %parallel_loop3A_136 = arith.constant 14 : i32
      %parallel_loop3A_137 = vector.broadcast %parallel_loop3A_136 : i32 to vector<16xi32>
      %parallel_loop3A_138 = arith.addi %parallel_loop3A_79, %parallel_loop3A_137 : vector<16xi32>
      %parallel_loop3A_139 = tpu.vector_load_idx %arg5[%parallel_loop3A_138] : memref<1980xf32, #tpu.memory_space<vmem>>[vector<16xi32>], vector<16xf32>,
      %parallel_loop3A_140 = arith.constant 15 : i32
      %parallel_loop3A_141 = vector.broadcast %parallel_loop3A_140 : i32 to vector<16xi32>
      %parallel_loop3A_142 = arith.addi %parallel_loop3A_79, %parallel_loop3A_141 : vector<16xi32>
      %parallel_loop3A_143 = tpu.vector_load_idx %arg5[%parallel_loop3A_142] : memref<1980xf32, #tpu.memory_space<vmem>>[vector<16xi32>], vector<16xf32>,
      %parallel_loop3A_144 = arith.constant 16 : i32
      %parallel_loop3A_145 = vector.broadcast %parallel_loop3A_144 : i32 to vector<16xi32>
      %parallel_loop3A_146 = arith.addi %parallel_loop3A_79, %parallel_loop3A_145 : vector<16xi32>
      %parallel_loop3A_147 = tpu.vector_load_idx %arg5[%parallel_loop3A_146] : memref<1980xf32, #tpu.memory_space<vmem>>[vector<16xi32>], vector<16xf32>,
      %parallel_loop3A_148 = arith.constant 17 : i32
      %parallel_loop3A_149 = vector.broadcast %parallel_loop3A_148 : i32 to vector<16xi32>
      %parallel_loop3A_150 = arith.addi %parallel_loop3A_79, %parallel_loop3A_149 : vector<16xi32>
      %parallel_loop3A_151 = tpu.vector_load_idx %arg5[%parallel_loop3A_150] : memref<1980xf32, #tpu.memory_space<vmem>>[vector<16xi32>], vector<16xf32>,
      %parallel_loop3A_152 = arith.constant 18 : i32
      %parallel_loop3A_153 = vector.broadcast %parallel_loop3A_152 : i32 to vector<16xi32>
      %parallel_loop3A_154 = arith.addi %parallel_loop3A_79, %parallel_loop3A_153 : vector<16xi32>
      %parallel_loop3A_155 = tpu.vector_load_idx %arg5[%parallel_loop3A_154] : memref<1980xf32, #tpu.memory_space<vmem>>[vector<16xi32>], vector<16xf32>,
      %parallel_loop3A_156 = arith.constant 19 : i32
      %parallel_loop3A_157 = vector.broadcast %parallel_loop3A_156 : i32 to vector<16xi32>
      %parallel_loop3A_158 = arith.addi %parallel_loop3A_79, %parallel_loop3A_157 : vector<16xi32>
      %parallel_loop3A_159 = tpu.vector_load_idx %arg5[%parallel_loop3A_158] : memref<1980xf32, #tpu.memory_space<vmem>>[vector<16xi32>], vector<16xf32>,
      %parallel_loop3A_160 = arith.constant 20 : i32
      %parallel_loop3A_161 = vector.broadcast %parallel_loop3A_160 : i32 to vector<16xi32>
      %parallel_loop3A_162 = arith.addi %parallel_loop3A_79, %parallel_loop3A_161 : vector<16xi32>
      %parallel_loop3A_163 = tpu.vector_load_idx %arg5[%parallel_loop3A_162] : memref<1980xf32, #tpu.memory_space<vmem>>[vector<16xi32>], vector<16xf32>,
      %parallel_loop3A_164 = arith.constant 21 : i32
      %parallel_loop3A_165 = vector.broadcast %parallel_loop3A_164 : i32 to vector<16xi32>
      %parallel_loop3A_166 = arith.addi %parallel_loop3A_79, %parallel_loop3A_165 : vector<16xi32>
      %parallel_loop3A_167 = tpu.vector_load_idx %arg5[%parallel_loop3A_166] : memref<1980xf32, #tpu.memory_space<vmem>>[vector<16xi32>], vector<16xf32>,
      %parallel_loop3A_168 = arith.constant 22 : i32
      %parallel_loop3A_169 = vector.broadcast %parallel_loop3A_168 : i32 to vector<16xi32>
      %parallel_loop3A_170 = arith.addi %parallel_loop3A_79, %parallel_loop3A_169 : vector<16xi32>
      %parallel_loop3A_171 = tpu.vector_load_idx %arg5[%parallel_loop3A_170] : memref<1980xf32, #tpu.memory_space<vmem>>[vector<16xi32>], vector<16xf32>,
      %parallel_loop3A_172 = arith.constant 23 : i32
      %parallel_loop3A_173 = vector.broadcast %parallel_loop3A_172 : i32 to vector<16xi32>
      %parallel_loop3A_174 = arith.addi %parallel_loop3A_79, %parallel_loop3A_173 : vector<16xi32>
      %parallel_loop3A_175 = tpu.vector_load_idx %arg5[%parallel_loop3A_174] : memref<1980xf32, #tpu.memory_space<vmem>>[vector<16xi32>], vector<16xf32>,
      %parallel_loop3A_176 = arith.constant 24 : i32
      %parallel_loop3A_177 = vector.broadcast %parallel_loop3A_176 : i32 to vector<16xi32>
      %parallel_loop3A_178 = arith.addi %parallel_loop3A_79, %parallel_loop3A_177 : vector<16xi32>
      %parallel_loop3A_179 = tpu.vector_load_idx %arg5[%parallel_loop3A_178] : memref<1980xf32, #tpu.memory_space<vmem>>[vector<16xi32>], vector<16xf32>,
      %parallel_loop3A_180 = arith.constant 25 : i32
      %parallel_loop3A_181 = vector.broadcast %parallel_loop3A_180 : i32 to vector<16xi32>
      %parallel_loop3A_182 = arith.addi %parallel_loop3A_79, %parallel_loop3A_181 : vector<16xi32>
      %parallel_loop3A_183 = tpu.vector_load_idx %arg5[%parallel_loop3A_182] : memref<1980xf32, #tpu.memory_space<vmem>>[vector<16xi32>], vector<16xf32>,
      %parallel_loop3A_184 = arith.constant 26 : i32
      %parallel_loop3A_185 = vector.broadcast %parallel_loop3A_184 : i32 to vector<16xi32>
      %parallel_loop3A_186 = arith.addi %parallel_loop3A_79, %parallel_loop3A_185 : vector<16xi32>
      %parallel_loop3A_187 = tpu.vector_load_idx %arg5[%parallel_loop3A_186] : memref<1980xf32, #tpu.memory_space<vmem>>[vector<16xi32>], vector<16xf32>,
      %parallel_loop3A_188 = arith.constant 27 : i32
      %parallel_loop3A_189 = vector.broadcast %parallel_loop3A_188 : i32 to vector<16xi32>
      %parallel_loop3A_190 = arith.addi %parallel_loop3A_79, %parallel_loop3A_189 : vector<16xi32>
      %parallel_loop3A_191 = tpu.vector_load_idx %arg5[%parallel_loop3A_190] : memref<1980xf32, #tpu.memory_space<vmem>>[vector<16xi32>], vector<16xf32>,
      %parallel_loop3A_192 = arith.constant 28 : i32
      %parallel_loop3A_193 = vector.broadcast %parallel_loop3A_192 : i32 to vector<16xi32>
      %parallel_loop3A_194 = arith.addi %parallel_loop3A_79, %parallel_loop3A_193 : vector<16xi32>
      %parallel_loop3A_195 = tpu.vector_load_idx %arg5[%parallel_loop3A_194] : memref<1980xf32, #tpu.memory_space<vmem>>[vector<16xi32>], vector<16xf32>,
      %parallel_loop3A_196 = arith.constant 29 : i32
      %parallel_loop3A_197 = vector.broadcast %parallel_loop3A_196 : i32 to vector<16xi32>
      %parallel_loop3A_198 = arith.addi %parallel_loop3A_79, %parallel_loop3A_197 : vector<16xi32>
      %parallel_loop3A_199 = tpu.vector_load_idx %arg5[%parallel_loop3A_198] : memref<1980xf32, #tpu.memory_space<vmem>>[vector<16xi32>], vector<16xf32>,
      %parallel_loop3A_200 = arith.constant 30 : i32
      %parallel_loop3A_201 = vector.broadcast %parallel_loop3A_200 : i32 to vector<16xi32>
      %parallel_loop3A_202 = arith.addi %parallel_loop3A_79, %parallel_loop3A_201 : vector<16xi32>
      %parallel_loop3A_203 = tpu.vector_load_idx %arg5[%parallel_loop3A_202] : memref<1980xf32, #tpu.memory_space<vmem>>[vector<16xi32>], vector<16xf32>,
      %parallel_loop3A_204 = arith.constant 31 : i32
      %parallel_loop3A_205 = vector.broadcast %parallel_loop3A_204 : i32 to vector<16xi32>
      %parallel_loop3A_206 = arith.addi %parallel_loop3A_79, %parallel_loop3A_205 : vector<16xi32>
      %parallel_loop3A_207 = tpu.vector_load_idx %arg5[%parallel_loop3A_206] : memref<1980xf32, #tpu.memory_space<vmem>>[vector<16xi32>], vector<16xf32>,
      %parallel_loop3A_208 = arith.constant 0 : i32
      %parallel_loop3A_209 = arith.index_cast %parallel_loop3A_208 : i32 to index
      %parallel_loop3A_210 = arith.index_cast %parallel_loop3A_56 : i32 to index
      %parallel_loop3A_211 = tpu.vector_load %arg8[%parallel_loop3A_209, %parallel_loop3A_210] {strides = array<i32>} : memref<32x1280xf32, #tpu.memory_space<vmem>>, vector<16xf32>,
      tpu.vector_store %arg8[%parallel_loop3A_209, %parallel_loop3A_210], %parallel_loop3A_83 {strides = array<i32>} : memref<32x1280xf32, #tpu.memory_space<vmem>>, vector<16xf32>,
      %parallel_loop3A_212 = arith.constant 1 : i32
      %parallel_loop3A_213 = arith.index_cast %parallel_loop3A_212 : i32 to index
      %parallel_loop3A_214 = arith.index_cast %parallel_loop3A_56 : i32 to index
      %parallel_loop3A_215 = tpu.vector_load %arg8[%parallel_loop3A_213, %parallel_loop3A_214] {strides = array<i32>} : memref<32x1280xf32, #tpu.memory_space<vmem>>, vector<16xf32>,
      tpu.vector_store %arg8[%parallel_loop3A_213, %parallel_loop3A_214], %parallel_loop3A_87 {strides = array<i32>} : memref<32x1280xf32, #tpu.memory_space<vmem>>, vector<16xf32>,
      %parallel_loop3A_216 = arith.constant 2 : i32
      %parallel_loop3A_217 = arith.index_cast %parallel_loop3A_216 : i32 to index
      %parallel_loop3A_218 = arith.index_cast %parallel_loop3A_56 : i32 to index
      %parallel_loop3A_219 = tpu.vector_load %arg8[%parallel_loop3A_217, %parallel_loop3A_218] {strides = array<i32>} : memref<32x1280xf32, #tpu.memory_space<vmem>>, vector<16xf32>,
      tpu.vector_store %arg8[%parallel_loop3A_217, %parallel_loop3A_218], %parallel_loop3A_91 {strides = array<i32>} : memref<32x1280xf32, #tpu.memory_space<vmem>>, vector<16xf32>,
      %parallel_loop3A_220 = arith.constant 3 : i32
      %parallel_loop3A_221 = arith.index_cast %parallel_loop3A_220 : i32 to index
      %parallel_loop3A_222 = arith.index_cast %parallel_loop3A_56 : i32 to index
      %parallel_loop3A_223 = tpu.vector_load %arg8[%parallel_loop3A_221, %parallel_loop3A_222] {strides = array<i32>} : memref<32x1280xf32, #tpu.memory_space<vmem>>, vector<16xf32>,
      tpu.vector_store %arg8[%parallel_loop3A_221, %parallel_loop3A_222], %parallel_loop3A_95 {strides = array<i32>} : memref<32x1280xf32, #tpu.memory_space<vmem>>, vector<16xf32>,
      %parallel_loop3A_224 = arith.constant 4 : i32
      %parallel_loop3A_225 = arith.index_cast %parallel_loop3A_224 : i32 to index
      %parallel_loop3A_226 = arith.index_cast %parallel_loop3A_56 : i32 to index
      %parallel_loop3A_227 = tpu.vector_load %arg8[%parallel_loop3A_225, %parallel_loop3A_226] {strides = array<i32>} : memref<32x1280xf32, #tpu.memory_space<vmem>>, vector<16xf32>,
      tpu.vector_store %arg8[%parallel_loop3A_225, %parallel_loop3A_226], %parallel_loop3A_99 {strides = array<i32>} : memref<32x1280xf32, #tpu.memory_space<vmem>>, vector<16xf32>,
      %parallel_loop3A_228 = arith.constant 5 : i32
      %parallel_loop3A_229 = arith.index_cast %parallel_loop3A_228 : i32 to index
      %parallel_loop3A_230 = arith.index_cast %parallel_loop3A_56 : i32 to index
      %parallel_loop3A_231 = tpu.vector_load %arg8[%parallel_loop3A_229, %parallel_loop3A_230] {strides = array<i32>} : memref<32x1280xf32, #tpu.memory_space<vmem>>, vector<16xf32>,
      tpu.vector_store %arg8[%parallel_loop3A_229, %parallel_loop3A_230], %parallel_loop3A_103 {strides = array<i32>} : memref<32x1280xf32, #tpu.memory_space<vmem>>, vector<16xf32>,
      %parallel_loop3A_232 = arith.constant 6 : i32
      %parallel_loop3A_233 = arith.index_cast %parallel_loop3A_232 : i32 to index
      %parallel_loop3A_234 = arith.index_cast %parallel_loop3A_56 : i32 to index
      %parallel_loop3A_235 = tpu.vector_load %arg8[%parallel_loop3A_233, %parallel_loop3A_234] {strides = array<i32>} : memref<32x1280xf32, #tpu.memory_space<vmem>>, vector<16xf32>,
      tpu.vector_store %arg8[%parallel_loop3A_233, %parallel_loop3A_234], %parallel_loop3A_107 {strides = array<i32>} : memref<32x1280xf32, #tpu.memory_space<vmem>>, vector<16xf32>,
      %parallel_loop3A_236 = arith.constant 7 : i32
      %parallel_loop3A_237 = arith.index_cast %parallel_loop3A_236 : i32 to index
      %parallel_loop3A_238 = arith.index_cast %parallel_loop3A_56 : i32 to index
      %parallel_loop3A_239 = tpu.vector_load %arg8[%parallel_loop3A_237, %parallel_loop3A_238] {strides = array<i32>} : memref<32x1280xf32, #tpu.memory_space<vmem>>, vector<16xf32>,
      tpu.vector_store %arg8[%parallel_loop3A_237, %parallel_loop3A_238], %parallel_loop3A_111 {strides = array<i32>} : memref<32x1280xf32, #tpu.memory_space<vmem>>, vector<16xf32>,
      %parallel_loop3A_240 = arith.constant 8 : i32
      %parallel_loop3A_241 = arith.index_cast %parallel_loop3A_240 : i32 to index
      %parallel_loop3A_242 = arith.index_cast %parallel_loop3A_56 : i32 to index
      %parallel_loop3A_243 = tpu.vector_load %arg8[%parallel_loop3A_241, %parallel_loop3A_242] {strides = array<i32>} : memref<32x1280xf32, #tpu.memory_space<vmem>>, vector<16xf32>,
      tpu.vector_store %arg8[%parallel_loop3A_241, %parallel_loop3A_242], %parallel_loop3A_115 {strides = array<i32>} : memref<32x1280xf32, #tpu.memory_space<vmem>>, vector<16xf32>,
      %parallel_loop3A_244 = arith.constant 9 : i32
      %parallel_loop3A_245 = arith.index_cast %parallel_loop3A_244 : i32 to index
      %parallel_loop3A_246 = arith.index_cast %parallel_loop3A_56 : i32 to index
      %parallel_loop3A_247 = tpu.vector_load %arg8[%parallel_loop3A_245, %parallel_loop3A_246] {strides = array<i32>} : memref<32x1280xf32, #tpu.memory_space<vmem>>, vector<16xf32>,
      tpu.vector_store %arg8[%parallel_loop3A_245, %parallel_loop3A_246], %parallel_loop3A_119 {strides = array<i32>} : memref<32x1280xf32, #tpu.memory_space<vmem>>, vector<16xf32>,
      %parallel_loop3A_248 = arith.constant 10 : i32
      %parallel_loop3A_249 = arith.index_cast %parallel_loop3A_248 : i32 to index
      %parallel_loop3A_250 = arith.index_cast %parallel_loop3A_56 : i32 to index
      %parallel_loop3A_251 = tpu.vector_load %arg8[%parallel_loop3A_249, %parallel_loop3A_250] {strides = array<i32>} : memref<32x1280xf32, #tpu.memory_space<vmem>>, vector<16xf32>,
      tpu.vector_store %arg8[%parallel_loop3A_249, %parallel_loop3A_250], %parallel_loop3A_123 {strides = array<i32>} : memref<32x1280xf32, #tpu.memory_space<vmem>>, vector<16xf32>,
      %parallel_loop3A_252 = arith.constant 11 : i32
      %parallel_loop3A_253 = arith.index_cast %parallel_loop3A_252 : i32 to index
      %parallel_loop3A_254 = arith.index_cast %parallel_loop3A_56 : i32 to index
      %parallel_loop3A_255 = tpu.vector_load %arg8[%parallel_loop3A_253, %parallel_loop3A_254] {strides = array<i32>} : memref<32x1280xf32, #tpu.memory_space<vmem>>, vector<16xf32>,
      tpu.vector_store %arg8[%parallel_loop3A_253, %parallel_loop3A_254], %parallel_loop3A_127 {strides = array<i32>} : memref<32x1280xf32, #tpu.memory_space<vmem>>, vector<16xf32>,
      %parallel_loop3A_256 = arith.constant 12 : i32
      %parallel_loop3A_257 = arith.index_cast %parallel_loop3A_256 : i32 to index
      %parallel_loop3A_258 = arith.index_cast %parallel_loop3A_56 : i32 to index
      %parallel_loop3A_259 = tpu.vector_load %arg8[%parallel_loop3A_257, %parallel_loop3A_258] {strides = array<i32>} : memref<32x1280xf32, #tpu.memory_space<vmem>>, vector<16xf32>,
      tpu.vector_store %arg8[%parallel_loop3A_257, %parallel_loop3A_258], %parallel_loop3A_131 {strides = array<i32>} : memref<32x1280xf32, #tpu.memory_space<vmem>>, vector<16xf32>,
      %parallel_loop3A_260 = arith.constant 13 : i32
      %parallel_loop3A_261 = arith.index_cast %parallel_loop3A_260 : i32 to index
      %parallel_loop3A_262 = arith.index_cast %parallel_loop3A_56 : i32 to index
      %parallel_loop3A_263 = tpu.vector_load %arg8[%parallel_loop3A_261, %parallel_loop3A_262] {strides = array<i32>} : memref<32x1280xf32, #tpu.memory_space<vmem>>, vector<16xf32>,
      tpu.vector_store %arg8[%parallel_loop3A_261, %parallel_loop3A_262], %parallel_loop3A_135 {strides = array<i32>} : memref<32x1280xf32, #tpu.memory_space<vmem>>, vector<16xf32>,
      %parallel_loop3A_264 = arith.constant 14 : i32
      %parallel_loop3A_265 = arith.index_cast %parallel_loop3A_264 : i32 to index
      %parallel_loop3A_266 = arith.index_cast %parallel_loop3A_56 : i32 to index
      %parallel_loop3A_267 = tpu.vector_load %arg8[%parallel_loop3A_265, %parallel_loop3A_266] {strides = array<i32>} : memref<32x1280xf32, #tpu.memory_space<vmem>>, vector<16xf32>,
      tpu.vector_store %arg8[%parallel_loop3A_265, %parallel_loop3A_266], %parallel_loop3A_139 {strides = array<i32>} : memref<32x1280xf32, #tpu.memory_space<vmem>>, vector<16xf32>,
      %parallel_loop3A_268 = arith.constant 15 : i32
      %parallel_loop3A_269 = arith.index_cast %parallel_loop3A_268 : i32 to index
      %parallel_loop3A_270 = arith.index_cast %parallel_loop3A_56 : i32 to index
      %parallel_loop3A_271 = tpu.vector_load %arg8[%parallel_loop3A_269, %parallel_loop3A_270] {strides = array<i32>} : memref<32x1280xf32, #tpu.memory_space<vmem>>, vector<16xf32>,
      tpu.vector_store %arg8[%parallel_loop3A_269, %parallel_loop3A_270], %parallel_loop3A_143 {strides = array<i32>} : memref<32x1280xf32, #tpu.memory_space<vmem>>, vector<16xf32>,
      %parallel_loop3A_272 = arith.constant 16 : i32
      %parallel_loop3A_273 = arith.index_cast %parallel_loop3A_272 : i32 to index
      %parallel_loop3A_274 = arith.index_cast %parallel_loop3A_56 : i32 to index
      %parallel_loop3A_275 = tpu.vector_load %arg8[%parallel_loop3A_273, %parallel_loop3A_274] {strides = array<i32>} : memref<32x1280xf32, #tpu.memory_space<vmem>>, vector<16xf32>,
      tpu.vector_store %arg8[%parallel_loop3A_273, %parallel_loop3A_274], %parallel_loop3A_147 {strides = array<i32>} : memref<32x1280xf32, #tpu.memory_space<vmem>>, vector<16xf32>,
      %parallel_loop3A_276 = arith.constant 17 : i32
      %parallel_loop3A_277 = arith.index_cast %parallel_loop3A_276 : i32 to index
      %parallel_loop3A_278 = arith.index_cast %parallel_loop3A_56 : i32 to index
      %parallel_loop3A_279 = tpu.vector_load %arg8[%parallel_loop3A_277, %parallel_loop3A_278] {strides = array<i32>} : memref<32x1280xf32, #tpu.memory_space<vmem>>, vector<16xf32>,
      tpu.vector_store %arg8[%parallel_loop3A_277, %parallel_loop3A_278], %parallel_loop3A_151 {strides = array<i32>} : memref<32x1280xf32, #tpu.memory_space<vmem>>, vector<16xf32>,
      %parallel_loop3A_280 = arith.constant 18 : i32
      %parallel_loop3A_281 = arith.index_cast %parallel_loop3A_280 : i32 to index
      %parallel_loop3A_282 = arith.index_cast %parallel_loop3A_56 : i32 to index
      %parallel_loop3A_283 = tpu.vector_load %arg8[%parallel_loop3A_281, %parallel_loop3A_282] {strides = array<i32>} : memref<32x1280xf32, #tpu.memory_space<vmem>>, vector<16xf32>,
      tpu.vector_store %arg8[%parallel_loop3A_281, %parallel_loop3A_282], %parallel_loop3A_155 {strides = array<i32>} : memref<32x1280xf32, #tpu.memory_space<vmem>>, vector<16xf32>,
      %parallel_loop3A_284 = arith.constant 19 : i32
      %parallel_loop3A_285 = arith.index_cast %parallel_loop3A_284 : i32 to index
      %parallel_loop3A_286 = arith.index_cast %parallel_loop3A_56 : i32 to index
      %parallel_loop3A_287 = tpu.vector_load %arg8[%parallel_loop3A_285, %parallel_loop3A_286] {strides = array<i32>} : memref<32x1280xf32, #tpu.memory_space<vmem>>, vector<16xf32>,
      tpu.vector_store %arg8[%parallel_loop3A_285, %parallel_loop3A_286], %parallel_loop3A_159 {strides = array<i32>} : memref<32x1280xf32, #tpu.memory_space<vmem>>, vector<16xf32>,
      %parallel_loop3A_288 = arith.constant 20 : i32
      %parallel_loop3A_289 = arith.index_cast %parallel_loop3A_288 : i32 to index
      %parallel_loop3A_290 = arith.index_cast %parallel_loop3A_56 : i32 to index
      %parallel_loop3A_291 = tpu.vector_load %arg8[%parallel_loop3A_289, %parallel_loop3A_290] {strides = array<i32>} : memref<32x1280xf32, #tpu.memory_space<vmem>>, vector<16xf32>,
      tpu.vector_store %arg8[%parallel_loop3A_289, %parallel_loop3A_290], %parallel_loop3A_163 {strides = array<i32>} : memref<32x1280xf32, #tpu.memory_space<vmem>>, vector<16xf32>,
      %parallel_loop3A_292 = arith.constant 21 : i32
      %parallel_loop3A_293 = arith.index_cast %parallel_loop3A_292 : i32 to index
      %parallel_loop3A_294 = arith.index_cast %parallel_loop3A_56 : i32 to index
      %parallel_loop3A_295 = tpu.vector_load %arg8[%parallel_loop3A_293, %parallel_loop3A_294] {strides = array<i32>} : memref<32x1280xf32, #tpu.memory_space<vmem>>, vector<16xf32>,
      tpu.vector_store %arg8[%parallel_loop3A_293, %parallel_loop3A_294], %parallel_loop3A_167 {strides = array<i32>} : memref<32x1280xf32, #tpu.memory_space<vmem>>, vector<16xf32>,
      %parallel_loop3A_296 = arith.constant 22 : i32
      %parallel_loop3A_297 = arith.index_cast %parallel_loop3A_296 : i32 to index
      %parallel_loop3A_298 = arith.index_cast %parallel_loop3A_56 : i32 to index
      %parallel_loop3A_299 = tpu.vector_load %arg8[%parallel_loop3A_297, %parallel_loop3A_298] {strides = array<i32>} : memref<32x1280xf32, #tpu.memory_space<vmem>>, vector<16xf32>,
      tpu.vector_store %arg8[%parallel_loop3A_297, %parallel_loop3A_298], %parallel_loop3A_171 {strides = array<i32>} : memref<32x1280xf32, #tpu.memory_space<vmem>>, vector<16xf32>,
      %parallel_loop3A_300 = arith.constant 23 : i32
      %parallel_loop3A_301 = arith.index_cast %parallel_loop3A_300 : i32 to index
      %parallel_loop3A_302 = arith.index_cast %parallel_loop3A_56 : i32 to index
      %parallel_loop3A_303 = tpu.vector_load %arg8[%parallel_loop3A_301, %parallel_loop3A_302] {strides = array<i32>} : memref<32x1280xf32, #tpu.memory_space<vmem>>, vector<16xf32>,
      tpu.vector_store %arg8[%parallel_loop3A_301, %parallel_loop3A_302], %parallel_loop3A_175 {strides = array<i32>} : memref<32x1280xf32, #tpu.memory_space<vmem>>, vector<16xf32>,
      %parallel_loop3A_304 = arith.constant 24 : i32
      %parallel_loop3A_305 = arith.index_cast %parallel_loop3A_304 : i32 to index
      %parallel_loop3A_306 = arith.index_cast %parallel_loop3A_56 : i32 to index
      %parallel_loop3A_307 = tpu.vector_load %arg8[%parallel_loop3A_305, %parallel_loop3A_306] {strides = array<i32>} : memref<32x1280xf32, #tpu.memory_space<vmem>>, vector<16xf32>,
      tpu.vector_store %arg8[%parallel_loop3A_305, %parallel_loop3A_306], %parallel_loop3A_179 {strides = array<i32>} : memref<32x1280xf32, #tpu.memory_space<vmem>>, vector<16xf32>,
      %parallel_loop3A_308 = arith.constant 25 : i32
      %parallel_loop3A_309 = arith.index_cast %parallel_loop3A_308 : i32 to index
      %parallel_loop3A_310 = arith.index_cast %parallel_loop3A_56 : i32 to index
      %parallel_loop3A_311 = tpu.vector_load %arg8[%parallel_loop3A_309, %parallel_loop3A_310] {strides = array<i32>} : memref<32x1280xf32, #tpu.memory_space<vmem>>, vector<16xf32>,
      tpu.vector_store %arg8[%parallel_loop3A_309, %parallel_loop3A_310], %parallel_loop3A_183 {strides = array<i32>} : memref<32x1280xf32, #tpu.memory_space<vmem>>, vector<16xf32>,
      %parallel_loop3A_312 = arith.constant 26 : i32
      %parallel_loop3A_313 = arith.index_cast %parallel_loop3A_312 : i32 to index
      %parallel_loop3A_314 = arith.index_cast %parallel_loop3A_56 : i32 to index
      %parallel_loop3A_315 = tpu.vector_load %arg8[%parallel_loop3A_313, %parallel_loop3A_314] {strides = array<i32>} : memref<32x1280xf32, #tpu.memory_space<vmem>>, vector<16xf32>,
      tpu.vector_store %arg8[%parallel_loop3A_313, %parallel_loop3A_314], %parallel_loop3A_187 {strides = array<i32>} : memref<32x1280xf32, #tpu.memory_space<vmem>>, vector<16xf32>,
      %parallel_loop3A_316 = arith.constant 27 : i32
      %parallel_loop3A_317 = arith.index_cast %parallel_loop3A_316 : i32 to index
      %parallel_loop3A_318 = arith.index_cast %parallel_loop3A_56 : i32 to index
      %parallel_loop3A_319 = tpu.vector_load %arg8[%parallel_loop3A_317, %parallel_loop3A_318] {strides = array<i32>} : memref<32x1280xf32, #tpu.memory_space<vmem>>, vector<16xf32>,
      tpu.vector_store %arg8[%parallel_loop3A_317, %parallel_loop3A_318], %parallel_loop3A_191 {strides = array<i32>} : memref<32x1280xf32, #tpu.memory_space<vmem>>, vector<16xf32>,
      %parallel_loop3A_320 = arith.constant 28 : i32
      %parallel_loop3A_321 = arith.index_cast %parallel_loop3A_320 : i32 to index
      %parallel_loop3A_322 = arith.index_cast %parallel_loop3A_56 : i32 to index
      %parallel_loop3A_323 = tpu.vector_load %arg8[%parallel_loop3A_321, %parallel_loop3A_322] {strides = array<i32>} : memref<32x1280xf32, #tpu.memory_space<vmem>>, vector<16xf32>,
      tpu.vector_store %arg8[%parallel_loop3A_321, %parallel_loop3A_322], %parallel_loop3A_195 {strides = array<i32>} : memref<32x1280xf32, #tpu.memory_space<vmem>>, vector<16xf32>,
      %parallel_loop3A_324 = arith.constant 29 : i32
      %parallel_loop3A_325 = arith.index_cast %parallel_loop3A_324 : i32 to index
      %parallel_loop3A_326 = arith.index_cast %parallel_loop3A_56 : i32 to index
      %parallel_loop3A_327 = tpu.vector_load %arg8[%parallel_loop3A_325, %parallel_loop3A_326] {strides = array<i32>} : memref<32x1280xf32, #tpu.memory_space<vmem>>, vector<16xf32>,
      tpu.vector_store %arg8[%parallel_loop3A_325, %parallel_loop3A_326], %parallel_loop3A_199 {strides = array<i32>} : memref<32x1280xf32, #tpu.memory_space<vmem>>, vector<16xf32>,
      %parallel_loop3A_328 = arith.constant 30 : i32
      %parallel_loop3A_329 = arith.index_cast %parallel_loop3A_328 : i32 to index
      %parallel_loop3A_330 = arith.index_cast %parallel_loop3A_56 : i32 to index
      %parallel_loop3A_331 = tpu.vector_load %arg8[%parallel_loop3A_329, %parallel_loop3A_330] {strides = array<i32>} : memref<32x1280xf32, #tpu.memory_space<vmem>>, vector<16xf32>,
      tpu.vector_store %arg8[%parallel_loop3A_329, %parallel_loop3A_330], %parallel_loop3A_203 {strides = array<i32>} : memref<32x1280xf32, #tpu.memory_space<vmem>>, vector<16xf32>,
      %parallel_loop3A_332 = arith.constant 31 : i32
      %parallel_loop3A_333 = arith.index_cast %parallel_loop3A_332 : i32 to index
      %parallel_loop3A_334 = arith.index_cast %parallel_loop3A_56 : i32 to index
      %parallel_loop3A_335 = tpu.vector_load %arg8[%parallel_loop3A_333, %parallel_loop3A_334] {strides = array<i32>} : memref<32x1280xf32, #tpu.memory_space<vmem>>, vector<16xf32>,
      tpu.vector_store %arg8[%parallel_loop3A_333, %parallel_loop3A_334], %parallel_loop3A_207 {strides = array<i32>} : memref<32x1280xf32, #tpu.memory_space<vmem>>, vector<16xf32>,
    } {sc.loop_unroll_factor = 1 : i64, sc.parallel_access}
    %dma_start3A = arith.constant 0 : i32
    %dma_start3A_7 = tpu.memref_slice %arg4[%dma_start3A, %mul3A_4] : memref<32x1600000xf32, #tpu.memory_space<hbm>> -> memref<32x1280xf32, #tpu.memory_space<hbm>>
    %dma_start3A_8 = arith.constant 0 : i32
    %dma_start3A_9 = tpu.memref_slice %arg4[%dma_start3A_8, %mul3A_4] : memref<32x1600000xf32, #tpu.memory_space<hbm>> -> memref<32x1280xf32, #tpu.memory_space<hbm>>
    tpu.enqueue_dma source(%arg8 : memref<32x1280xf32, #tpu.memory_space<vmem>>) target(%dma_start3A_9 : memref<32x1280xf32, #tpu.memory_space<hbm>>) target_semaphore(%arg10 : memref<!tpu.dma_semaphore, #tpu.memory_space<semaphore_mem>>)
    %add3A_10 = arith.constant 64 : i32
    %add3A_11 = arith.addi %mul3A_2, %add3A_10 : i32
    %lt3A = arith.constant 1250 : i32
    %lt3A_12 = arith.cmpi slt, %add3A_11, %lt3A : i32
    %convert_element_type3A = arith.extui %lt3A_12 : i1 to i32
    %cond3A = arith.constant 0 : i32
    %cond3A_13 = arith.cmpi ne, %convert_element_type3A, %cond3A : i32
    scf.if %cond3A_13 {
      %mul3A_56 = arith.constant 1280 : i32
      %mul3A_57 = arith.muli %add3A_11, %mul3A_56 : i32
      %dma_start3A_58 = arith.constant 0 : i32
      %dma_start3A_59 = tpu.memref_slice %arg2[%dma_start3A_58, %mul3A_57] : memref<3x1600000xi32, #tpu.memory_space<hbm>> -> memref<3x1280xi32, #tpu.memory_space<hbm>>
      %dma_start3A_60 = arith.constant 0 : i32
      %dma_start3A_61 = tpu.memref_slice %arg2[%dma_start3A_60, %mul3A_57] : memref<3x1600000xi32, #tpu.memory_space<hbm>> -> memref<3x1280xi32, #tpu.memory_space<hbm>>
      tpu.enqueue_dma source(%dma_start3A_61 : memref<3x1280xi32, #tpu.memory_space<hbm>>) target(%arg6 : memref<3x1280xi32, #tpu.memory_space<vmem>>) target_semaphore(%arg12 : memref<!tpu.dma_semaphore, #tpu.memory_space<semaphore_mem>>)
    } else {
    }
    %mul3A_14 = arith.constant 2 : i32
    %mul3A_15 = arith.muli %add3A, %mul3A_14 : i32
    %add3A_16 = arith.constant 1 : i32
    %add3A_17 = arith.addi %mul3A_15, %add3A_16 : i32
    %mul3A_18 = arith.constant 1280 : i32
    %mul3A_19 = arith.muli %add3A_17, %mul3A_18 : i32
    "tpu.region"() ({
      %run_scoped3A = tpu.sem_alloc : memref<!tpu.dma_semaphore, #tpu.memory_space<semaphore_mem>>
      %dma_start3A_56 = arith.constant 0 : i32
      %dma_start3A_57 = tpu.memref_slice %arg2[%dma_start3A_56, %mul3A_19] : memref<3x1600000xi32, #tpu.memory_space<hbm>> -> memref<3x1280xi32, #tpu.memory_space<hbm>>
      %dma_start3A_58 = arith.constant 0 : i32
      %dma_start3A_59 = tpu.memref_slice %arg2[%dma_start3A_58, %mul3A_19] : memref<3x1600000xi32, #tpu.memory_space<hbm>> -> memref<3x1280xi32, #tpu.memory_space<hbm>>
      tpu.enqueue_dma source(%dma_start3A_59 : memref<3x1280xi32, #tpu.memory_space<hbm>>) target(%arg7 : memref<3x1280xi32, #tpu.memory_space<vmem>>) target_semaphore(%run_scoped3A : memref<!tpu.dma_semaphore, #tpu.memory_space<semaphore_mem>>)
      %dma_wait3A_60 = arith.constant 0 : i32
      %dma_wait3A_61 = tpu.memref_slice %arg2[%dma_wait3A_60, %mul3A_19] : memref<3x1600000xi32, #tpu.memory_space<hbm>> -> memref<3x1280xi32, #tpu.memory_space<hbm>>
      %dma_wait3A_62 = arith.constant 0 : i32
      %dma_wait3A_63 = tpu.memref_slice %arg2[%dma_wait3A_62, %mul3A_19] : memref<3x1600000xi32, #tpu.memory_space<hbm>> -> memref<3x1280xi32, #tpu.memory_space<hbm>>
      tpu.wait_dma2 semaphore(%run_scoped3A : memref<!tpu.dma_semaphore, #tpu.memory_space<semaphore_mem>>) src(%dma_wait3A_63 : memref<3x1280xi32, #tpu.memory_space<hbm>>) dst(%arg7 : memref<3x1280xi32, #tpu.memory_space<vmem>>)
      tpu.yield
    }) : () -> ()
    %parallel_loop3A_20 = arith.constant 0 : i32
    %parallel_loop3A_21 = arith.constant 1280 : i32
    %parallel_loop3A_22 = arith.constant 16 : i32
    scf.for %parallel_loop3A_56 = %parallel_loop3A_20 to %parallel_loop3A_21 step %parallel_loop3A_22  : i32 {
      %parallel_loop3A_57 = arith.constant 0 : i32
      %parallel_loop3A_58 = arith.index_cast %parallel_loop3A_57 : i32 to index
      %parallel_loop3A_59 = arith.index_cast %parallel_loop3A_56 : i32 to index
      %parallel_loop3A_60 = tpu.vector_load %arg7[%parallel_loop3A_58, %parallel_loop3A_59] {strides = array<i32>} : memref<3x1280xi32, #tpu.memory_space<vmem>>, vector<16xi32>,
      %parallel_loop3A_61 = arith.constant 1 : i32
      %parallel_loop3A_62 = arith.index_cast %parallel_loop3A_61 : i32 to index
      %parallel_loop3A_63 = arith.index_cast %parallel_loop3A_56 : i32 to index
      %parallel_loop3A_64 = tpu.vector_load %arg7[%parallel_loop3A_62, %parallel_loop3A_63] {strides = array<i32>} : memref<3x1280xi32, #tpu.memory_space<vmem>>, vector<16xi32>,
      %parallel_loop3A_65 = arith.constant 2 : i32
      %parallel_loop3A_66 = arith.index_cast %parallel_loop3A_65 : i32 to index
      %parallel_loop3A_67 = arith.index_cast %parallel_loop3A_56 : i32 to index
      %parallel_loop3A_68 = tpu.vector_load %arg7[%parallel_loop3A_66, %parallel_loop3A_67] {strides = array<i32>} : memref<3x1280xi32, #tpu.memory_space<vmem>>, vector<16xi32>,
      %parallel_loop3A_69 = arith.constant 396 : i32
      %parallel_loop3A_70 = vector.broadcast %parallel_loop3A_69 : i32 to vector<16xi32>
      %parallel_loop3A_71 = arith.muli %parallel_loop3A_60, %parallel_loop3A_70 : vector<16xi32>
      %parallel_loop3A_72 = arith.constant 66 : i32
      %parallel_loop3A_73 = vector.broadcast %parallel_loop3A_72 : i32 to vector<16xi32>
      %parallel_loop3A_74 = arith.muli %parallel_loop3A_64, %parallel_loop3A_73 : vector<16xi32>
      %parallel_loop3A_75 = arith.addi %parallel_loop3A_71, %parallel_loop3A_74 : vector<16xi32>
      %parallel_loop3A_76 = arith.constant 33 : i32
      %parallel_loop3A_77 = vector.broadcast %parallel_loop3A_76 : i32 to vector<16xi32>
      %parallel_loop3A_78 = arith.muli %parallel_loop3A_68, %parallel_loop3A_77 : vector<16xi32>
      %parallel_loop3A_79 = arith.addi %parallel_loop3A_75, %parallel_loop3A_78 : vector<16xi32>
      %parallel_loop3A_80 = arith.constant 0 : i32
      %parallel_loop3A_81 = vector.broadcast %parallel_loop3A_80 : i32 to vector<16xi32>
      %parallel_loop3A_82 = arith.addi %parallel_loop3A_79, %parallel_loop3A_81 : vector<16xi32>
      %parallel_loop3A_83 = tpu.vector_load_idx %arg5[%parallel_loop3A_82] : memref<1980xf32, #tpu.memory_space<vmem>>[vector<16xi32>], vector<16xf32>,
      %parallel_loop3A_84 = arith.constant 1 : i32
      %parallel_loop3A_85 = vector.broadcast %parallel_loop3A_84 : i32 to vector<16xi32>
      %parallel_loop3A_86 = arith.addi %parallel_loop3A_79, %parallel_loop3A_85 : vector<16xi32>
      %parallel_loop3A_87 = tpu.vector_load_idx %arg5[%parallel_loop3A_86] : memref<1980xf32, #tpu.memory_space<vmem>>[vector<16xi32>], vector<16xf32>,
      %parallel_loop3A_88 = arith.constant 2 : i32
      %parallel_loop3A_89 = vector.broadcast %parallel_loop3A_88 : i32 to vector<16xi32>
      %parallel_loop3A_90 = arith.addi %parallel_loop3A_79, %parallel_loop3A_89 : vector<16xi32>
      %parallel_loop3A_91 = tpu.vector_load_idx %arg5[%parallel_loop3A_90] : memref<1980xf32, #tpu.memory_space<vmem>>[vector<16xi32>], vector<16xf32>,
      %parallel_loop3A_92 = arith.constant 3 : i32
      %parallel_loop3A_93 = vector.broadcast %parallel_loop3A_92 : i32 to vector<16xi32>
      %parallel_loop3A_94 = arith.addi %parallel_loop3A_79, %parallel_loop3A_93 : vector<16xi32>
      %parallel_loop3A_95 = tpu.vector_load_idx %arg5[%parallel_loop3A_94] : memref<1980xf32, #tpu.memory_space<vmem>>[vector<16xi32>], vector<16xf32>,
      %parallel_loop3A_96 = arith.constant 4 : i32
      %parallel_loop3A_97 = vector.broadcast %parallel_loop3A_96 : i32 to vector<16xi32>
      %parallel_loop3A_98 = arith.addi %parallel_loop3A_79, %parallel_loop3A_97 : vector<16xi32>
      %parallel_loop3A_99 = tpu.vector_load_idx %arg5[%parallel_loop3A_98] : memref<1980xf32, #tpu.memory_space<vmem>>[vector<16xi32>], vector<16xf32>,
      %parallel_loop3A_100 = arith.constant 5 : i32
      %parallel_loop3A_101 = vector.broadcast %parallel_loop3A_100 : i32 to vector<16xi32>
      %parallel_loop3A_102 = arith.addi %parallel_loop3A_79, %parallel_loop3A_101 : vector<16xi32>
      %parallel_loop3A_103 = tpu.vector_load_idx %arg5[%parallel_loop3A_102] : memref<1980xf32, #tpu.memory_space<vmem>>[vector<16xi32>], vector<16xf32>,
      %parallel_loop3A_104 = arith.constant 6 : i32
      %parallel_loop3A_105 = vector.broadcast %parallel_loop3A_104 : i32 to vector<16xi32>
      %parallel_loop3A_106 = arith.addi %parallel_loop3A_79, %parallel_loop3A_105 : vector<16xi32>
      %parallel_loop3A_107 = tpu.vector_load_idx %arg5[%parallel_loop3A_106] : memref<1980xf32, #tpu.memory_space<vmem>>[vector<16xi32>], vector<16xf32>,
      %parallel_loop3A_108 = arith.constant 7 : i32
      %parallel_loop3A_109 = vector.broadcast %parallel_loop3A_108 : i32 to vector<16xi32>
      %parallel_loop3A_110 = arith.addi %parallel_loop3A_79, %parallel_loop3A_109 : vector<16xi32>
      %parallel_loop3A_111 = tpu.vector_load_idx %arg5[%parallel_loop3A_110] : memref<1980xf32, #tpu.memory_space<vmem>>[vector<16xi32>], vector<16xf32>,
      %parallel_loop3A_112 = arith.constant 8 : i32
      %parallel_loop3A_113 = vector.broadcast %parallel_loop3A_112 : i32 to vector<16xi32>
      %parallel_loop3A_114 = arith.addi %parallel_loop3A_79, %parallel_loop3A_113 : vector<16xi32>
      %parallel_loop3A_115 = tpu.vector_load_idx %arg5[%parallel_loop3A_114] : memref<1980xf32, #tpu.memory_space<vmem>>[vector<16xi32>], vector<16xf32>,
      %parallel_loop3A_116 = arith.constant 9 : i32
      %parallel_loop3A_117 = vector.broadcast %parallel_loop3A_116 : i32 to vector<16xi32>
      %parallel_loop3A_118 = arith.addi %parallel_loop3A_79, %parallel_loop3A_117 : vector<16xi32>
      %parallel_loop3A_119 = tpu.vector_load_idx %arg5[%parallel_loop3A_118] : memref<1980xf32, #tpu.memory_space<vmem>>[vector<16xi32>], vector<16xf32>,
      %parallel_loop3A_120 = arith.constant 10 : i32
      %parallel_loop3A_121 = vector.broadcast %parallel_loop3A_120 : i32 to vector<16xi32>
      %parallel_loop3A_122 = arith.addi %parallel_loop3A_79, %parallel_loop3A_121 : vector<16xi32>
      %parallel_loop3A_123 = tpu.vector_load_idx %arg5[%parallel_loop3A_122] : memref<1980xf32, #tpu.memory_space<vmem>>[vector<16xi32>], vector<16xf32>,
      %parallel_loop3A_124 = arith.constant 11 : i32
      %parallel_loop3A_125 = vector.broadcast %parallel_loop3A_124 : i32 to vector<16xi32>
      %parallel_loop3A_126 = arith.addi %parallel_loop3A_79, %parallel_loop3A_125 : vector<16xi32>
      %parallel_loop3A_127 = tpu.vector_load_idx %arg5[%parallel_loop3A_126] : memref<1980xf32, #tpu.memory_space<vmem>>[vector<16xi32>], vector<16xf32>,
      %parallel_loop3A_128 = arith.constant 12 : i32
      %parallel_loop3A_129 = vector.broadcast %parallel_loop3A_128 : i32 to vector<16xi32>
      %parallel_loop3A_130 = arith.addi %parallel_loop3A_79, %parallel_loop3A_129 : vector<16xi32>
      %parallel_loop3A_131 = tpu.vector_load_idx %arg5[%parallel_loop3A_130] : memref<1980xf32, #tpu.memory_space<vmem>>[vector<16xi32>], vector<16xf32>,
      %parallel_loop3A_132 = arith.constant 13 : i32
      %parallel_loop3A_133 = vector.broadcast %parallel_loop3A_132 : i32 to vector<16xi32>
      %parallel_loop3A_134 = arith.addi %parallel_loop3A_79, %parallel_loop3A_133 : vector<16xi32>
      %parallel_loop3A_135 = tpu.vector_load_idx %arg5[%parallel_loop3A_134] : memref<1980xf32, #tpu.memory_space<vmem>>[vector<16xi32>], vector<16xf32>,
      %parallel_loop3A_136 = arith.constant 14 : i32
      %parallel_loop3A_137 = vector.broadcast %parallel_loop3A_136 : i32 to vector<16xi32>
      %parallel_loop3A_138 = arith.addi %parallel_loop3A_79, %parallel_loop3A_137 : vector<16xi32>
      %parallel_loop3A_139 = tpu.vector_load_idx %arg5[%parallel_loop3A_138] : memref<1980xf32, #tpu.memory_space<vmem>>[vector<16xi32>], vector<16xf32>,
      %parallel_loop3A_140 = arith.constant 15 : i32
      %parallel_loop3A_141 = vector.broadcast %parallel_loop3A_140 : i32 to vector<16xi32>
      %parallel_loop3A_142 = arith.addi %parallel_loop3A_79, %parallel_loop3A_141 : vector<16xi32>
      %parallel_loop3A_143 = tpu.vector_load_idx %arg5[%parallel_loop3A_142] : memref<1980xf32, #tpu.memory_space<vmem>>[vector<16xi32>], vector<16xf32>,
      %parallel_loop3A_144 = arith.constant 16 : i32
      %parallel_loop3A_145 = vector.broadcast %parallel_loop3A_144 : i32 to vector<16xi32>
      %parallel_loop3A_146 = arith.addi %parallel_loop3A_79, %parallel_loop3A_145 : vector<16xi32>
      %parallel_loop3A_147 = tpu.vector_load_idx %arg5[%parallel_loop3A_146] : memref<1980xf32, #tpu.memory_space<vmem>>[vector<16xi32>], vector<16xf32>,
      %parallel_loop3A_148 = arith.constant 17 : i32
      %parallel_loop3A_149 = vector.broadcast %parallel_loop3A_148 : i32 to vector<16xi32>
      %parallel_loop3A_150 = arith.addi %parallel_loop3A_79, %parallel_loop3A_149 : vector<16xi32>
      %parallel_loop3A_151 = tpu.vector_load_idx %arg5[%parallel_loop3A_150] : memref<1980xf32, #tpu.memory_space<vmem>>[vector<16xi32>], vector<16xf32>,
      %parallel_loop3A_152 = arith.constant 18 : i32
      %parallel_loop3A_153 = vector.broadcast %parallel_loop3A_152 : i32 to vector<16xi32>
      %parallel_loop3A_154 = arith.addi %parallel_loop3A_79, %parallel_loop3A_153 : vector<16xi32>
      %parallel_loop3A_155 = tpu.vector_load_idx %arg5[%parallel_loop3A_154] : memref<1980xf32, #tpu.memory_space<vmem>>[vector<16xi32>], vector<16xf32>,
      %parallel_loop3A_156 = arith.constant 19 : i32
      %parallel_loop3A_157 = vector.broadcast %parallel_loop3A_156 : i32 to vector<16xi32>
      %parallel_loop3A_158 = arith.addi %parallel_loop3A_79, %parallel_loop3A_157 : vector<16xi32>
      %parallel_loop3A_159 = tpu.vector_load_idx %arg5[%parallel_loop3A_158] : memref<1980xf32, #tpu.memory_space<vmem>>[vector<16xi32>], vector<16xf32>,
      %parallel_loop3A_160 = arith.constant 20 : i32
      %parallel_loop3A_161 = vector.broadcast %parallel_loop3A_160 : i32 to vector<16xi32>
      %parallel_loop3A_162 = arith.addi %parallel_loop3A_79, %parallel_loop3A_161 : vector<16xi32>
      %parallel_loop3A_163 = tpu.vector_load_idx %arg5[%parallel_loop3A_162] : memref<1980xf32, #tpu.memory_space<vmem>>[vector<16xi32>], vector<16xf32>,
      %parallel_loop3A_164 = arith.constant 21 : i32
      %parallel_loop3A_165 = vector.broadcast %parallel_loop3A_164 : i32 to vector<16xi32>
      %parallel_loop3A_166 = arith.addi %parallel_loop3A_79, %parallel_loop3A_165 : vector<16xi32>
      %parallel_loop3A_167 = tpu.vector_load_idx %arg5[%parallel_loop3A_166] : memref<1980xf32, #tpu.memory_space<vmem>>[vector<16xi32>], vector<16xf32>,
      %parallel_loop3A_168 = arith.constant 22 : i32
      %parallel_loop3A_169 = vector.broadcast %parallel_loop3A_168 : i32 to vector<16xi32>
      %parallel_loop3A_170 = arith.addi %parallel_loop3A_79, %parallel_loop3A_169 : vector<16xi32>
      %parallel_loop3A_171 = tpu.vector_load_idx %arg5[%parallel_loop3A_170] : memref<1980xf32, #tpu.memory_space<vmem>>[vector<16xi32>], vector<16xf32>,
      %parallel_loop3A_172 = arith.constant 23 : i32
      %parallel_loop3A_173 = vector.broadcast %parallel_loop3A_172 : i32 to vector<16xi32>
      %parallel_loop3A_174 = arith.addi %parallel_loop3A_79, %parallel_loop3A_173 : vector<16xi32>
      %parallel_loop3A_175 = tpu.vector_load_idx %arg5[%parallel_loop3A_174] : memref<1980xf32, #tpu.memory_space<vmem>>[vector<16xi32>], vector<16xf32>,
      %parallel_loop3A_176 = arith.constant 24 : i32
      %parallel_loop3A_177 = vector.broadcast %parallel_loop3A_176 : i32 to vector<16xi32>
      %parallel_loop3A_178 = arith.addi %parallel_loop3A_79, %parallel_loop3A_177 : vector<16xi32>
      %parallel_loop3A_179 = tpu.vector_load_idx %arg5[%parallel_loop3A_178] : memref<1980xf32, #tpu.memory_space<vmem>>[vector<16xi32>], vector<16xf32>,
      %parallel_loop3A_180 = arith.constant 25 : i32
      %parallel_loop3A_181 = vector.broadcast %parallel_loop3A_180 : i32 to vector<16xi32>
      %parallel_loop3A_182 = arith.addi %parallel_loop3A_79, %parallel_loop3A_181 : vector<16xi32>
      %parallel_loop3A_183 = tpu.vector_load_idx %arg5[%parallel_loop3A_182] : memref<1980xf32, #tpu.memory_space<vmem>>[vector<16xi32>], vector<16xf32>,
      %parallel_loop3A_184 = arith.constant 26 : i32
      %parallel_loop3A_185 = vector.broadcast %parallel_loop3A_184 : i32 to vector<16xi32>
      %parallel_loop3A_186 = arith.addi %parallel_loop3A_79, %parallel_loop3A_185 : vector<16xi32>
      %parallel_loop3A_187 = tpu.vector_load_idx %arg5[%parallel_loop3A_186] : memref<1980xf32, #tpu.memory_space<vmem>>[vector<16xi32>], vector<16xf32>,
      %parallel_loop3A_188 = arith.constant 27 : i32
      %parallel_loop3A_189 = vector.broadcast %parallel_loop3A_188 : i32 to vector<16xi32>
      %parallel_loop3A_190 = arith.addi %parallel_loop3A_79, %parallel_loop3A_189 : vector<16xi32>
      %parallel_loop3A_191 = tpu.vector_load_idx %arg5[%parallel_loop3A_190] : memref<1980xf32, #tpu.memory_space<vmem>>[vector<16xi32>], vector<16xf32>,
      %parallel_loop3A_192 = arith.constant 28 : i32
      %parallel_loop3A_193 = vector.broadcast %parallel_loop3A_192 : i32 to vector<16xi32>
      %parallel_loop3A_194 = arith.addi %parallel_loop3A_79, %parallel_loop3A_193 : vector<16xi32>
      %parallel_loop3A_195 = tpu.vector_load_idx %arg5[%parallel_loop3A_194] : memref<1980xf32, #tpu.memory_space<vmem>>[vector<16xi32>], vector<16xf32>,
      %parallel_loop3A_196 = arith.constant 29 : i32
      %parallel_loop3A_197 = vector.broadcast %parallel_loop3A_196 : i32 to vector<16xi32>
      %parallel_loop3A_198 = arith.addi %parallel_loop3A_79, %parallel_loop3A_197 : vector<16xi32>
      %parallel_loop3A_199 = tpu.vector_load_idx %arg5[%parallel_loop3A_198] : memref<1980xf32, #tpu.memory_space<vmem>>[vector<16xi32>], vector<16xf32>,
      %parallel_loop3A_200 = arith.constant 30 : i32
      %parallel_loop3A_201 = vector.broadcast %parallel_loop3A_200 : i32 to vector<16xi32>
      %parallel_loop3A_202 = arith.addi %parallel_loop3A_79, %parallel_loop3A_201 : vector<16xi32>
      %parallel_loop3A_203 = tpu.vector_load_idx %arg5[%parallel_loop3A_202] : memref<1980xf32, #tpu.memory_space<vmem>>[vector<16xi32>], vector<16xf32>,
      %parallel_loop3A_204 = arith.constant 31 : i32
      %parallel_loop3A_205 = vector.broadcast %parallel_loop3A_204 : i32 to vector<16xi32>
      %parallel_loop3A_206 = arith.addi %parallel_loop3A_79, %parallel_loop3A_205 : vector<16xi32>
      %parallel_loop3A_207 = tpu.vector_load_idx %arg5[%parallel_loop3A_206] : memref<1980xf32, #tpu.memory_space<vmem>>[vector<16xi32>], vector<16xf32>,
      %parallel_loop3A_208 = arith.constant 0 : i32
      %parallel_loop3A_209 = arith.index_cast %parallel_loop3A_208 : i32 to index
      %parallel_loop3A_210 = arith.index_cast %parallel_loop3A_56 : i32 to index
      %parallel_loop3A_211 = tpu.vector_load %arg9[%parallel_loop3A_209, %parallel_loop3A_210] {strides = array<i32>} : memref<32x1280xf32, #tpu.memory_space<vmem>>, vector<16xf32>,
      tpu.vector_store %arg9[%parallel_loop3A_209, %parallel_loop3A_210], %parallel_loop3A_83 {strides = array<i32>} : memref<32x1280xf32, #tpu.memory_space<vmem>>, vector<16xf32>,
      %parallel_loop3A_212 = arith.constant 1 : i32
      %parallel_loop3A_213 = arith.index_cast %parallel_loop3A_212 : i32 to index
      %parallel_loop3A_214 = arith.index_cast %parallel_loop3A_56 : i32 to index
      %parallel_loop3A_215 = tpu.vector_load %arg9[%parallel_loop3A_213, %parallel_loop3A_214] {strides = array<i32>} : memref<32x1280xf32, #tpu.memory_space<vmem>>, vector<16xf32>,
      tpu.vector_store %arg9[%parallel_loop3A_213, %parallel_loop3A_214], %parallel_loop3A_87 {strides = array<i32>} : memref<32x1280xf32, #tpu.memory_space<vmem>>, vector<16xf32>,
      %parallel_loop3A_216 = arith.constant 2 : i32
      %parallel_loop3A_217 = arith.index_cast %parallel_loop3A_216 : i32 to index
      %parallel_loop3A_218 = arith.index_cast %parallel_loop3A_56 : i32 to index
      %parallel_loop3A_219 = tpu.vector_load %arg9[%parallel_loop3A_217, %parallel_loop3A_218] {strides = array<i32>} : memref<32x1280xf32, #tpu.memory_space<vmem>>, vector<16xf32>,
      tpu.vector_store %arg9[%parallel_loop3A_217, %parallel_loop3A_218], %parallel_loop3A_91 {strides = array<i32>} : memref<32x1280xf32, #tpu.memory_space<vmem>>, vector<16xf32>,
      %parallel_loop3A_220 = arith.constant 3 : i32
      %parallel_loop3A_221 = arith.index_cast %parallel_loop3A_220 : i32 to index
      %parallel_loop3A_222 = arith.index_cast %parallel_loop3A_56 : i32 to index
      %parallel_loop3A_223 = tpu.vector_load %arg9[%parallel_loop3A_221, %parallel_loop3A_222] {strides = array<i32>} : memref<32x1280xf32, #tpu.memory_space<vmem>>, vector<16xf32>,
      tpu.vector_store %arg9[%parallel_loop3A_221, %parallel_loop3A_222], %parallel_loop3A_95 {strides = array<i32>} : memref<32x1280xf32, #tpu.memory_space<vmem>>, vector<16xf32>,
      %parallel_loop3A_224 = arith.constant 4 : i32
      %parallel_loop3A_225 = arith.index_cast %parallel_loop3A_224 : i32 to index
      %parallel_loop3A_226 = arith.index_cast %parallel_loop3A_56 : i32 to index
      %parallel_loop3A_227 = tpu.vector_load %arg9[%parallel_loop3A_225, %parallel_loop3A_226] {strides = array<i32>} : memref<32x1280xf32, #tpu.memory_space<vmem>>, vector<16xf32>,
      tpu.vector_store %arg9[%parallel_loop3A_225, %parallel_loop3A_226], %parallel_loop3A_99 {strides = array<i32>} : memref<32x1280xf32, #tpu.memory_space<vmem>>, vector<16xf32>,
      %parallel_loop3A_228 = arith.constant 5 : i32
      %parallel_loop3A_229 = arith.index_cast %parallel_loop3A_228 : i32 to index
      %parallel_loop3A_230 = arith.index_cast %parallel_loop3A_56 : i32 to index
      %parallel_loop3A_231 = tpu.vector_load %arg9[%parallel_loop3A_229, %parallel_loop3A_230] {strides = array<i32>} : memref<32x1280xf32, #tpu.memory_space<vmem>>, vector<16xf32>,
      tpu.vector_store %arg9[%parallel_loop3A_229, %parallel_loop3A_230], %parallel_loop3A_103 {strides = array<i32>} : memref<32x1280xf32, #tpu.memory_space<vmem>>, vector<16xf32>,
      %parallel_loop3A_232 = arith.constant 6 : i32
      %parallel_loop3A_233 = arith.index_cast %parallel_loop3A_232 : i32 to index
      %parallel_loop3A_234 = arith.index_cast %parallel_loop3A_56 : i32 to index
      %parallel_loop3A_235 = tpu.vector_load %arg9[%parallel_loop3A_233, %parallel_loop3A_234] {strides = array<i32>} : memref<32x1280xf32, #tpu.memory_space<vmem>>, vector<16xf32>,
      tpu.vector_store %arg9[%parallel_loop3A_233, %parallel_loop3A_234], %parallel_loop3A_107 {strides = array<i32>} : memref<32x1280xf32, #tpu.memory_space<vmem>>, vector<16xf32>,
      %parallel_loop3A_236 = arith.constant 7 : i32
      %parallel_loop3A_237 = arith.index_cast %parallel_loop3A_236 : i32 to index
      %parallel_loop3A_238 = arith.index_cast %parallel_loop3A_56 : i32 to index
      %parallel_loop3A_239 = tpu.vector_load %arg9[%parallel_loop3A_237, %parallel_loop3A_238] {strides = array<i32>} : memref<32x1280xf32, #tpu.memory_space<vmem>>, vector<16xf32>,
      tpu.vector_store %arg9[%parallel_loop3A_237, %parallel_loop3A_238], %parallel_loop3A_111 {strides = array<i32>} : memref<32x1280xf32, #tpu.memory_space<vmem>>, vector<16xf32>,
      %parallel_loop3A_240 = arith.constant 8 : i32
      %parallel_loop3A_241 = arith.index_cast %parallel_loop3A_240 : i32 to index
      %parallel_loop3A_242 = arith.index_cast %parallel_loop3A_56 : i32 to index
      %parallel_loop3A_243 = tpu.vector_load %arg9[%parallel_loop3A_241, %parallel_loop3A_242] {strides = array<i32>} : memref<32x1280xf32, #tpu.memory_space<vmem>>, vector<16xf32>,
      tpu.vector_store %arg9[%parallel_loop3A_241, %parallel_loop3A_242], %parallel_loop3A_115 {strides = array<i32>} : memref<32x1280xf32, #tpu.memory_space<vmem>>, vector<16xf32>,
      %parallel_loop3A_244 = arith.constant 9 : i32
      %parallel_loop3A_245 = arith.index_cast %parallel_loop3A_244 : i32 to index
      %parallel_loop3A_246 = arith.index_cast %parallel_loop3A_56 : i32 to index
      %parallel_loop3A_247 = tpu.vector_load %arg9[%parallel_loop3A_245, %parallel_loop3A_246] {strides = array<i32>} : memref<32x1280xf32, #tpu.memory_space<vmem>>, vector<16xf32>,
      tpu.vector_store %arg9[%parallel_loop3A_245, %parallel_loop3A_246], %parallel_loop3A_119 {strides = array<i32>} : memref<32x1280xf32, #tpu.memory_space<vmem>>, vector<16xf32>,
      %parallel_loop3A_248 = arith.constant 10 : i32
      %parallel_loop3A_249 = arith.index_cast %parallel_loop3A_248 : i32 to index
      %parallel_loop3A_250 = arith.index_cast %parallel_loop3A_56 : i32 to index
      %parallel_loop3A_251 = tpu.vector_load %arg9[%parallel_loop3A_249, %parallel_loop3A_250] {strides = array<i32>} : memref<32x1280xf32, #tpu.memory_space<vmem>>, vector<16xf32>,
      tpu.vector_store %arg9[%parallel_loop3A_249, %parallel_loop3A_250], %parallel_loop3A_123 {strides = array<i32>} : memref<32x1280xf32, #tpu.memory_space<vmem>>, vector<16xf32>,
      %parallel_loop3A_252 = arith.constant 11 : i32
      %parallel_loop3A_253 = arith.index_cast %parallel_loop3A_252 : i32 to index
      %parallel_loop3A_254 = arith.index_cast %parallel_loop3A_56 : i32 to index
      %parallel_loop3A_255 = tpu.vector_load %arg9[%parallel_loop3A_253, %parallel_loop3A_254] {strides = array<i32>} : memref<32x1280xf32, #tpu.memory_space<vmem>>, vector<16xf32>,
      tpu.vector_store %arg9[%parallel_loop3A_253, %parallel_loop3A_254], %parallel_loop3A_127 {strides = array<i32>} : memref<32x1280xf32, #tpu.memory_space<vmem>>, vector<16xf32>,
      %parallel_loop3A_256 = arith.constant 12 : i32
      %parallel_loop3A_257 = arith.index_cast %parallel_loop3A_256 : i32 to index
      %parallel_loop3A_258 = arith.index_cast %parallel_loop3A_56 : i32 to index
      %parallel_loop3A_259 = tpu.vector_load %arg9[%parallel_loop3A_257, %parallel_loop3A_258] {strides = array<i32>} : memref<32x1280xf32, #tpu.memory_space<vmem>>, vector<16xf32>,
      tpu.vector_store %arg9[%parallel_loop3A_257, %parallel_loop3A_258], %parallel_loop3A_131 {strides = array<i32>} : memref<32x1280xf32, #tpu.memory_space<vmem>>, vector<16xf32>,
      %parallel_loop3A_260 = arith.constant 13 : i32
      %parallel_loop3A_261 = arith.index_cast %parallel_loop3A_260 : i32 to index
      %parallel_loop3A_262 = arith.index_cast %parallel_loop3A_56 : i32 to index
      %parallel_loop3A_263 = tpu.vector_load %arg9[%parallel_loop3A_261, %parallel_loop3A_262] {strides = array<i32>} : memref<32x1280xf32, #tpu.memory_space<vmem>>, vector<16xf32>,
      tpu.vector_store %arg9[%parallel_loop3A_261, %parallel_loop3A_262], %parallel_loop3A_135 {strides = array<i32>} : memref<32x1280xf32, #tpu.memory_space<vmem>>, vector<16xf32>,
      %parallel_loop3A_264 = arith.constant 14 : i32
      %parallel_loop3A_265 = arith.index_cast %parallel_loop3A_264 : i32 to index
      %parallel_loop3A_266 = arith.index_cast %parallel_loop3A_56 : i32 to index
      %parallel_loop3A_267 = tpu.vector_load %arg9[%parallel_loop3A_265, %parallel_loop3A_266] {strides = array<i32>} : memref<32x1280xf32, #tpu.memory_space<vmem>>, vector<16xf32>,
      tpu.vector_store %arg9[%parallel_loop3A_265, %parallel_loop3A_266], %parallel_loop3A_139 {strides = array<i32>} : memref<32x1280xf32, #tpu.memory_space<vmem>>, vector<16xf32>,
      %parallel_loop3A_268 = arith.constant 15 : i32
      %parallel_loop3A_269 = arith.index_cast %parallel_loop3A_268 : i32 to index
      %parallel_loop3A_270 = arith.index_cast %parallel_loop3A_56 : i32 to index
      %parallel_loop3A_271 = tpu.vector_load %arg9[%parallel_loop3A_269, %parallel_loop3A_270] {strides = array<i32>} : memref<32x1280xf32, #tpu.memory_space<vmem>>, vector<16xf32>,
      tpu.vector_store %arg9[%parallel_loop3A_269, %parallel_loop3A_270], %parallel_loop3A_143 {strides = array<i32>} : memref<32x1280xf32, #tpu.memory_space<vmem>>, vector<16xf32>,
      %parallel_loop3A_272 = arith.constant 16 : i32
      %parallel_loop3A_273 = arith.index_cast %parallel_loop3A_272 : i32 to index
      %parallel_loop3A_274 = arith.index_cast %parallel_loop3A_56 : i32 to index
      %parallel_loop3A_275 = tpu.vector_load %arg9[%parallel_loop3A_273, %parallel_loop3A_274] {strides = array<i32>} : memref<32x1280xf32, #tpu.memory_space<vmem>>, vector<16xf32>,
      tpu.vector_store %arg9[%parallel_loop3A_273, %parallel_loop3A_274], %parallel_loop3A_147 {strides = array<i32>} : memref<32x1280xf32, #tpu.memory_space<vmem>>, vector<16xf32>,
      %parallel_loop3A_276 = arith.constant 17 : i32
      %parallel_loop3A_277 = arith.index_cast %parallel_loop3A_276 : i32 to index
      %parallel_loop3A_278 = arith.index_cast %parallel_loop3A_56 : i32 to index
      %parallel_loop3A_279 = tpu.vector_load %arg9[%parallel_loop3A_277, %parallel_loop3A_278] {strides = array<i32>} : memref<32x1280xf32, #tpu.memory_space<vmem>>, vector<16xf32>,
      tpu.vector_store %arg9[%parallel_loop3A_277, %parallel_loop3A_278], %parallel_loop3A_151 {strides = array<i32>} : memref<32x1280xf32, #tpu.memory_space<vmem>>, vector<16xf32>,
      %parallel_loop3A_280 = arith.constant 18 : i32
      %parallel_loop3A_281 = arith.index_cast %parallel_loop3A_280 : i32 to index
      %parallel_loop3A_282 = arith.index_cast %parallel_loop3A_56 : i32 to index
      %parallel_loop3A_283 = tpu.vector_load %arg9[%parallel_loop3A_281, %parallel_loop3A_282] {strides = array<i32>} : memref<32x1280xf32, #tpu.memory_space<vmem>>, vector<16xf32>,
      tpu.vector_store %arg9[%parallel_loop3A_281, %parallel_loop3A_282], %parallel_loop3A_155 {strides = array<i32>} : memref<32x1280xf32, #tpu.memory_space<vmem>>, vector<16xf32>,
      %parallel_loop3A_284 = arith.constant 19 : i32
      %parallel_loop3A_285 = arith.index_cast %parallel_loop3A_284 : i32 to index
      %parallel_loop3A_286 = arith.index_cast %parallel_loop3A_56 : i32 to index
      %parallel_loop3A_287 = tpu.vector_load %arg9[%parallel_loop3A_285, %parallel_loop3A_286] {strides = array<i32>} : memref<32x1280xf32, #tpu.memory_space<vmem>>, vector<16xf32>,
      tpu.vector_store %arg9[%parallel_loop3A_285, %parallel_loop3A_286], %parallel_loop3A_159 {strides = array<i32>} : memref<32x1280xf32, #tpu.memory_space<vmem>>, vector<16xf32>,
      %parallel_loop3A_288 = arith.constant 20 : i32
      %parallel_loop3A_289 = arith.index_cast %parallel_loop3A_288 : i32 to index
      %parallel_loop3A_290 = arith.index_cast %parallel_loop3A_56 : i32 to index
      %parallel_loop3A_291 = tpu.vector_load %arg9[%parallel_loop3A_289, %parallel_loop3A_290] {strides = array<i32>} : memref<32x1280xf32, #tpu.memory_space<vmem>>, vector<16xf32>,
      tpu.vector_store %arg9[%parallel_loop3A_289, %parallel_loop3A_290], %parallel_loop3A_163 {strides = array<i32>} : memref<32x1280xf32, #tpu.memory_space<vmem>>, vector<16xf32>,
      %parallel_loop3A_292 = arith.constant 21 : i32
      %parallel_loop3A_293 = arith.index_cast %parallel_loop3A_292 : i32 to index
      %parallel_loop3A_294 = arith.index_cast %parallel_loop3A_56 : i32 to index
      %parallel_loop3A_295 = tpu.vector_load %arg9[%parallel_loop3A_293, %parallel_loop3A_294] {strides = array<i32>} : memref<32x1280xf32, #tpu.memory_space<vmem>>, vector<16xf32>,
      tpu.vector_store %arg9[%parallel_loop3A_293, %parallel_loop3A_294], %parallel_loop3A_167 {strides = array<i32>} : memref<32x1280xf32, #tpu.memory_space<vmem>>, vector<16xf32>,
      %parallel_loop3A_296 = arith.constant 22 : i32
      %parallel_loop3A_297 = arith.index_cast %parallel_loop3A_296 : i32 to index
      %parallel_loop3A_298 = arith.index_cast %parallel_loop3A_56 : i32 to index
      %parallel_loop3A_299 = tpu.vector_load %arg9[%parallel_loop3A_297, %parallel_loop3A_298] {strides = array<i32>} : memref<32x1280xf32, #tpu.memory_space<vmem>>, vector<16xf32>,
      tpu.vector_store %arg9[%parallel_loop3A_297, %parallel_loop3A_298], %parallel_loop3A_171 {strides = array<i32>} : memref<32x1280xf32, #tpu.memory_space<vmem>>, vector<16xf32>,
      %parallel_loop3A_300 = arith.constant 23 : i32
      %parallel_loop3A_301 = arith.index_cast %parallel_loop3A_300 : i32 to index
      %parallel_loop3A_302 = arith.index_cast %parallel_loop3A_56 : i32 to index
      %parallel_loop3A_303 = tpu.vector_load %arg9[%parallel_loop3A_301, %parallel_loop3A_302] {strides = array<i32>} : memref<32x1280xf32, #tpu.memory_space<vmem>>, vector<16xf32>,
      tpu.vector_store %arg9[%parallel_loop3A_301, %parallel_loop3A_302], %parallel_loop3A_175 {strides = array<i32>} : memref<32x1280xf32, #tpu.memory_space<vmem>>, vector<16xf32>,
      %parallel_loop3A_304 = arith.constant 24 : i32
      %parallel_loop3A_305 = arith.index_cast %parallel_loop3A_304 : i32 to index
      %parallel_loop3A_306 = arith.index_cast %parallel_loop3A_56 : i32 to index
      %parallel_loop3A_307 = tpu.vector_load %arg9[%parallel_loop3A_305, %parallel_loop3A_306] {strides = array<i32>} : memref<32x1280xf32, #tpu.memory_space<vmem>>, vector<16xf32>,
      tpu.vector_store %arg9[%parallel_loop3A_305, %parallel_loop3A_306], %parallel_loop3A_179 {strides = array<i32>} : memref<32x1280xf32, #tpu.memory_space<vmem>>, vector<16xf32>,
      %parallel_loop3A_308 = arith.constant 25 : i32
      %parallel_loop3A_309 = arith.index_cast %parallel_loop3A_308 : i32 to index
      %parallel_loop3A_310 = arith.index_cast %parallel_loop3A_56 : i32 to index
      %parallel_loop3A_311 = tpu.vector_load %arg9[%parallel_loop3A_309, %parallel_loop3A_310] {strides = array<i32>} : memref<32x1280xf32, #tpu.memory_space<vmem>>, vector<16xf32>,
      tpu.vector_store %arg9[%parallel_loop3A_309, %parallel_loop3A_310], %parallel_loop3A_183 {strides = array<i32>} : memref<32x1280xf32, #tpu.memory_space<vmem>>, vector<16xf32>,
      %parallel_loop3A_312 = arith.constant 26 : i32
      %parallel_loop3A_313 = arith.index_cast %parallel_loop3A_312 : i32 to index
      %parallel_loop3A_314 = arith.index_cast %parallel_loop3A_56 : i32 to index
      %parallel_loop3A_315 = tpu.vector_load %arg9[%parallel_loop3A_313, %parallel_loop3A_314] {strides = array<i32>} : memref<32x1280xf32, #tpu.memory_space<vmem>>, vector<16xf32>,
      tpu.vector_store %arg9[%parallel_loop3A_313, %parallel_loop3A_314], %parallel_loop3A_187 {strides = array<i32>} : memref<32x1280xf32, #tpu.memory_space<vmem>>, vector<16xf32>,
      %parallel_loop3A_316 = arith.constant 27 : i32
      %parallel_loop3A_317 = arith.index_cast %parallel_loop3A_316 : i32 to index
      %parallel_loop3A_318 = arith.index_cast %parallel_loop3A_56 : i32 to index
      %parallel_loop3A_319 = tpu.vector_load %arg9[%parallel_loop3A_317, %parallel_loop3A_318] {strides = array<i32>} : memref<32x1280xf32, #tpu.memory_space<vmem>>, vector<16xf32>,
      tpu.vector_store %arg9[%parallel_loop3A_317, %parallel_loop3A_318], %parallel_loop3A_191 {strides = array<i32>} : memref<32x1280xf32, #tpu.memory_space<vmem>>, vector<16xf32>,
      %parallel_loop3A_320 = arith.constant 28 : i32
      %parallel_loop3A_321 = arith.index_cast %parallel_loop3A_320 : i32 to index
      %parallel_loop3A_322 = arith.index_cast %parallel_loop3A_56 : i32 to index
      %parallel_loop3A_323 = tpu.vector_load %arg9[%parallel_loop3A_321, %parallel_loop3A_322] {strides = array<i32>} : memref<32x1280xf32, #tpu.memory_space<vmem>>, vector<16xf32>,
      tpu.vector_store %arg9[%parallel_loop3A_321, %parallel_loop3A_322], %parallel_loop3A_195 {strides = array<i32>} : memref<32x1280xf32, #tpu.memory_space<vmem>>, vector<16xf32>,
      %parallel_loop3A_324 = arith.constant 29 : i32
      %parallel_loop3A_325 = arith.index_cast %parallel_loop3A_324 : i32 to index
      %parallel_loop3A_326 = arith.index_cast %parallel_loop3A_56 : i32 to index
      %parallel_loop3A_327 = tpu.vector_load %arg9[%parallel_loop3A_325, %parallel_loop3A_326] {strides = array<i32>} : memref<32x1280xf32, #tpu.memory_space<vmem>>, vector<16xf32>,
      tpu.vector_store %arg9[%parallel_loop3A_325, %parallel_loop3A_326], %parallel_loop3A_199 {strides = array<i32>} : memref<32x1280xf32, #tpu.memory_space<vmem>>, vector<16xf32>,
      %parallel_loop3A_328 = arith.constant 30 : i32
      %parallel_loop3A_329 = arith.index_cast %parallel_loop3A_328 : i32 to index
      %parallel_loop3A_330 = arith.index_cast %parallel_loop3A_56 : i32 to index
      %parallel_loop3A_331 = tpu.vector_load %arg9[%parallel_loop3A_329, %parallel_loop3A_330] {strides = array<i32>} : memref<32x1280xf32, #tpu.memory_space<vmem>>, vector<16xf32>,
      tpu.vector_store %arg9[%parallel_loop3A_329, %parallel_loop3A_330], %parallel_loop3A_203 {strides = array<i32>} : memref<32x1280xf32, #tpu.memory_space<vmem>>, vector<16xf32>,
      %parallel_loop3A_332 = arith.constant 31 : i32
      %parallel_loop3A_333 = arith.index_cast %parallel_loop3A_332 : i32 to index
      %parallel_loop3A_334 = arith.index_cast %parallel_loop3A_56 : i32 to index
      %parallel_loop3A_335 = tpu.vector_load %arg9[%parallel_loop3A_333, %parallel_loop3A_334] {strides = array<i32>} : memref<32x1280xf32, #tpu.memory_space<vmem>>, vector<16xf32>,
      tpu.vector_store %arg9[%parallel_loop3A_333, %parallel_loop3A_334], %parallel_loop3A_207 {strides = array<i32>} : memref<32x1280xf32, #tpu.memory_space<vmem>>, vector<16xf32>,
    } {sc.loop_unroll_factor = 1 : i64, sc.parallel_access}
    %dma_start3A_23 = arith.constant 0 : i32
    %dma_start3A_24 = tpu.memref_slice %arg4[%dma_start3A_23, %mul3A_19] : memref<32x1600000xf32, #tpu.memory_space<hbm>> -> memref<32x1280xf32, #tpu.memory_space<hbm>>
    %dma_start3A_25 = arith.constant 0 : i32
    %dma_start3A_26 = tpu.memref_slice %arg4[%dma_start3A_25, %mul3A_19] : memref<32x1600000xf32, #tpu.memory_space<hbm>> -> memref<32x1280xf32, #tpu.memory_space<hbm>>
    tpu.enqueue_dma source(%arg9 : memref<32x1280xf32, #tpu.memory_space<vmem>>) target(%dma_start3A_26 : memref<32x1280xf32, #tpu.memory_space<hbm>>) target_semaphore(%arg11 : memref<!tpu.dma_semaphore, #tpu.memory_space<semaphore_mem>>)
    %add3A_27 = arith.constant 64 : i32
    %add3A_28 = arith.addi %add3A_17, %add3A_27 : i32
    %lt3A_29 = arith.constant 1250 : i32
    %lt3A_30 = arith.cmpi slt, %add3A_28, %lt3A_29 : i32
    %convert_element_type3A_31 = arith.extui %lt3A_30 : i1 to i32
    %cond3A_32 = arith.constant 0 : i32
    %cond3A_33 = arith.cmpi ne, %convert_element_type3A_31, %cond3A_32 : i32
    scf.if %cond3A_33 {
      %mul3A_56 = arith.constant 1280 : i32
      %mul3A_57 = arith.muli %add3A_28, %mul3A_56 : i32
      %dma_start3A_58 = arith.constant 0 : i32
      %dma_start3A_59 = tpu.memref_slice %arg2[%dma_start3A_58, %mul3A_57] : memref<3x1600000xi32, #tpu.memory_space<hbm>> -> memref<3x1280xi32, #tpu.memory_space<hbm>>
      %dma_start3A_60 = arith.constant 0 : i32
      %dma_start3A_61 = tpu.memref_slice %arg2[%dma_start3A_60, %mul3A_57] : memref<3x1600000xi32, #tpu.memory_space<hbm>> -> memref<3x1280xi32, #tpu.memory_space<hbm>>
      tpu.enqueue_dma source(%dma_start3A_61 : memref<3x1280xi32, #tpu.memory_space<hbm>>) target(%arg7 : memref<3x1280xi32, #tpu.memory_space<vmem>>) target_semaphore(%arg13 : memref<!tpu.dma_semaphore, #tpu.memory_space<semaphore_mem>>)
    } else {
    }
    %scan3A = arith.constant 0 : i32
    %scan3A_34 = arith.constant 1 : i32
    %scan3A_35 = arith.constant 19 : i32
    %scan3A_36 = arith.addi %scan3A_34, %scan3A_35 : i32
    %scan3A_37 = arith.constant 1 : i32
    scf.for %scan3A_56 = %scan3A_34 to %scan3A_36 step %scan3A_37  : i32 {
      %mul3A_57 = arith.constant 32 : i32
      %mul3A_58 = arith.muli %scan3A_56, %mul3A_57 : i32
      %add3A_59 = arith.addi %add3A, %mul3A_58 : i32
      %lt3A_60 = arith.constant 625 : i32
      %lt3A_61 = arith.cmpi slt, %add3A_59, %lt3A_60 : i32
      %convert_element_type3A_62 = arith.extui %lt3A_61 : i1 to i32
      %cond3A_63 = arith.constant 0 : i32
      %cond3A_64 = arith.cmpi ne, %convert_element_type3A_62, %cond3A_63 : i32
      scf.if %cond3A_64 {
        %mul3A_65 = arith.constant 2 : i32
        %mul3A_66 = arith.muli %add3A_59, %mul3A_65 : i32
        %mul3A_67 = arith.constant 1280 : i32
        %mul3A_68 = arith.muli %mul3A_66, %mul3A_67 : i32
        %dma_wait3A_69 = arith.constant 0 : i32
        %dma_wait3A_70 = tpu.memref_slice %arg2[%dma_wait3A_69, %mul3A_68] : memref<3x1600000xi32, #tpu.memory_space<hbm>> -> memref<3x1280xi32, #tpu.memory_space<hbm>>
        %dma_wait3A_71 = arith.constant 0 : i32
        %dma_wait3A_72 = tpu.memref_slice %arg2[%dma_wait3A_71, %mul3A_68] : memref<3x1600000xi32, #tpu.memory_space<hbm>> -> memref<3x1280xi32, #tpu.memory_space<hbm>>
        tpu.wait_dma2 semaphore(%arg12 : memref<!tpu.dma_semaphore, #tpu.memory_space<semaphore_mem>>) src(%dma_wait3A_72 : memref<3x1280xi32, #tpu.memory_space<hbm>>) dst(%arg6 : memref<3x1280xi32, #tpu.memory_space<vmem>>)
        %dma_wait3A_73 = arith.constant 0 : i32
        %dma_wait3A_74 = tpu.memref_slice %arg4[%dma_wait3A_73, %mul3A_68] : memref<32x1600000xf32, #tpu.memory_space<hbm>> -> memref<32x1280xf32, #tpu.memory_space<hbm>>
        %dma_wait3A_75 = arith.constant 0 : i32
        %dma_wait3A_76 = tpu.memref_slice %arg4[%dma_wait3A_75, %mul3A_68] : memref<32x1600000xf32, #tpu.memory_space<hbm>> -> memref<32x1280xf32, #tpu.memory_space<hbm>>
        tpu.wait_dma2 semaphore(%arg10 : memref<!tpu.dma_semaphore, #tpu.memory_space<semaphore_mem>>) src(%arg8 : memref<32x1280xf32, #tpu.memory_space<vmem>>) dst(%dma_wait3A_76 : memref<32x1280xf32, #tpu.memory_space<hbm>>)
        %parallel_loop3A_77 = arith.constant 0 : i32
        %parallel_loop3A_78 = arith.constant 1280 : i32
        %parallel_loop3A_79 = arith.constant 16 : i32
        scf.for %parallel_loop3A_119 = %parallel_loop3A_77 to %parallel_loop3A_78 step %parallel_loop3A_79  : i32 {
          %parallel_loop3A_120 = arith.constant 0 : i32
          %parallel_loop3A_121 = arith.index_cast %parallel_loop3A_120 : i32 to index
          %parallel_loop3A_122 = arith.index_cast %parallel_loop3A_119 : i32 to index
          %parallel_loop3A_123 = tpu.vector_load %arg6[%parallel_loop3A_121, %parallel_loop3A_122] {strides = array<i32>} : memref<3x1280xi32, #tpu.memory_space<vmem>>, vector<16xi32>,
          %parallel_loop3A_124 = arith.constant 1 : i32
          %parallel_loop3A_125 = arith.index_cast %parallel_loop3A_124 : i32 to index
          %parallel_loop3A_126 = arith.index_cast %parallel_loop3A_119 : i32 to index
          %parallel_loop3A_127 = tpu.vector_load %arg6[%parallel_loop3A_125, %parallel_loop3A_126] {strides = array<i32>} : memref<3x1280xi32, #tpu.memory_space<vmem>>, vector<16xi32>,
          %parallel_loop3A_128 = arith.constant 2 : i32
          %parallel_loop3A_129 = arith.index_cast %parallel_loop3A_128 : i32 to index
          %parallel_loop3A_130 = arith.index_cast %parallel_loop3A_119 : i32 to index
          %parallel_loop3A_131 = tpu.vector_load %arg6[%parallel_loop3A_129, %parallel_loop3A_130] {strides = array<i32>} : memref<3x1280xi32, #tpu.memory_space<vmem>>, vector<16xi32>,
          %parallel_loop3A_132 = arith.constant 396 : i32
          %parallel_loop3A_133 = vector.broadcast %parallel_loop3A_132 : i32 to vector<16xi32>
          %parallel_loop3A_134 = arith.muli %parallel_loop3A_123, %parallel_loop3A_133 : vector<16xi32>
          %parallel_loop3A_135 = arith.constant 66 : i32
          %parallel_loop3A_136 = vector.broadcast %parallel_loop3A_135 : i32 to vector<16xi32>
          %parallel_loop3A_137 = arith.muli %parallel_loop3A_127, %parallel_loop3A_136 : vector<16xi32>
          %parallel_loop3A_138 = arith.addi %parallel_loop3A_134, %parallel_loop3A_137 : vector<16xi32>
          %parallel_loop3A_139 = arith.constant 33 : i32
          %parallel_loop3A_140 = vector.broadcast %parallel_loop3A_139 : i32 to vector<16xi32>
          %parallel_loop3A_141 = arith.muli %parallel_loop3A_131, %parallel_loop3A_140 : vector<16xi32>
          %parallel_loop3A_142 = arith.addi %parallel_loop3A_138, %parallel_loop3A_141 : vector<16xi32>
          %parallel_loop3A_143 = arith.constant 0 : i32
          %parallel_loop3A_144 = vector.broadcast %parallel_loop3A_143 : i32 to vector<16xi32>
          %parallel_loop3A_145 = arith.addi %parallel_loop3A_142, %parallel_loop3A_144 : vector<16xi32>
          %parallel_loop3A_146 = tpu.vector_load_idx %arg5[%parallel_loop3A_145] : memref<1980xf32, #tpu.memory_space<vmem>>[vector<16xi32>], vector<16xf32>,
          %parallel_loop3A_147 = arith.constant 1 : i32
          %parallel_loop3A_148 = vector.broadcast %parallel_loop3A_147 : i32 to vector<16xi32>
          %parallel_loop3A_149 = arith.addi %parallel_loop3A_142, %parallel_loop3A_148 : vector<16xi32>
          %parallel_loop3A_150 = tpu.vector_load_idx %arg5[%parallel_loop3A_149] : memref<1980xf32, #tpu.memory_space<vmem>>[vector<16xi32>], vector<16xf32>,
          %parallel_loop3A_151 = arith.constant 2 : i32
          %parallel_loop3A_152 = vector.broadcast %parallel_loop3A_151 : i32 to vector<16xi32>
          %parallel_loop3A_153 = arith.addi %parallel_loop3A_142, %parallel_loop3A_152 : vector<16xi32>
          %parallel_loop3A_154 = tpu.vector_load_idx %arg5[%parallel_loop3A_153] : memref<1980xf32, #tpu.memory_space<vmem>>[vector<16xi32>], vector<16xf32>,
          %parallel_loop3A_155 = arith.constant 3 : i32
          %parallel_loop3A_156 = vector.broadcast %parallel_loop3A_155 : i32 to vector<16xi32>
          %parallel_loop3A_157 = arith.addi %parallel_loop3A_142, %parallel_loop3A_156 : vector<16xi32>
          %parallel_loop3A_158 = tpu.vector_load_idx %arg5[%parallel_loop3A_157] : memref<1980xf32, #tpu.memory_space<vmem>>[vector<16xi32>], vector<16xf32>,
          %parallel_loop3A_159 = arith.constant 4 : i32
          %parallel_loop3A_160 = vector.broadcast %parallel_loop3A_159 : i32 to vector<16xi32>
          %parallel_loop3A_161 = arith.addi %parallel_loop3A_142, %parallel_loop3A_160 : vector<16xi32>
          %parallel_loop3A_162 = tpu.vector_load_idx %arg5[%parallel_loop3A_161] : memref<1980xf32, #tpu.memory_space<vmem>>[vector<16xi32>], vector<16xf32>,
          %parallel_loop3A_163 = arith.constant 5 : i32
          %parallel_loop3A_164 = vector.broadcast %parallel_loop3A_163 : i32 to vector<16xi32>
          %parallel_loop3A_165 = arith.addi %parallel_loop3A_142, %parallel_loop3A_164 : vector<16xi32>
          %parallel_loop3A_166 = tpu.vector_load_idx %arg5[%parallel_loop3A_165] : memref<1980xf32, #tpu.memory_space<vmem>>[vector<16xi32>], vector<16xf32>,
          %parallel_loop3A_167 = arith.constant 6 : i32
          %parallel_loop3A_168 = vector.broadcast %parallel_loop3A_167 : i32 to vector<16xi32>
          %parallel_loop3A_169 = arith.addi %parallel_loop3A_142, %parallel_loop3A_168 : vector<16xi32>
          %parallel_loop3A_170 = tpu.vector_load_idx %arg5[%parallel_loop3A_169] : memref<1980xf32, #tpu.memory_space<vmem>>[vector<16xi32>], vector<16xf32>,
          %parallel_loop3A_171 = arith.constant 7 : i32
          %parallel_loop3A_172 = vector.broadcast %parallel_loop3A_171 : i32 to vector<16xi32>
          %parallel_loop3A_173 = arith.addi %parallel_loop3A_142, %parallel_loop3A_172 : vector<16xi32>
          %parallel_loop3A_174 = tpu.vector_load_idx %arg5[%parallel_loop3A_173] : memref<1980xf32, #tpu.memory_space<vmem>>[vector<16xi32>], vector<16xf32>,
          %parallel_loop3A_175 = arith.constant 8 : i32
          %parallel_loop3A_176 = vector.broadcast %parallel_loop3A_175 : i32 to vector<16xi32>
          %parallel_loop3A_177 = arith.addi %parallel_loop3A_142, %parallel_loop3A_176 : vector<16xi32>
          %parallel_loop3A_178 = tpu.vector_load_idx %arg5[%parallel_loop3A_177] : memref<1980xf32, #tpu.memory_space<vmem>>[vector<16xi32>], vector<16xf32>,
          %parallel_loop3A_179 = arith.constant 9 : i32
          %parallel_loop3A_180 = vector.broadcast %parallel_loop3A_179 : i32 to vector<16xi32>
          %parallel_loop3A_181 = arith.addi %parallel_loop3A_142, %parallel_loop3A_180 : vector<16xi32>
          %parallel_loop3A_182 = tpu.vector_load_idx %arg5[%parallel_loop3A_181] : memref<1980xf32, #tpu.memory_space<vmem>>[vector<16xi32>], vector<16xf32>,
          %parallel_loop3A_183 = arith.constant 10 : i32
          %parallel_loop3A_184 = vector.broadcast %parallel_loop3A_183 : i32 to vector<16xi32>
          %parallel_loop3A_185 = arith.addi %parallel_loop3A_142, %parallel_loop3A_184 : vector<16xi32>
          %parallel_loop3A_186 = tpu.vector_load_idx %arg5[%parallel_loop3A_185] : memref<1980xf32, #tpu.memory_space<vmem>>[vector<16xi32>], vector<16xf32>,
          %parallel_loop3A_187 = arith.constant 11 : i32
          %parallel_loop3A_188 = vector.broadcast %parallel_loop3A_187 : i32 to vector<16xi32>
          %parallel_loop3A_189 = arith.addi %parallel_loop3A_142, %parallel_loop3A_188 : vector<16xi32>
          %parallel_loop3A_190 = tpu.vector_load_idx %arg5[%parallel_loop3A_189] : memref<1980xf32, #tpu.memory_space<vmem>>[vector<16xi32>], vector<16xf32>,
          %parallel_loop3A_191 = arith.constant 12 : i32
          %parallel_loop3A_192 = vector.broadcast %parallel_loop3A_191 : i32 to vector<16xi32>
          %parallel_loop3A_193 = arith.addi %parallel_loop3A_142, %parallel_loop3A_192 : vector<16xi32>
          %parallel_loop3A_194 = tpu.vector_load_idx %arg5[%parallel_loop3A_193] : memref<1980xf32, #tpu.memory_space<vmem>>[vector<16xi32>], vector<16xf32>,
          %parallel_loop3A_195 = arith.constant 13 : i32
          %parallel_loop3A_196 = vector.broadcast %parallel_loop3A_195 : i32 to vector<16xi32>
          %parallel_loop3A_197 = arith.addi %parallel_loop3A_142, %parallel_loop3A_196 : vector<16xi32>
          %parallel_loop3A_198 = tpu.vector_load_idx %arg5[%parallel_loop3A_197] : memref<1980xf32, #tpu.memory_space<vmem>>[vector<16xi32>], vector<16xf32>,
          %parallel_loop3A_199 = arith.constant 14 : i32
          %parallel_loop3A_200 = vector.broadcast %parallel_loop3A_199 : i32 to vector<16xi32>
          %parallel_loop3A_201 = arith.addi %parallel_loop3A_142, %parallel_loop3A_200 : vector<16xi32>
          %parallel_loop3A_202 = tpu.vector_load_idx %arg5[%parallel_loop3A_201] : memref<1980xf32, #tpu.memory_space<vmem>>[vector<16xi32>], vector<16xf32>,
          %parallel_loop3A_203 = arith.constant 15 : i32
          %parallel_loop3A_204 = vector.broadcast %parallel_loop3A_203 : i32 to vector<16xi32>
          %parallel_loop3A_205 = arith.addi %parallel_loop3A_142, %parallel_loop3A_204 : vector<16xi32>
          %parallel_loop3A_206 = tpu.vector_load_idx %arg5[%parallel_loop3A_205] : memref<1980xf32, #tpu.memory_space<vmem>>[vector<16xi32>], vector<16xf32>,
          %parallel_loop3A_207 = arith.constant 16 : i32
          %parallel_loop3A_208 = vector.broadcast %parallel_loop3A_207 : i32 to vector<16xi32>
          %parallel_loop3A_209 = arith.addi %parallel_loop3A_142, %parallel_loop3A_208 : vector<16xi32>
          %parallel_loop3A_210 = tpu.vector_load_idx %arg5[%parallel_loop3A_209] : memref<1980xf32, #tpu.memory_space<vmem>>[vector<16xi32>], vector<16xf32>,
          %parallel_loop3A_211 = arith.constant 17 : i32
          %parallel_loop3A_212 = vector.broadcast %parallel_loop3A_211 : i32 to vector<16xi32>
          %parallel_loop3A_213 = arith.addi %parallel_loop3A_142, %parallel_loop3A_212 : vector<16xi32>
          %parallel_loop3A_214 = tpu.vector_load_idx %arg5[%parallel_loop3A_213] : memref<1980xf32, #tpu.memory_space<vmem>>[vector<16xi32>], vector<16xf32>,
          %parallel_loop3A_215 = arith.constant 18 : i32
          %parallel_loop3A_216 = vector.broadcast %parallel_loop3A_215 : i32 to vector<16xi32>
          %parallel_loop3A_217 = arith.addi %parallel_loop3A_142, %parallel_loop3A_216 : vector<16xi32>
          %parallel_loop3A_218 = tpu.vector_load_idx %arg5[%parallel_loop3A_217] : memref<1980xf32, #tpu.memory_space<vmem>>[vector<16xi32>], vector<16xf32>,
          %parallel_loop3A_219 = arith.constant 19 : i32
          %parallel_loop3A_220 = vector.broadcast %parallel_loop3A_219 : i32 to vector<16xi32>
          %parallel_loop3A_221 = arith.addi %parallel_loop3A_142, %parallel_loop3A_220 : vector<16xi32>
          %parallel_loop3A_222 = tpu.vector_load_idx %arg5[%parallel_loop3A_221] : memref<1980xf32, #tpu.memory_space<vmem>>[vector<16xi32>], vector<16xf32>,
          %parallel_loop3A_223 = arith.constant 20 : i32
          %parallel_loop3A_224 = vector.broadcast %parallel_loop3A_223 : i32 to vector<16xi32>
          %parallel_loop3A_225 = arith.addi %parallel_loop3A_142, %parallel_loop3A_224 : vector<16xi32>
          %parallel_loop3A_226 = tpu.vector_load_idx %arg5[%parallel_loop3A_225] : memref<1980xf32, #tpu.memory_space<vmem>>[vector<16xi32>], vector<16xf32>,
          %parallel_loop3A_227 = arith.constant 21 : i32
          %parallel_loop3A_228 = vector.broadcast %parallel_loop3A_227 : i32 to vector<16xi32>
          %parallel_loop3A_229 = arith.addi %parallel_loop3A_142, %parallel_loop3A_228 : vector<16xi32>
          %parallel_loop3A_230 = tpu.vector_load_idx %arg5[%parallel_loop3A_229] : memref<1980xf32, #tpu.memory_space<vmem>>[vector<16xi32>], vector<16xf32>,
          %parallel_loop3A_231 = arith.constant 22 : i32
          %parallel_loop3A_232 = vector.broadcast %parallel_loop3A_231 : i32 to vector<16xi32>
          %parallel_loop3A_233 = arith.addi %parallel_loop3A_142, %parallel_loop3A_232 : vector<16xi32>
          %parallel_loop3A_234 = tpu.vector_load_idx %arg5[%parallel_loop3A_233] : memref<1980xf32, #tpu.memory_space<vmem>>[vector<16xi32>], vector<16xf32>,
          %parallel_loop3A_235 = arith.constant 23 : i32
          %parallel_loop3A_236 = vector.broadcast %parallel_loop3A_235 : i32 to vector<16xi32>
          %parallel_loop3A_237 = arith.addi %parallel_loop3A_142, %parallel_loop3A_236 : vector<16xi32>
          %parallel_loop3A_238 = tpu.vector_load_idx %arg5[%parallel_loop3A_237] : memref<1980xf32, #tpu.memory_space<vmem>>[vector<16xi32>], vector<16xf32>,
          %parallel_loop3A_239 = arith.constant 24 : i32
          %parallel_loop3A_240 = vector.broadcast %parallel_loop3A_239 : i32 to vector<16xi32>
          %parallel_loop3A_241 = arith.addi %parallel_loop3A_142, %parallel_loop3A_240 : vector<16xi32>
          %parallel_loop3A_242 = tpu.vector_load_idx %arg5[%parallel_loop3A_241] : memref<1980xf32, #tpu.memory_space<vmem>>[vector<16xi32>], vector<16xf32>,
          %parallel_loop3A_243 = arith.constant 25 : i32
          %parallel_loop3A_244 = vector.broadcast %parallel_loop3A_243 : i32 to vector<16xi32>
          %parallel_loop3A_245 = arith.addi %parallel_loop3A_142, %parallel_loop3A_244 : vector<16xi32>
          %parallel_loop3A_246 = tpu.vector_load_idx %arg5[%parallel_loop3A_245] : memref<1980xf32, #tpu.memory_space<vmem>>[vector<16xi32>], vector<16xf32>,
          %parallel_loop3A_247 = arith.constant 26 : i32
          %parallel_loop3A_248 = vector.broadcast %parallel_loop3A_247 : i32 to vector<16xi32>
          %parallel_loop3A_249 = arith.addi %parallel_loop3A_142, %parallel_loop3A_248 : vector<16xi32>
          %parallel_loop3A_250 = tpu.vector_load_idx %arg5[%parallel_loop3A_249] : memref<1980xf32, #tpu.memory_space<vmem>>[vector<16xi32>], vector<16xf32>,
          %parallel_loop3A_251 = arith.constant 27 : i32
          %parallel_loop3A_252 = vector.broadcast %parallel_loop3A_251 : i32 to vector<16xi32>
          %parallel_loop3A_253 = arith.addi %parallel_loop3A_142, %parallel_loop3A_252 : vector<16xi32>
          %parallel_loop3A_254 = tpu.vector_load_idx %arg5[%parallel_loop3A_253] : memref<1980xf32, #tpu.memory_space<vmem>>[vector<16xi32>], vector<16xf32>,
          %parallel_loop3A_255 = arith.constant 28 : i32
          %parallel_loop3A_256 = vector.broadcast %parallel_loop3A_255 : i32 to vector<16xi32>
          %parallel_loop3A_257 = arith.addi %parallel_loop3A_142, %parallel_loop3A_256 : vector<16xi32>
          %parallel_loop3A_258 = tpu.vector_load_idx %arg5[%parallel_loop3A_257] : memref<1980xf32, #tpu.memory_space<vmem>>[vector<16xi32>], vector<16xf32>,
          %parallel_loop3A_259 = arith.constant 29 : i32
          %parallel_loop3A_260 = vector.broadcast %parallel_loop3A_259 : i32 to vector<16xi32>
          %parallel_loop3A_261 = arith.addi %parallel_loop3A_142, %parallel_loop3A_260 : vector<16xi32>
          %parallel_loop3A_262 = tpu.vector_load_idx %arg5[%parallel_loop3A_261] : memref<1980xf32, #tpu.memory_space<vmem>>[vector<16xi32>], vector<16xf32>,
          %parallel_loop3A_263 = arith.constant 30 : i32
          %parallel_loop3A_264 = vector.broadcast %parallel_loop3A_263 : i32 to vector<16xi32>
          %parallel_loop3A_265 = arith.addi %parallel_loop3A_142, %parallel_loop3A_264 : vector<16xi32>
          %parallel_loop3A_266 = tpu.vector_load_idx %arg5[%parallel_loop3A_265] : memref<1980xf32, #tpu.memory_space<vmem>>[vector<16xi32>], vector<16xf32>,
          %parallel_loop3A_267 = arith.constant 31 : i32
          %parallel_loop3A_268 = vector.broadcast %parallel_loop3A_267 : i32 to vector<16xi32>
          %parallel_loop3A_269 = arith.addi %parallel_loop3A_142, %parallel_loop3A_268 : vector<16xi32>
          %parallel_loop3A_270 = tpu.vector_load_idx %arg5[%parallel_loop3A_269] : memref<1980xf32, #tpu.memory_space<vmem>>[vector<16xi32>], vector<16xf32>,
          %parallel_loop3A_271 = arith.constant 0 : i32
          %parallel_loop3A_272 = arith.index_cast %parallel_loop3A_271 : i32 to index
          %parallel_loop3A_273 = arith.index_cast %parallel_loop3A_119 : i32 to index
          %parallel_loop3A_274 = tpu.vector_load %arg8[%parallel_loop3A_272, %parallel_loop3A_273] {strides = array<i32>} : memref<32x1280xf32, #tpu.memory_space<vmem>>, vector<16xf32>,
          tpu.vector_store %arg8[%parallel_loop3A_272, %parallel_loop3A_273], %parallel_loop3A_146 {strides = array<i32>} : memref<32x1280xf32, #tpu.memory_space<vmem>>, vector<16xf32>,
          %parallel_loop3A_275 = arith.constant 1 : i32
          %parallel_loop3A_276 = arith.index_cast %parallel_loop3A_275 : i32 to index
          %parallel_loop3A_277 = arith.index_cast %parallel_loop3A_119 : i32 to index
          %parallel_loop3A_278 = tpu.vector_load %arg8[%parallel_loop3A_276, %parallel_loop3A_277] {strides = array<i32>} : memref<32x1280xf32, #tpu.memory_space<vmem>>, vector<16xf32>,
          tpu.vector_store %arg8[%parallel_loop3A_276, %parallel_loop3A_277], %parallel_loop3A_150 {strides = array<i32>} : memref<32x1280xf32, #tpu.memory_space<vmem>>, vector<16xf32>,
          %parallel_loop3A_279 = arith.constant 2 : i32
          %parallel_loop3A_280 = arith.index_cast %parallel_loop3A_279 : i32 to index
          %parallel_loop3A_281 = arith.index_cast %parallel_loop3A_119 : i32 to index
          %parallel_loop3A_282 = tpu.vector_load %arg8[%parallel_loop3A_280, %parallel_loop3A_281] {strides = array<i32>} : memref<32x1280xf32, #tpu.memory_space<vmem>>, vector<16xf32>,
          tpu.vector_store %arg8[%parallel_loop3A_280, %parallel_loop3A_281], %parallel_loop3A_154 {strides = array<i32>} : memref<32x1280xf32, #tpu.memory_space<vmem>>, vector<16xf32>,
          %parallel_loop3A_283 = arith.constant 3 : i32
          %parallel_loop3A_284 = arith.index_cast %parallel_loop3A_283 : i32 to index
          %parallel_loop3A_285 = arith.index_cast %parallel_loop3A_119 : i32 to index
          %parallel_loop3A_286 = tpu.vector_load %arg8[%parallel_loop3A_284, %parallel_loop3A_285] {strides = array<i32>} : memref<32x1280xf32, #tpu.memory_space<vmem>>, vector<16xf32>,
          tpu.vector_store %arg8[%parallel_loop3A_284, %parallel_loop3A_285], %parallel_loop3A_158 {strides = array<i32>} : memref<32x1280xf32, #tpu.memory_space<vmem>>, vector<16xf32>,
          %parallel_loop3A_287 = arith.constant 4 : i32
          %parallel_loop3A_288 = arith.index_cast %parallel_loop3A_287 : i32 to index
          %parallel_loop3A_289 = arith.index_cast %parallel_loop3A_119 : i32 to index
          %parallel_loop3A_290 = tpu.vector_load %arg8[%parallel_loop3A_288, %parallel_loop3A_289] {strides = array<i32>} : memref<32x1280xf32, #tpu.memory_space<vmem>>, vector<16xf32>,
          tpu.vector_store %arg8[%parallel_loop3A_288, %parallel_loop3A_289], %parallel_loop3A_162 {strides = array<i32>} : memref<32x1280xf32, #tpu.memory_space<vmem>>, vector<16xf32>,
          %parallel_loop3A_291 = arith.constant 5 : i32
          %parallel_loop3A_292 = arith.index_cast %parallel_loop3A_291 : i32 to index
          %parallel_loop3A_293 = arith.index_cast %parallel_loop3A_119 : i32 to index
          %parallel_loop3A_294 = tpu.vector_load %arg8[%parallel_loop3A_292, %parallel_loop3A_293] {strides = array<i32>} : memref<32x1280xf32, #tpu.memory_space<vmem>>, vector<16xf32>,
          tpu.vector_store %arg8[%parallel_loop3A_292, %parallel_loop3A_293], %parallel_loop3A_166 {strides = array<i32>} : memref<32x1280xf32, #tpu.memory_space<vmem>>, vector<16xf32>,
          %parallel_loop3A_295 = arith.constant 6 : i32
          %parallel_loop3A_296 = arith.index_cast %parallel_loop3A_295 : i32 to index
          %parallel_loop3A_297 = arith.index_cast %parallel_loop3A_119 : i32 to index
          %parallel_loop3A_298 = tpu.vector_load %arg8[%parallel_loop3A_296, %parallel_loop3A_297] {strides = array<i32>} : memref<32x1280xf32, #tpu.memory_space<vmem>>, vector<16xf32>,
          tpu.vector_store %arg8[%parallel_loop3A_296, %parallel_loop3A_297], %parallel_loop3A_170 {strides = array<i32>} : memref<32x1280xf32, #tpu.memory_space<vmem>>, vector<16xf32>,
          %parallel_loop3A_299 = arith.constant 7 : i32
          %parallel_loop3A_300 = arith.index_cast %parallel_loop3A_299 : i32 to index
          %parallel_loop3A_301 = arith.index_cast %parallel_loop3A_119 : i32 to index
          %parallel_loop3A_302 = tpu.vector_load %arg8[%parallel_loop3A_300, %parallel_loop3A_301] {strides = array<i32>} : memref<32x1280xf32, #tpu.memory_space<vmem>>, vector<16xf32>,
          tpu.vector_store %arg8[%parallel_loop3A_300, %parallel_loop3A_301], %parallel_loop3A_174 {strides = array<i32>} : memref<32x1280xf32, #tpu.memory_space<vmem>>, vector<16xf32>,
          %parallel_loop3A_303 = arith.constant 8 : i32
          %parallel_loop3A_304 = arith.index_cast %parallel_loop3A_303 : i32 to index
          %parallel_loop3A_305 = arith.index_cast %parallel_loop3A_119 : i32 to index
          %parallel_loop3A_306 = tpu.vector_load %arg8[%parallel_loop3A_304, %parallel_loop3A_305] {strides = array<i32>} : memref<32x1280xf32, #tpu.memory_space<vmem>>, vector<16xf32>,
          tpu.vector_store %arg8[%parallel_loop3A_304, %parallel_loop3A_305], %parallel_loop3A_178 {strides = array<i32>} : memref<32x1280xf32, #tpu.memory_space<vmem>>, vector<16xf32>,
          %parallel_loop3A_307 = arith.constant 9 : i32
          %parallel_loop3A_308 = arith.index_cast %parallel_loop3A_307 : i32 to index
          %parallel_loop3A_309 = arith.index_cast %parallel_loop3A_119 : i32 to index
          %parallel_loop3A_310 = tpu.vector_load %arg8[%parallel_loop3A_308, %parallel_loop3A_309] {strides = array<i32>} : memref<32x1280xf32, #tpu.memory_space<vmem>>, vector<16xf32>,
          tpu.vector_store %arg8[%parallel_loop3A_308, %parallel_loop3A_309], %parallel_loop3A_182 {strides = array<i32>} : memref<32x1280xf32, #tpu.memory_space<vmem>>, vector<16xf32>,
          %parallel_loop3A_311 = arith.constant 10 : i32
          %parallel_loop3A_312 = arith.index_cast %parallel_loop3A_311 : i32 to index
          %parallel_loop3A_313 = arith.index_cast %parallel_loop3A_119 : i32 to index
          %parallel_loop3A_314 = tpu.vector_load %arg8[%parallel_loop3A_312, %parallel_loop3A_313] {strides = array<i32>} : memref<32x1280xf32, #tpu.memory_space<vmem>>, vector<16xf32>,
          tpu.vector_store %arg8[%parallel_loop3A_312, %parallel_loop3A_313], %parallel_loop3A_186 {strides = array<i32>} : memref<32x1280xf32, #tpu.memory_space<vmem>>, vector<16xf32>,
          %parallel_loop3A_315 = arith.constant 11 : i32
          %parallel_loop3A_316 = arith.index_cast %parallel_loop3A_315 : i32 to index
          %parallel_loop3A_317 = arith.index_cast %parallel_loop3A_119 : i32 to index
          %parallel_loop3A_318 = tpu.vector_load %arg8[%parallel_loop3A_316, %parallel_loop3A_317] {strides = array<i32>} : memref<32x1280xf32, #tpu.memory_space<vmem>>, vector<16xf32>,
          tpu.vector_store %arg8[%parallel_loop3A_316, %parallel_loop3A_317], %parallel_loop3A_190 {strides = array<i32>} : memref<32x1280xf32, #tpu.memory_space<vmem>>, vector<16xf32>,
          %parallel_loop3A_319 = arith.constant 12 : i32
          %parallel_loop3A_320 = arith.index_cast %parallel_loop3A_319 : i32 to index
          %parallel_loop3A_321 = arith.index_cast %parallel_loop3A_119 : i32 to index
          %parallel_loop3A_322 = tpu.vector_load %arg8[%parallel_loop3A_320, %parallel_loop3A_321] {strides = array<i32>} : memref<32x1280xf32, #tpu.memory_space<vmem>>, vector<16xf32>,
          tpu.vector_store %arg8[%parallel_loop3A_320, %parallel_loop3A_321], %parallel_loop3A_194 {strides = array<i32>} : memref<32x1280xf32, #tpu.memory_space<vmem>>, vector<16xf32>,
          %parallel_loop3A_323 = arith.constant 13 : i32
          %parallel_loop3A_324 = arith.index_cast %parallel_loop3A_323 : i32 to index
          %parallel_loop3A_325 = arith.index_cast %parallel_loop3A_119 : i32 to index
          %parallel_loop3A_326 = tpu.vector_load %arg8[%parallel_loop3A_324, %parallel_loop3A_325] {strides = array<i32>} : memref<32x1280xf32, #tpu.memory_space<vmem>>, vector<16xf32>,
          tpu.vector_store %arg8[%parallel_loop3A_324, %parallel_loop3A_325], %parallel_loop3A_198 {strides = array<i32>} : memref<32x1280xf32, #tpu.memory_space<vmem>>, vector<16xf32>,
          %parallel_loop3A_327 = arith.constant 14 : i32
          %parallel_loop3A_328 = arith.index_cast %parallel_loop3A_327 : i32 to index
          %parallel_loop3A_329 = arith.index_cast %parallel_loop3A_119 : i32 to index
          %parallel_loop3A_330 = tpu.vector_load %arg8[%parallel_loop3A_328, %parallel_loop3A_329] {strides = array<i32>} : memref<32x1280xf32, #tpu.memory_space<vmem>>, vector<16xf32>,
          tpu.vector_store %arg8[%parallel_loop3A_328, %parallel_loop3A_329], %parallel_loop3A_202 {strides = array<i32>} : memref<32x1280xf32, #tpu.memory_space<vmem>>, vector<16xf32>,
          %parallel_loop3A_331 = arith.constant 15 : i32
          %parallel_loop3A_332 = arith.index_cast %parallel_loop3A_331 : i32 to index
          %parallel_loop3A_333 = arith.index_cast %parallel_loop3A_119 : i32 to index
          %parallel_loop3A_334 = tpu.vector_load %arg8[%parallel_loop3A_332, %parallel_loop3A_333] {strides = array<i32>} : memref<32x1280xf32, #tpu.memory_space<vmem>>, vector<16xf32>,
          tpu.vector_store %arg8[%parallel_loop3A_332, %parallel_loop3A_333], %parallel_loop3A_206 {strides = array<i32>} : memref<32x1280xf32, #tpu.memory_space<vmem>>, vector<16xf32>,
          %parallel_loop3A_335 = arith.constant 16 : i32
          %parallel_loop3A_336 = arith.index_cast %parallel_loop3A_335 : i32 to index
          %parallel_loop3A_337 = arith.index_cast %parallel_loop3A_119 : i32 to index
          %parallel_loop3A_338 = tpu.vector_load %arg8[%parallel_loop3A_336, %parallel_loop3A_337] {strides = array<i32>} : memref<32x1280xf32, #tpu.memory_space<vmem>>, vector<16xf32>,
          tpu.vector_store %arg8[%parallel_loop3A_336, %parallel_loop3A_337], %parallel_loop3A_210 {strides = array<i32>} : memref<32x1280xf32, #tpu.memory_space<vmem>>, vector<16xf32>,
          %parallel_loop3A_339 = arith.constant 17 : i32
          %parallel_loop3A_340 = arith.index_cast %parallel_loop3A_339 : i32 to index
          %parallel_loop3A_341 = arith.index_cast %parallel_loop3A_119 : i32 to index
          %parallel_loop3A_342 = tpu.vector_load %arg8[%parallel_loop3A_340, %parallel_loop3A_341] {strides = array<i32>} : memref<32x1280xf32, #tpu.memory_space<vmem>>, vector<16xf32>,
          tpu.vector_store %arg8[%parallel_loop3A_340, %parallel_loop3A_341], %parallel_loop3A_214 {strides = array<i32>} : memref<32x1280xf32, #tpu.memory_space<vmem>>, vector<16xf32>,
          %parallel_loop3A_343 = arith.constant 18 : i32
          %parallel_loop3A_344 = arith.index_cast %parallel_loop3A_343 : i32 to index
          %parallel_loop3A_345 = arith.index_cast %parallel_loop3A_119 : i32 to index
          %parallel_loop3A_346 = tpu.vector_load %arg8[%parallel_loop3A_344, %parallel_loop3A_345] {strides = array<i32>} : memref<32x1280xf32, #tpu.memory_space<vmem>>, vector<16xf32>,
          tpu.vector_store %arg8[%parallel_loop3A_344, %parallel_loop3A_345], %parallel_loop3A_218 {strides = array<i32>} : memref<32x1280xf32, #tpu.memory_space<vmem>>, vector<16xf32>,
          %parallel_loop3A_347 = arith.constant 19 : i32
          %parallel_loop3A_348 = arith.index_cast %parallel_loop3A_347 : i32 to index
          %parallel_loop3A_349 = arith.index_cast %parallel_loop3A_119 : i32 to index
          %parallel_loop3A_350 = tpu.vector_load %arg8[%parallel_loop3A_348, %parallel_loop3A_349] {strides = array<i32>} : memref<32x1280xf32, #tpu.memory_space<vmem>>, vector<16xf32>,
          tpu.vector_store %arg8[%parallel_loop3A_348, %parallel_loop3A_349], %parallel_loop3A_222 {strides = array<i32>} : memref<32x1280xf32, #tpu.memory_space<vmem>>, vector<16xf32>,
          %parallel_loop3A_351 = arith.constant 20 : i32
          %parallel_loop3A_352 = arith.index_cast %parallel_loop3A_351 : i32 to index
          %parallel_loop3A_353 = arith.index_cast %parallel_loop3A_119 : i32 to index
          %parallel_loop3A_354 = tpu.vector_load %arg8[%parallel_loop3A_352, %parallel_loop3A_353] {strides = array<i32>} : memref<32x1280xf32, #tpu.memory_space<vmem>>, vector<16xf32>,
          tpu.vector_store %arg8[%parallel_loop3A_352, %parallel_loop3A_353], %parallel_loop3A_226 {strides = array<i32>} : memref<32x1280xf32, #tpu.memory_space<vmem>>, vector<16xf32>,
          %parallel_loop3A_355 = arith.constant 21 : i32
          %parallel_loop3A_356 = arith.index_cast %parallel_loop3A_355 : i32 to index
          %parallel_loop3A_357 = arith.index_cast %parallel_loop3A_119 : i32 to index
          %parallel_loop3A_358 = tpu.vector_load %arg8[%parallel_loop3A_356, %parallel_loop3A_357] {strides = array<i32>} : memref<32x1280xf32, #tpu.memory_space<vmem>>, vector<16xf32>,
          tpu.vector_store %arg8[%parallel_loop3A_356, %parallel_loop3A_357], %parallel_loop3A_230 {strides = array<i32>} : memref<32x1280xf32, #tpu.memory_space<vmem>>, vector<16xf32>,
          %parallel_loop3A_359 = arith.constant 22 : i32
          %parallel_loop3A_360 = arith.index_cast %parallel_loop3A_359 : i32 to index
          %parallel_loop3A_361 = arith.index_cast %parallel_loop3A_119 : i32 to index
          %parallel_loop3A_362 = tpu.vector_load %arg8[%parallel_loop3A_360, %parallel_loop3A_361] {strides = array<i32>} : memref<32x1280xf32, #tpu.memory_space<vmem>>, vector<16xf32>,
          tpu.vector_store %arg8[%parallel_loop3A_360, %parallel_loop3A_361], %parallel_loop3A_234 {strides = array<i32>} : memref<32x1280xf32, #tpu.memory_space<vmem>>, vector<16xf32>,
          %parallel_loop3A_363 = arith.constant 23 : i32
          %parallel_loop3A_364 = arith.index_cast %parallel_loop3A_363 : i32 to index
          %parallel_loop3A_365 = arith.index_cast %parallel_loop3A_119 : i32 to index
          %parallel_loop3A_366 = tpu.vector_load %arg8[%parallel_loop3A_364, %parallel_loop3A_365] {strides = array<i32>} : memref<32x1280xf32, #tpu.memory_space<vmem>>, vector<16xf32>,
          tpu.vector_store %arg8[%parallel_loop3A_364, %parallel_loop3A_365], %parallel_loop3A_238 {strides = array<i32>} : memref<32x1280xf32, #tpu.memory_space<vmem>>, vector<16xf32>,
          %parallel_loop3A_367 = arith.constant 24 : i32
          %parallel_loop3A_368 = arith.index_cast %parallel_loop3A_367 : i32 to index
          %parallel_loop3A_369 = arith.index_cast %parallel_loop3A_119 : i32 to index
          %parallel_loop3A_370 = tpu.vector_load %arg8[%parallel_loop3A_368, %parallel_loop3A_369] {strides = array<i32>} : memref<32x1280xf32, #tpu.memory_space<vmem>>, vector<16xf32>,
          tpu.vector_store %arg8[%parallel_loop3A_368, %parallel_loop3A_369], %parallel_loop3A_242 {strides = array<i32>} : memref<32x1280xf32, #tpu.memory_space<vmem>>, vector<16xf32>,
          %parallel_loop3A_371 = arith.constant 25 : i32
          %parallel_loop3A_372 = arith.index_cast %parallel_loop3A_371 : i32 to index
          %parallel_loop3A_373 = arith.index_cast %parallel_loop3A_119 : i32 to index
          %parallel_loop3A_374 = tpu.vector_load %arg8[%parallel_loop3A_372, %parallel_loop3A_373] {strides = array<i32>} : memref<32x1280xf32, #tpu.memory_space<vmem>>, vector<16xf32>,
          tpu.vector_store %arg8[%parallel_loop3A_372, %parallel_loop3A_373], %parallel_loop3A_246 {strides = array<i32>} : memref<32x1280xf32, #tpu.memory_space<vmem>>, vector<16xf32>,
          %parallel_loop3A_375 = arith.constant 26 : i32
          %parallel_loop3A_376 = arith.index_cast %parallel_loop3A_375 : i32 to index
          %parallel_loop3A_377 = arith.index_cast %parallel_loop3A_119 : i32 to index
          %parallel_loop3A_378 = tpu.vector_load %arg8[%parallel_loop3A_376, %parallel_loop3A_377] {strides = array<i32>} : memref<32x1280xf32, #tpu.memory_space<vmem>>, vector<16xf32>,
          tpu.vector_store %arg8[%parallel_loop3A_376, %parallel_loop3A_377], %parallel_loop3A_250 {strides = array<i32>} : memref<32x1280xf32, #tpu.memory_space<vmem>>, vector<16xf32>,
          %parallel_loop3A_379 = arith.constant 27 : i32
          %parallel_loop3A_380 = arith.index_cast %parallel_loop3A_379 : i32 to index
          %parallel_loop3A_381 = arith.index_cast %parallel_loop3A_119 : i32 to index
          %parallel_loop3A_382 = tpu.vector_load %arg8[%parallel_loop3A_380, %parallel_loop3A_381] {strides = array<i32>} : memref<32x1280xf32, #tpu.memory_space<vmem>>, vector<16xf32>,
          tpu.vector_store %arg8[%parallel_loop3A_380, %parallel_loop3A_381], %parallel_loop3A_254 {strides = array<i32>} : memref<32x1280xf32, #tpu.memory_space<vmem>>, vector<16xf32>,
          %parallel_loop3A_383 = arith.constant 28 : i32
          %parallel_loop3A_384 = arith.index_cast %parallel_loop3A_383 : i32 to index
          %parallel_loop3A_385 = arith.index_cast %parallel_loop3A_119 : i32 to index
          %parallel_loop3A_386 = tpu.vector_load %arg8[%parallel_loop3A_384, %parallel_loop3A_385] {strides = array<i32>} : memref<32x1280xf32, #tpu.memory_space<vmem>>, vector<16xf32>,
          tpu.vector_store %arg8[%parallel_loop3A_384, %parallel_loop3A_385], %parallel_loop3A_258 {strides = array<i32>} : memref<32x1280xf32, #tpu.memory_space<vmem>>, vector<16xf32>,
          %parallel_loop3A_387 = arith.constant 29 : i32
          %parallel_loop3A_388 = arith.index_cast %parallel_loop3A_387 : i32 to index
          %parallel_loop3A_389 = arith.index_cast %parallel_loop3A_119 : i32 to index
          %parallel_loop3A_390 = tpu.vector_load %arg8[%parallel_loop3A_388, %parallel_loop3A_389] {strides = array<i32>} : memref<32x1280xf32, #tpu.memory_space<vmem>>, vector<16xf32>,
          tpu.vector_store %arg8[%parallel_loop3A_388, %parallel_loop3A_389], %parallel_loop3A_262 {strides = array<i32>} : memref<32x1280xf32, #tpu.memory_space<vmem>>, vector<16xf32>,
          %parallel_loop3A_391 = arith.constant 30 : i32
          %parallel_loop3A_392 = arith.index_cast %parallel_loop3A_391 : i32 to index
          %parallel_loop3A_393 = arith.index_cast %parallel_loop3A_119 : i32 to index
          %parallel_loop3A_394 = tpu.vector_load %arg8[%parallel_loop3A_392, %parallel_loop3A_393] {strides = array<i32>} : memref<32x1280xf32, #tpu.memory_space<vmem>>, vector<16xf32>,
          tpu.vector_store %arg8[%parallel_loop3A_392, %parallel_loop3A_393], %parallel_loop3A_266 {strides = array<i32>} : memref<32x1280xf32, #tpu.memory_space<vmem>>, vector<16xf32>,
          %parallel_loop3A_395 = arith.constant 31 : i32
          %parallel_loop3A_396 = arith.index_cast %parallel_loop3A_395 : i32 to index
          %parallel_loop3A_397 = arith.index_cast %parallel_loop3A_119 : i32 to index
          %parallel_loop3A_398 = tpu.vector_load %arg8[%parallel_loop3A_396, %parallel_loop3A_397] {strides = array<i32>} : memref<32x1280xf32, #tpu.memory_space<vmem>>, vector<16xf32>,
          tpu.vector_store %arg8[%parallel_loop3A_396, %parallel_loop3A_397], %parallel_loop3A_270 {strides = array<i32>} : memref<32x1280xf32, #tpu.memory_space<vmem>>, vector<16xf32>,
        } {sc.loop_unroll_factor = 1 : i64, sc.parallel_access}
        %dma_start3A_80 = arith.constant 0 : i32
        %dma_start3A_81 = tpu.memref_slice %arg4[%dma_start3A_80, %mul3A_68] : memref<32x1600000xf32, #tpu.memory_space<hbm>> -> memref<32x1280xf32, #tpu.memory_space<hbm>>
        %dma_start3A_82 = arith.constant 0 : i32
        %dma_start3A_83 = tpu.memref_slice %arg4[%dma_start3A_82, %mul3A_68] : memref<32x1600000xf32, #tpu.memory_space<hbm>> -> memref<32x1280xf32, #tpu.memory_space<hbm>>
        tpu.enqueue_dma source(%arg8 : memref<32x1280xf32, #tpu.memory_space<vmem>>) target(%dma_start3A_83 : memref<32x1280xf32, #tpu.memory_space<hbm>>) target_semaphore(%arg10 : memref<!tpu.dma_semaphore, #tpu.memory_space<semaphore_mem>>)
        %add3A_84 = arith.constant 64 : i32
        %add3A_85 = arith.addi %mul3A_66, %add3A_84 : i32
        %lt3A_86 = arith.constant 1250 : i32
        %lt3A_87 = arith.cmpi slt, %add3A_85, %lt3A_86 : i32
        %convert_element_type3A_88 = arith.extui %lt3A_87 : i1 to i32
        %cond3A_89 = arith.constant 0 : i32
        %cond3A_90 = arith.cmpi ne, %convert_element_type3A_88, %cond3A_89 : i32
        scf.if %cond3A_90 {
          %mul3A_119 = arith.constant 1280 : i32
          %mul3A_120 = arith.muli %add3A_85, %mul3A_119 : i32
          %dma_start3A_121 = arith.constant 0 : i32
          %dma_start3A_122 = tpu.memref_slice %arg2[%dma_start3A_121, %mul3A_120] : memref<3x1600000xi32, #tpu.memory_space<hbm>> -> memref<3x1280xi32, #tpu.memory_space<hbm>>
          %dma_start3A_123 = arith.constant 0 : i32
          %dma_start3A_124 = tpu.memref_slice %arg2[%dma_start3A_123, %mul3A_120] : memref<3x1600000xi32, #tpu.memory_space<hbm>> -> memref<3x1280xi32, #tpu.memory_space<hbm>>
          tpu.enqueue_dma source(%dma_start3A_124 : memref<3x1280xi32, #tpu.memory_space<hbm>>) target(%arg6 : memref<3x1280xi32, #tpu.memory_space<vmem>>) target_semaphore(%arg12 : memref<!tpu.dma_semaphore, #tpu.memory_space<semaphore_mem>>)
        } else {
        }
        %mul3A_91 = arith.constant 2 : i32
        %mul3A_92 = arith.muli %add3A_59, %mul3A_91 : i32
        %add3A_93 = arith.constant 1 : i32
        %add3A_94 = arith.addi %mul3A_92, %add3A_93 : i32
        %mul3A_95 = arith.constant 1280 : i32
        %mul3A_96 = arith.muli %add3A_94, %mul3A_95 : i32
        %dma_wait3A_97 = arith.constant 0 : i32
        %dma_wait3A_98 = tpu.memref_slice %arg2[%dma_wait3A_97, %mul3A_96] : memref<3x1600000xi32, #tpu.memory_space<hbm>> -> memref<3x1280xi32, #tpu.memory_space<hbm>>
        %dma_wait3A_99 = arith.constant 0 : i32
        %dma_wait3A_100 = tpu.memref_slice %arg2[%dma_wait3A_99, %mul3A_96] : memref<3x1600000xi32, #tpu.memory_space<hbm>> -> memref<3x1280xi32, #tpu.memory_space<hbm>>
        tpu.wait_dma2 semaphore(%arg13 : memref<!tpu.dma_semaphore, #tpu.memory_space<semaphore_mem>>) src(%dma_wait3A_100 : memref<3x1280xi32, #tpu.memory_space<hbm>>) dst(%arg7 : memref<3x1280xi32, #tpu.memory_space<vmem>>)
        %dma_wait3A_101 = arith.constant 0 : i32
        %dma_wait3A_102 = tpu.memref_slice %arg4[%dma_wait3A_101, %mul3A_96] : memref<32x1600000xf32, #tpu.memory_space<hbm>> -> memref<32x1280xf32, #tpu.memory_space<hbm>>
        %dma_wait3A_103 = arith.constant 0 : i32
        %dma_wait3A_104 = tpu.memref_slice %arg4[%dma_wait3A_103, %mul3A_96] : memref<32x1600000xf32, #tpu.memory_space<hbm>> -> memref<32x1280xf32, #tpu.memory_space<hbm>>
        tpu.wait_dma2 semaphore(%arg11 : memref<!tpu.dma_semaphore, #tpu.memory_space<semaphore_mem>>) src(%arg9 : memref<32x1280xf32, #tpu.memory_space<vmem>>) dst(%dma_wait3A_104 : memref<32x1280xf32, #tpu.memory_space<hbm>>)
        %parallel_loop3A_105 = arith.constant 0 : i32
        %parallel_loop3A_106 = arith.constant 1280 : i32
        %parallel_loop3A_107 = arith.constant 16 : i32
        scf.for %parallel_loop3A_119 = %parallel_loop3A_105 to %parallel_loop3A_106 step %parallel_loop3A_107  : i32 {
          %parallel_loop3A_120 = arith.constant 0 : i32
          %parallel_loop3A_121 = arith.index_cast %parallel_loop3A_120 : i32 to index
          %parallel_loop3A_122 = arith.index_cast %parallel_loop3A_119 : i32 to index
          %parallel_loop3A_123 = tpu.vector_load %arg7[%parallel_loop3A_121, %parallel_loop3A_122] {strides = array<i32>} : memref<3x1280xi32, #tpu.memory_space<vmem>>, vector<16xi32>,
          %parallel_loop3A_124 = arith.constant 1 : i32
          %parallel_loop3A_125 = arith.index_cast %parallel_loop3A_124 : i32 to index
          %parallel_loop3A_126 = arith.index_cast %parallel_loop3A_119 : i32 to index
          %parallel_loop3A_127 = tpu.vector_load %arg7[%parallel_loop3A_125, %parallel_loop3A_126] {strides = array<i32>} : memref<3x1280xi32, #tpu.memory_space<vmem>>, vector<16xi32>,
          %parallel_loop3A_128 = arith.constant 2 : i32
          %parallel_loop3A_129 = arith.index_cast %parallel_loop3A_128 : i32 to index
          %parallel_loop3A_130 = arith.index_cast %parallel_loop3A_119 : i32 to index
          %parallel_loop3A_131 = tpu.vector_load %arg7[%parallel_loop3A_129, %parallel_loop3A_130] {strides = array<i32>} : memref<3x1280xi32, #tpu.memory_space<vmem>>, vector<16xi32>,
          %parallel_loop3A_132 = arith.constant 396 : i32
          %parallel_loop3A_133 = vector.broadcast %parallel_loop3A_132 : i32 to vector<16xi32>
          %parallel_loop3A_134 = arith.muli %parallel_loop3A_123, %parallel_loop3A_133 : vector<16xi32>
          %parallel_loop3A_135 = arith.constant 66 : i32
          %parallel_loop3A_136 = vector.broadcast %parallel_loop3A_135 : i32 to vector<16xi32>
          %parallel_loop3A_137 = arith.muli %parallel_loop3A_127, %parallel_loop3A_136 : vector<16xi32>
          %parallel_loop3A_138 = arith.addi %parallel_loop3A_134, %parallel_loop3A_137 : vector<16xi32>
          %parallel_loop3A_139 = arith.constant 33 : i32
          %parallel_loop3A_140 = vector.broadcast %parallel_loop3A_139 : i32 to vector<16xi32>
          %parallel_loop3A_141 = arith.muli %parallel_loop3A_131, %parallel_loop3A_140 : vector<16xi32>
          %parallel_loop3A_142 = arith.addi %parallel_loop3A_138, %parallel_loop3A_141 : vector<16xi32>
          %parallel_loop3A_143 = arith.constant 0 : i32
          %parallel_loop3A_144 = vector.broadcast %parallel_loop3A_143 : i32 to vector<16xi32>
          %parallel_loop3A_145 = arith.addi %parallel_loop3A_142, %parallel_loop3A_144 : vector<16xi32>
          %parallel_loop3A_146 = tpu.vector_load_idx %arg5[%parallel_loop3A_145] : memref<1980xf32, #tpu.memory_space<vmem>>[vector<16xi32>], vector<16xf32>,
          %parallel_loop3A_147 = arith.constant 1 : i32
          %parallel_loop3A_148 = vector.broadcast %parallel_loop3A_147 : i32 to vector<16xi32>
          %parallel_loop3A_149 = arith.addi %parallel_loop3A_142, %parallel_loop3A_148 : vector<16xi32>
          %parallel_loop3A_150 = tpu.vector_load_idx %arg5[%parallel_loop3A_149] : memref<1980xf32, #tpu.memory_space<vmem>>[vector<16xi32>], vector<16xf32>,
          %parallel_loop3A_151 = arith.constant 2 : i32
          %parallel_loop3A_152 = vector.broadcast %parallel_loop3A_151 : i32 to vector<16xi32>
          %parallel_loop3A_153 = arith.addi %parallel_loop3A_142, %parallel_loop3A_152 : vector<16xi32>
          %parallel_loop3A_154 = tpu.vector_load_idx %arg5[%parallel_loop3A_153] : memref<1980xf32, #tpu.memory_space<vmem>>[vector<16xi32>], vector<16xf32>,
          %parallel_loop3A_155 = arith.constant 3 : i32
          %parallel_loop3A_156 = vector.broadcast %parallel_loop3A_155 : i32 to vector<16xi32>
          %parallel_loop3A_157 = arith.addi %parallel_loop3A_142, %parallel_loop3A_156 : vector<16xi32>
          %parallel_loop3A_158 = tpu.vector_load_idx %arg5[%parallel_loop3A_157] : memref<1980xf32, #tpu.memory_space<vmem>>[vector<16xi32>], vector<16xf32>,
          %parallel_loop3A_159 = arith.constant 4 : i32
          %parallel_loop3A_160 = vector.broadcast %parallel_loop3A_159 : i32 to vector<16xi32>
          %parallel_loop3A_161 = arith.addi %parallel_loop3A_142, %parallel_loop3A_160 : vector<16xi32>
          %parallel_loop3A_162 = tpu.vector_load_idx %arg5[%parallel_loop3A_161] : memref<1980xf32, #tpu.memory_space<vmem>>[vector<16xi32>], vector<16xf32>,
          %parallel_loop3A_163 = arith.constant 5 : i32
          %parallel_loop3A_164 = vector.broadcast %parallel_loop3A_163 : i32 to vector<16xi32>
          %parallel_loop3A_165 = arith.addi %parallel_loop3A_142, %parallel_loop3A_164 : vector<16xi32>
          %parallel_loop3A_166 = tpu.vector_load_idx %arg5[%parallel_loop3A_165] : memref<1980xf32, #tpu.memory_space<vmem>>[vector<16xi32>], vector<16xf32>,
          %parallel_loop3A_167 = arith.constant 6 : i32
          %parallel_loop3A_168 = vector.broadcast %parallel_loop3A_167 : i32 to vector<16xi32>
          %parallel_loop3A_169 = arith.addi %parallel_loop3A_142, %parallel_loop3A_168 : vector<16xi32>
          %parallel_loop3A_170 = tpu.vector_load_idx %arg5[%parallel_loop3A_169] : memref<1980xf32, #tpu.memory_space<vmem>>[vector<16xi32>], vector<16xf32>,
          %parallel_loop3A_171 = arith.constant 7 : i32
          %parallel_loop3A_172 = vector.broadcast %parallel_loop3A_171 : i32 to vector<16xi32>
          %parallel_loop3A_173 = arith.addi %parallel_loop3A_142, %parallel_loop3A_172 : vector<16xi32>
          %parallel_loop3A_174 = tpu.vector_load_idx %arg5[%parallel_loop3A_173] : memref<1980xf32, #tpu.memory_space<vmem>>[vector<16xi32>], vector<16xf32>,
          %parallel_loop3A_175 = arith.constant 8 : i32
          %parallel_loop3A_176 = vector.broadcast %parallel_loop3A_175 : i32 to vector<16xi32>
          %parallel_loop3A_177 = arith.addi %parallel_loop3A_142, %parallel_loop3A_176 : vector<16xi32>
          %parallel_loop3A_178 = tpu.vector_load_idx %arg5[%parallel_loop3A_177] : memref<1980xf32, #tpu.memory_space<vmem>>[vector<16xi32>], vector<16xf32>,
          %parallel_loop3A_179 = arith.constant 9 : i32
          %parallel_loop3A_180 = vector.broadcast %parallel_loop3A_179 : i32 to vector<16xi32>
          %parallel_loop3A_181 = arith.addi %parallel_loop3A_142, %parallel_loop3A_180 : vector<16xi32>
          %parallel_loop3A_182 = tpu.vector_load_idx %arg5[%parallel_loop3A_181] : memref<1980xf32, #tpu.memory_space<vmem>>[vector<16xi32>], vector<16xf32>,
          %parallel_loop3A_183 = arith.constant 10 : i32
          %parallel_loop3A_184 = vector.broadcast %parallel_loop3A_183 : i32 to vector<16xi32>
          %parallel_loop3A_185 = arith.addi %parallel_loop3A_142, %parallel_loop3A_184 : vector<16xi32>
          %parallel_loop3A_186 = tpu.vector_load_idx %arg5[%parallel_loop3A_185] : memref<1980xf32, #tpu.memory_space<vmem>>[vector<16xi32>], vector<16xf32>,
          %parallel_loop3A_187 = arith.constant 11 : i32
          %parallel_loop3A_188 = vector.broadcast %parallel_loop3A_187 : i32 to vector<16xi32>
          %parallel_loop3A_189 = arith.addi %parallel_loop3A_142, %parallel_loop3A_188 : vector<16xi32>
          %parallel_loop3A_190 = tpu.vector_load_idx %arg5[%parallel_loop3A_189] : memref<1980xf32, #tpu.memory_space<vmem>>[vector<16xi32>], vector<16xf32>,
          %parallel_loop3A_191 = arith.constant 12 : i32
          %parallel_loop3A_192 = vector.broadcast %parallel_loop3A_191 : i32 to vector<16xi32>
          %parallel_loop3A_193 = arith.addi %parallel_loop3A_142, %parallel_loop3A_192 : vector<16xi32>
          %parallel_loop3A_194 = tpu.vector_load_idx %arg5[%parallel_loop3A_193] : memref<1980xf32, #tpu.memory_space<vmem>>[vector<16xi32>], vector<16xf32>,
          %parallel_loop3A_195 = arith.constant 13 : i32
          %parallel_loop3A_196 = vector.broadcast %parallel_loop3A_195 : i32 to vector<16xi32>
          %parallel_loop3A_197 = arith.addi %parallel_loop3A_142, %parallel_loop3A_196 : vector<16xi32>
          %parallel_loop3A_198 = tpu.vector_load_idx %arg5[%parallel_loop3A_197] : memref<1980xf32, #tpu.memory_space<vmem>>[vector<16xi32>], vector<16xf32>,
          %parallel_loop3A_199 = arith.constant 14 : i32
          %parallel_loop3A_200 = vector.broadcast %parallel_loop3A_199 : i32 to vector<16xi32>
          %parallel_loop3A_201 = arith.addi %parallel_loop3A_142, %parallel_loop3A_200 : vector<16xi32>
          %parallel_loop3A_202 = tpu.vector_load_idx %arg5[%parallel_loop3A_201] : memref<1980xf32, #tpu.memory_space<vmem>>[vector<16xi32>], vector<16xf32>,
          %parallel_loop3A_203 = arith.constant 15 : i32
          %parallel_loop3A_204 = vector.broadcast %parallel_loop3A_203 : i32 to vector<16xi32>
          %parallel_loop3A_205 = arith.addi %parallel_loop3A_142, %parallel_loop3A_204 : vector<16xi32>
          %parallel_loop3A_206 = tpu.vector_load_idx %arg5[%parallel_loop3A_205] : memref<1980xf32, #tpu.memory_space<vmem>>[vector<16xi32>], vector<16xf32>,
          %parallel_loop3A_207 = arith.constant 16 : i32
          %parallel_loop3A_208 = vector.broadcast %parallel_loop3A_207 : i32 to vector<16xi32>
          %parallel_loop3A_209 = arith.addi %parallel_loop3A_142, %parallel_loop3A_208 : vector<16xi32>
          %parallel_loop3A_210 = tpu.vector_load_idx %arg5[%parallel_loop3A_209] : memref<1980xf32, #tpu.memory_space<vmem>>[vector<16xi32>], vector<16xf32>,
          %parallel_loop3A_211 = arith.constant 17 : i32
          %parallel_loop3A_212 = vector.broadcast %parallel_loop3A_211 : i32 to vector<16xi32>
          %parallel_loop3A_213 = arith.addi %parallel_loop3A_142, %parallel_loop3A_212 : vector<16xi32>
          %parallel_loop3A_214 = tpu.vector_load_idx %arg5[%parallel_loop3A_213] : memref<1980xf32, #tpu.memory_space<vmem>>[vector<16xi32>], vector<16xf32>,
          %parallel_loop3A_215 = arith.constant 18 : i32
          %parallel_loop3A_216 = vector.broadcast %parallel_loop3A_215 : i32 to vector<16xi32>
          %parallel_loop3A_217 = arith.addi %parallel_loop3A_142, %parallel_loop3A_216 : vector<16xi32>
          %parallel_loop3A_218 = tpu.vector_load_idx %arg5[%parallel_loop3A_217] : memref<1980xf32, #tpu.memory_space<vmem>>[vector<16xi32>], vector<16xf32>,
          %parallel_loop3A_219 = arith.constant 19 : i32
          %parallel_loop3A_220 = vector.broadcast %parallel_loop3A_219 : i32 to vector<16xi32>
          %parallel_loop3A_221 = arith.addi %parallel_loop3A_142, %parallel_loop3A_220 : vector<16xi32>
          %parallel_loop3A_222 = tpu.vector_load_idx %arg5[%parallel_loop3A_221] : memref<1980xf32, #tpu.memory_space<vmem>>[vector<16xi32>], vector<16xf32>,
          %parallel_loop3A_223 = arith.constant 20 : i32
          %parallel_loop3A_224 = vector.broadcast %parallel_loop3A_223 : i32 to vector<16xi32>
          %parallel_loop3A_225 = arith.addi %parallel_loop3A_142, %parallel_loop3A_224 : vector<16xi32>
          %parallel_loop3A_226 = tpu.vector_load_idx %arg5[%parallel_loop3A_225] : memref<1980xf32, #tpu.memory_space<vmem>>[vector<16xi32>], vector<16xf32>,
          %parallel_loop3A_227 = arith.constant 21 : i32
          %parallel_loop3A_228 = vector.broadcast %parallel_loop3A_227 : i32 to vector<16xi32>
          %parallel_loop3A_229 = arith.addi %parallel_loop3A_142, %parallel_loop3A_228 : vector<16xi32>
          %parallel_loop3A_230 = tpu.vector_load_idx %arg5[%parallel_loop3A_229] : memref<1980xf32, #tpu.memory_space<vmem>>[vector<16xi32>], vector<16xf32>,
          %parallel_loop3A_231 = arith.constant 22 : i32
          %parallel_loop3A_232 = vector.broadcast %parallel_loop3A_231 : i32 to vector<16xi32>
          %parallel_loop3A_233 = arith.addi %parallel_loop3A_142, %parallel_loop3A_232 : vector<16xi32>
          %parallel_loop3A_234 = tpu.vector_load_idx %arg5[%parallel_loop3A_233] : memref<1980xf32, #tpu.memory_space<vmem>>[vector<16xi32>], vector<16xf32>,
          %parallel_loop3A_235 = arith.constant 23 : i32
          %parallel_loop3A_236 = vector.broadcast %parallel_loop3A_235 : i32 to vector<16xi32>
          %parallel_loop3A_237 = arith.addi %parallel_loop3A_142, %parallel_loop3A_236 : vector<16xi32>
          %parallel_loop3A_238 = tpu.vector_load_idx %arg5[%parallel_loop3A_237] : memref<1980xf32, #tpu.memory_space<vmem>>[vector<16xi32>], vector<16xf32>,
          %parallel_loop3A_239 = arith.constant 24 : i32
          %parallel_loop3A_240 = vector.broadcast %parallel_loop3A_239 : i32 to vector<16xi32>
          %parallel_loop3A_241 = arith.addi %parallel_loop3A_142, %parallel_loop3A_240 : vector<16xi32>
          %parallel_loop3A_242 = tpu.vector_load_idx %arg5[%parallel_loop3A_241] : memref<1980xf32, #tpu.memory_space<vmem>>[vector<16xi32>], vector<16xf32>,
          %parallel_loop3A_243 = arith.constant 25 : i32
          %parallel_loop3A_244 = vector.broadcast %parallel_loop3A_243 : i32 to vector<16xi32>
          %parallel_loop3A_245 = arith.addi %parallel_loop3A_142, %parallel_loop3A_244 : vector<16xi32>
          %parallel_loop3A_246 = tpu.vector_load_idx %arg5[%parallel_loop3A_245] : memref<1980xf32, #tpu.memory_space<vmem>>[vector<16xi32>], vector<16xf32>,
          %parallel_loop3A_247 = arith.constant 26 : i32
          %parallel_loop3A_248 = vector.broadcast %parallel_loop3A_247 : i32 to vector<16xi32>
          %parallel_loop3A_249 = arith.addi %parallel_loop3A_142, %parallel_loop3A_248 : vector<16xi32>
          %parallel_loop3A_250 = tpu.vector_load_idx %arg5[%parallel_loop3A_249] : memref<1980xf32, #tpu.memory_space<vmem>>[vector<16xi32>], vector<16xf32>,
          %parallel_loop3A_251 = arith.constant 27 : i32
          %parallel_loop3A_252 = vector.broadcast %parallel_loop3A_251 : i32 to vector<16xi32>
          %parallel_loop3A_253 = arith.addi %parallel_loop3A_142, %parallel_loop3A_252 : vector<16xi32>
          %parallel_loop3A_254 = tpu.vector_load_idx %arg5[%parallel_loop3A_253] : memref<1980xf32, #tpu.memory_space<vmem>>[vector<16xi32>], vector<16xf32>,
          %parallel_loop3A_255 = arith.constant 28 : i32
          %parallel_loop3A_256 = vector.broadcast %parallel_loop3A_255 : i32 to vector<16xi32>
          %parallel_loop3A_257 = arith.addi %parallel_loop3A_142, %parallel_loop3A_256 : vector<16xi32>
          %parallel_loop3A_258 = tpu.vector_load_idx %arg5[%parallel_loop3A_257] : memref<1980xf32, #tpu.memory_space<vmem>>[vector<16xi32>], vector<16xf32>,
          %parallel_loop3A_259 = arith.constant 29 : i32
          %parallel_loop3A_260 = vector.broadcast %parallel_loop3A_259 : i32 to vector<16xi32>
          %parallel_loop3A_261 = arith.addi %parallel_loop3A_142, %parallel_loop3A_260 : vector<16xi32>
          %parallel_loop3A_262 = tpu.vector_load_idx %arg5[%parallel_loop3A_261] : memref<1980xf32, #tpu.memory_space<vmem>>[vector<16xi32>], vector<16xf32>,
          %parallel_loop3A_263 = arith.constant 30 : i32
          %parallel_loop3A_264 = vector.broadcast %parallel_loop3A_263 : i32 to vector<16xi32>
          %parallel_loop3A_265 = arith.addi %parallel_loop3A_142, %parallel_loop3A_264 : vector<16xi32>
          %parallel_loop3A_266 = tpu.vector_load_idx %arg5[%parallel_loop3A_265] : memref<1980xf32, #tpu.memory_space<vmem>>[vector<16xi32>], vector<16xf32>,
          %parallel_loop3A_267 = arith.constant 31 : i32
          %parallel_loop3A_268 = vector.broadcast %parallel_loop3A_267 : i32 to vector<16xi32>
          %parallel_loop3A_269 = arith.addi %parallel_loop3A_142, %parallel_loop3A_268 : vector<16xi32>
          %parallel_loop3A_270 = tpu.vector_load_idx %arg5[%parallel_loop3A_269] : memref<1980xf32, #tpu.memory_space<vmem>>[vector<16xi32>], vector<16xf32>,
          %parallel_loop3A_271 = arith.constant 0 : i32
          %parallel_loop3A_272 = arith.index_cast %parallel_loop3A_271 : i32 to index
          %parallel_loop3A_273 = arith.index_cast %parallel_loop3A_119 : i32 to index
          %parallel_loop3A_274 = tpu.vector_load %arg9[%parallel_loop3A_272, %parallel_loop3A_273] {strides = array<i32>} : memref<32x1280xf32, #tpu.memory_space<vmem>>, vector<16xf32>,
          tpu.vector_store %arg9[%parallel_loop3A_272, %parallel_loop3A_273], %parallel_loop3A_146 {strides = array<i32>} : memref<32x1280xf32, #tpu.memory_space<vmem>>, vector<16xf32>,
          %parallel_loop3A_275 = arith.constant 1 : i32
          %parallel_loop3A_276 = arith.index_cast %parallel_loop3A_275 : i32 to index
          %parallel_loop3A_277 = arith.index_cast %parallel_loop3A_119 : i32 to index
          %parallel_loop3A_278 = tpu.vector_load %arg9[%parallel_loop3A_276, %parallel_loop3A_277] {strides = array<i32>} : memref<32x1280xf32, #tpu.memory_space<vmem>>, vector<16xf32>,
          tpu.vector_store %arg9[%parallel_loop3A_276, %parallel_loop3A_277], %parallel_loop3A_150 {strides = array<i32>} : memref<32x1280xf32, #tpu.memory_space<vmem>>, vector<16xf32>,
          %parallel_loop3A_279 = arith.constant 2 : i32
          %parallel_loop3A_280 = arith.index_cast %parallel_loop3A_279 : i32 to index
          %parallel_loop3A_281 = arith.index_cast %parallel_loop3A_119 : i32 to index
          %parallel_loop3A_282 = tpu.vector_load %arg9[%parallel_loop3A_280, %parallel_loop3A_281] {strides = array<i32>} : memref<32x1280xf32, #tpu.memory_space<vmem>>, vector<16xf32>,
          tpu.vector_store %arg9[%parallel_loop3A_280, %parallel_loop3A_281], %parallel_loop3A_154 {strides = array<i32>} : memref<32x1280xf32, #tpu.memory_space<vmem>>, vector<16xf32>,
          %parallel_loop3A_283 = arith.constant 3 : i32
          %parallel_loop3A_284 = arith.index_cast %parallel_loop3A_283 : i32 to index
          %parallel_loop3A_285 = arith.index_cast %parallel_loop3A_119 : i32 to index
          %parallel_loop3A_286 = tpu.vector_load %arg9[%parallel_loop3A_284, %parallel_loop3A_285] {strides = array<i32>} : memref<32x1280xf32, #tpu.memory_space<vmem>>, vector<16xf32>,
          tpu.vector_store %arg9[%parallel_loop3A_284, %parallel_loop3A_285], %parallel_loop3A_158 {strides = array<i32>} : memref<32x1280xf32, #tpu.memory_space<vmem>>, vector<16xf32>,
          %parallel_loop3A_287 = arith.constant 4 : i32
          %parallel_loop3A_288 = arith.index_cast %parallel_loop3A_287 : i32 to index
          %parallel_loop3A_289 = arith.index_cast %parallel_loop3A_119 : i32 to index
          %parallel_loop3A_290 = tpu.vector_load %arg9[%parallel_loop3A_288, %parallel_loop3A_289] {strides = array<i32>} : memref<32x1280xf32, #tpu.memory_space<vmem>>, vector<16xf32>,
          tpu.vector_store %arg9[%parallel_loop3A_288, %parallel_loop3A_289], %parallel_loop3A_162 {strides = array<i32>} : memref<32x1280xf32, #tpu.memory_space<vmem>>, vector<16xf32>,
          %parallel_loop3A_291 = arith.constant 5 : i32
          %parallel_loop3A_292 = arith.index_cast %parallel_loop3A_291 : i32 to index
          %parallel_loop3A_293 = arith.index_cast %parallel_loop3A_119 : i32 to index
          %parallel_loop3A_294 = tpu.vector_load %arg9[%parallel_loop3A_292, %parallel_loop3A_293] {strides = array<i32>} : memref<32x1280xf32, #tpu.memory_space<vmem>>, vector<16xf32>,
          tpu.vector_store %arg9[%parallel_loop3A_292, %parallel_loop3A_293], %parallel_loop3A_166 {strides = array<i32>} : memref<32x1280xf32, #tpu.memory_space<vmem>>, vector<16xf32>,
          %parallel_loop3A_295 = arith.constant 6 : i32
          %parallel_loop3A_296 = arith.index_cast %parallel_loop3A_295 : i32 to index
          %parallel_loop3A_297 = arith.index_cast %parallel_loop3A_119 : i32 to index
          %parallel_loop3A_298 = tpu.vector_load %arg9[%parallel_loop3A_296, %parallel_loop3A_297] {strides = array<i32>} : memref<32x1280xf32, #tpu.memory_space<vmem>>, vector<16xf32>,
          tpu.vector_store %arg9[%parallel_loop3A_296, %parallel_loop3A_297], %parallel_loop3A_170 {strides = array<i32>} : memref<32x1280xf32, #tpu.memory_space<vmem>>, vector<16xf32>,
          %parallel_loop3A_299 = arith.constant 7 : i32
          %parallel_loop3A_300 = arith.index_cast %parallel_loop3A_299 : i32 to index
          %parallel_loop3A_301 = arith.index_cast %parallel_loop3A_119 : i32 to index
          %parallel_loop3A_302 = tpu.vector_load %arg9[%parallel_loop3A_300, %parallel_loop3A_301] {strides = array<i32>} : memref<32x1280xf32, #tpu.memory_space<vmem>>, vector<16xf32>,
          tpu.vector_store %arg9[%parallel_loop3A_300, %parallel_loop3A_301], %parallel_loop3A_174 {strides = array<i32>} : memref<32x1280xf32, #tpu.memory_space<vmem>>, vector<16xf32>,
          %parallel_loop3A_303 = arith.constant 8 : i32
          %parallel_loop3A_304 = arith.index_cast %parallel_loop3A_303 : i32 to index
          %parallel_loop3A_305 = arith.index_cast %parallel_loop3A_119 : i32 to index
          %parallel_loop3A_306 = tpu.vector_load %arg9[%parallel_loop3A_304, %parallel_loop3A_305] {strides = array<i32>} : memref<32x1280xf32, #tpu.memory_space<vmem>>, vector<16xf32>,
          tpu.vector_store %arg9[%parallel_loop3A_304, %parallel_loop3A_305], %parallel_loop3A_178 {strides = array<i32>} : memref<32x1280xf32, #tpu.memory_space<vmem>>, vector<16xf32>,
          %parallel_loop3A_307 = arith.constant 9 : i32
          %parallel_loop3A_308 = arith.index_cast %parallel_loop3A_307 : i32 to index
          %parallel_loop3A_309 = arith.index_cast %parallel_loop3A_119 : i32 to index
          %parallel_loop3A_310 = tpu.vector_load %arg9[%parallel_loop3A_308, %parallel_loop3A_309] {strides = array<i32>} : memref<32x1280xf32, #tpu.memory_space<vmem>>, vector<16xf32>,
          tpu.vector_store %arg9[%parallel_loop3A_308, %parallel_loop3A_309], %parallel_loop3A_182 {strides = array<i32>} : memref<32x1280xf32, #tpu.memory_space<vmem>>, vector<16xf32>,
          %parallel_loop3A_311 = arith.constant 10 : i32
          %parallel_loop3A_312 = arith.index_cast %parallel_loop3A_311 : i32 to index
          %parallel_loop3A_313 = arith.index_cast %parallel_loop3A_119 : i32 to index
          %parallel_loop3A_314 = tpu.vector_load %arg9[%parallel_loop3A_312, %parallel_loop3A_313] {strides = array<i32>} : memref<32x1280xf32, #tpu.memory_space<vmem>>, vector<16xf32>,
          tpu.vector_store %arg9[%parallel_loop3A_312, %parallel_loop3A_313], %parallel_loop3A_186 {strides = array<i32>} : memref<32x1280xf32, #tpu.memory_space<vmem>>, vector<16xf32>,
          %parallel_loop3A_315 = arith.constant 11 : i32
          %parallel_loop3A_316 = arith.index_cast %parallel_loop3A_315 : i32 to index
          %parallel_loop3A_317 = arith.index_cast %parallel_loop3A_119 : i32 to index
          %parallel_loop3A_318 = tpu.vector_load %arg9[%parallel_loop3A_316, %parallel_loop3A_317] {strides = array<i32>} : memref<32x1280xf32, #tpu.memory_space<vmem>>, vector<16xf32>,
          tpu.vector_store %arg9[%parallel_loop3A_316, %parallel_loop3A_317], %parallel_loop3A_190 {strides = array<i32>} : memref<32x1280xf32, #tpu.memory_space<vmem>>, vector<16xf32>,
          %parallel_loop3A_319 = arith.constant 12 : i32
          %parallel_loop3A_320 = arith.index_cast %parallel_loop3A_319 : i32 to index
          %parallel_loop3A_321 = arith.index_cast %parallel_loop3A_119 : i32 to index
          %parallel_loop3A_322 = tpu.vector_load %arg9[%parallel_loop3A_320, %parallel_loop3A_321] {strides = array<i32>} : memref<32x1280xf32, #tpu.memory_space<vmem>>, vector<16xf32>,
          tpu.vector_store %arg9[%parallel_loop3A_320, %parallel_loop3A_321], %parallel_loop3A_194 {strides = array<i32>} : memref<32x1280xf32, #tpu.memory_space<vmem>>, vector<16xf32>,
          %parallel_loop3A_323 = arith.constant 13 : i32
          %parallel_loop3A_324 = arith.index_cast %parallel_loop3A_323 : i32 to index
          %parallel_loop3A_325 = arith.index_cast %parallel_loop3A_119 : i32 to index
          %parallel_loop3A_326 = tpu.vector_load %arg9[%parallel_loop3A_324, %parallel_loop3A_325] {strides = array<i32>} : memref<32x1280xf32, #tpu.memory_space<vmem>>, vector<16xf32>,
          tpu.vector_store %arg9[%parallel_loop3A_324, %parallel_loop3A_325], %parallel_loop3A_198 {strides = array<i32>} : memref<32x1280xf32, #tpu.memory_space<vmem>>, vector<16xf32>,
          %parallel_loop3A_327 = arith.constant 14 : i32
          %parallel_loop3A_328 = arith.index_cast %parallel_loop3A_327 : i32 to index
          %parallel_loop3A_329 = arith.index_cast %parallel_loop3A_119 : i32 to index
          %parallel_loop3A_330 = tpu.vector_load %arg9[%parallel_loop3A_328, %parallel_loop3A_329] {strides = array<i32>} : memref<32x1280xf32, #tpu.memory_space<vmem>>, vector<16xf32>,
          tpu.vector_store %arg9[%parallel_loop3A_328, %parallel_loop3A_329], %parallel_loop3A_202 {strides = array<i32>} : memref<32x1280xf32, #tpu.memory_space<vmem>>, vector<16xf32>,
          %parallel_loop3A_331 = arith.constant 15 : i32
          %parallel_loop3A_332 = arith.index_cast %parallel_loop3A_331 : i32 to index
          %parallel_loop3A_333 = arith.index_cast %parallel_loop3A_119 : i32 to index
          %parallel_loop3A_334 = tpu.vector_load %arg9[%parallel_loop3A_332, %parallel_loop3A_333] {strides = array<i32>} : memref<32x1280xf32, #tpu.memory_space<vmem>>, vector<16xf32>,
          tpu.vector_store %arg9[%parallel_loop3A_332, %parallel_loop3A_333], %parallel_loop3A_206 {strides = array<i32>} : memref<32x1280xf32, #tpu.memory_space<vmem>>, vector<16xf32>,
          %parallel_loop3A_335 = arith.constant 16 : i32
          %parallel_loop3A_336 = arith.index_cast %parallel_loop3A_335 : i32 to index
          %parallel_loop3A_337 = arith.index_cast %parallel_loop3A_119 : i32 to index
          %parallel_loop3A_338 = tpu.vector_load %arg9[%parallel_loop3A_336, %parallel_loop3A_337] {strides = array<i32>} : memref<32x1280xf32, #tpu.memory_space<vmem>>, vector<16xf32>,
          tpu.vector_store %arg9[%parallel_loop3A_336, %parallel_loop3A_337], %parallel_loop3A_210 {strides = array<i32>} : memref<32x1280xf32, #tpu.memory_space<vmem>>, vector<16xf32>,
          %parallel_loop3A_339 = arith.constant 17 : i32
          %parallel_loop3A_340 = arith.index_cast %parallel_loop3A_339 : i32 to index
          %parallel_loop3A_341 = arith.index_cast %parallel_loop3A_119 : i32 to index
          %parallel_loop3A_342 = tpu.vector_load %arg9[%parallel_loop3A_340, %parallel_loop3A_341] {strides = array<i32>} : memref<32x1280xf32, #tpu.memory_space<vmem>>, vector<16xf32>,
          tpu.vector_store %arg9[%parallel_loop3A_340, %parallel_loop3A_341], %parallel_loop3A_214 {strides = array<i32>} : memref<32x1280xf32, #tpu.memory_space<vmem>>, vector<16xf32>,
          %parallel_loop3A_343 = arith.constant 18 : i32
          %parallel_loop3A_344 = arith.index_cast %parallel_loop3A_343 : i32 to index
          %parallel_loop3A_345 = arith.index_cast %parallel_loop3A_119 : i32 to index
          %parallel_loop3A_346 = tpu.vector_load %arg9[%parallel_loop3A_344, %parallel_loop3A_345] {strides = array<i32>} : memref<32x1280xf32, #tpu.memory_space<vmem>>, vector<16xf32>,
          tpu.vector_store %arg9[%parallel_loop3A_344, %parallel_loop3A_345], %parallel_loop3A_218 {strides = array<i32>} : memref<32x1280xf32, #tpu.memory_space<vmem>>, vector<16xf32>,
          %parallel_loop3A_347 = arith.constant 19 : i32
          %parallel_loop3A_348 = arith.index_cast %parallel_loop3A_347 : i32 to index
          %parallel_loop3A_349 = arith.index_cast %parallel_loop3A_119 : i32 to index
          %parallel_loop3A_350 = tpu.vector_load %arg9[%parallel_loop3A_348, %parallel_loop3A_349] {strides = array<i32>} : memref<32x1280xf32, #tpu.memory_space<vmem>>, vector<16xf32>,
          tpu.vector_store %arg9[%parallel_loop3A_348, %parallel_loop3A_349], %parallel_loop3A_222 {strides = array<i32>} : memref<32x1280xf32, #tpu.memory_space<vmem>>, vector<16xf32>,
          %parallel_loop3A_351 = arith.constant 20 : i32
          %parallel_loop3A_352 = arith.index_cast %parallel_loop3A_351 : i32 to index
          %parallel_loop3A_353 = arith.index_cast %parallel_loop3A_119 : i32 to index
          %parallel_loop3A_354 = tpu.vector_load %arg9[%parallel_loop3A_352, %parallel_loop3A_353] {strides = array<i32>} : memref<32x1280xf32, #tpu.memory_space<vmem>>, vector<16xf32>,
          tpu.vector_store %arg9[%parallel_loop3A_352, %parallel_loop3A_353], %parallel_loop3A_226 {strides = array<i32>} : memref<32x1280xf32, #tpu.memory_space<vmem>>, vector<16xf32>,
          %parallel_loop3A_355 = arith.constant 21 : i32
          %parallel_loop3A_356 = arith.index_cast %parallel_loop3A_355 : i32 to index
          %parallel_loop3A_357 = arith.index_cast %parallel_loop3A_119 : i32 to index
          %parallel_loop3A_358 = tpu.vector_load %arg9[%parallel_loop3A_356, %parallel_loop3A_357] {strides = array<i32>} : memref<32x1280xf32, #tpu.memory_space<vmem>>, vector<16xf32>,
          tpu.vector_store %arg9[%parallel_loop3A_356, %parallel_loop3A_357], %parallel_loop3A_230 {strides = array<i32>} : memref<32x1280xf32, #tpu.memory_space<vmem>>, vector<16xf32>,
          %parallel_loop3A_359 = arith.constant 22 : i32
          %parallel_loop3A_360 = arith.index_cast %parallel_loop3A_359 : i32 to index
          %parallel_loop3A_361 = arith.index_cast %parallel_loop3A_119 : i32 to index
          %parallel_loop3A_362 = tpu.vector_load %arg9[%parallel_loop3A_360, %parallel_loop3A_361] {strides = array<i32>} : memref<32x1280xf32, #tpu.memory_space<vmem>>, vector<16xf32>,
          tpu.vector_store %arg9[%parallel_loop3A_360, %parallel_loop3A_361], %parallel_loop3A_234 {strides = array<i32>} : memref<32x1280xf32, #tpu.memory_space<vmem>>, vector<16xf32>,
          %parallel_loop3A_363 = arith.constant 23 : i32
          %parallel_loop3A_364 = arith.index_cast %parallel_loop3A_363 : i32 to index
          %parallel_loop3A_365 = arith.index_cast %parallel_loop3A_119 : i32 to index
          %parallel_loop3A_366 = tpu.vector_load %arg9[%parallel_loop3A_364, %parallel_loop3A_365] {strides = array<i32>} : memref<32x1280xf32, #tpu.memory_space<vmem>>, vector<16xf32>,
          tpu.vector_store %arg9[%parallel_loop3A_364, %parallel_loop3A_365], %parallel_loop3A_238 {strides = array<i32>} : memref<32x1280xf32, #tpu.memory_space<vmem>>, vector<16xf32>,
          %parallel_loop3A_367 = arith.constant 24 : i32
          %parallel_loop3A_368 = arith.index_cast %parallel_loop3A_367 : i32 to index
          %parallel_loop3A_369 = arith.index_cast %parallel_loop3A_119 : i32 to index
          %parallel_loop3A_370 = tpu.vector_load %arg9[%parallel_loop3A_368, %parallel_loop3A_369] {strides = array<i32>} : memref<32x1280xf32, #tpu.memory_space<vmem>>, vector<16xf32>,
          tpu.vector_store %arg9[%parallel_loop3A_368, %parallel_loop3A_369], %parallel_loop3A_242 {strides = array<i32>} : memref<32x1280xf32, #tpu.memory_space<vmem>>, vector<16xf32>,
          %parallel_loop3A_371 = arith.constant 25 : i32
          %parallel_loop3A_372 = arith.index_cast %parallel_loop3A_371 : i32 to index
          %parallel_loop3A_373 = arith.index_cast %parallel_loop3A_119 : i32 to index
          %parallel_loop3A_374 = tpu.vector_load %arg9[%parallel_loop3A_372, %parallel_loop3A_373] {strides = array<i32>} : memref<32x1280xf32, #tpu.memory_space<vmem>>, vector<16xf32>,
          tpu.vector_store %arg9[%parallel_loop3A_372, %parallel_loop3A_373], %parallel_loop3A_246 {strides = array<i32>} : memref<32x1280xf32, #tpu.memory_space<vmem>>, vector<16xf32>,
          %parallel_loop3A_375 = arith.constant 26 : i32
          %parallel_loop3A_376 = arith.index_cast %parallel_loop3A_375 : i32 to index
          %parallel_loop3A_377 = arith.index_cast %parallel_loop3A_119 : i32 to index
          %parallel_loop3A_378 = tpu.vector_load %arg9[%parallel_loop3A_376, %parallel_loop3A_377] {strides = array<i32>} : memref<32x1280xf32, #tpu.memory_space<vmem>>, vector<16xf32>,
          tpu.vector_store %arg9[%parallel_loop3A_376, %parallel_loop3A_377], %parallel_loop3A_250 {strides = array<i32>} : memref<32x1280xf32, #tpu.memory_space<vmem>>, vector<16xf32>,
          %parallel_loop3A_379 = arith.constant 27 : i32
          %parallel_loop3A_380 = arith.index_cast %parallel_loop3A_379 : i32 to index
          %parallel_loop3A_381 = arith.index_cast %parallel_loop3A_119 : i32 to index
          %parallel_loop3A_382 = tpu.vector_load %arg9[%parallel_loop3A_380, %parallel_loop3A_381] {strides = array<i32>} : memref<32x1280xf32, #tpu.memory_space<vmem>>, vector<16xf32>,
          tpu.vector_store %arg9[%parallel_loop3A_380, %parallel_loop3A_381], %parallel_loop3A_254 {strides = array<i32>} : memref<32x1280xf32, #tpu.memory_space<vmem>>, vector<16xf32>,
          %parallel_loop3A_383 = arith.constant 28 : i32
          %parallel_loop3A_384 = arith.index_cast %parallel_loop3A_383 : i32 to index
          %parallel_loop3A_385 = arith.index_cast %parallel_loop3A_119 : i32 to index
          %parallel_loop3A_386 = tpu.vector_load %arg9[%parallel_loop3A_384, %parallel_loop3A_385] {strides = array<i32>} : memref<32x1280xf32, #tpu.memory_space<vmem>>, vector<16xf32>,
          tpu.vector_store %arg9[%parallel_loop3A_384, %parallel_loop3A_385], %parallel_loop3A_258 {strides = array<i32>} : memref<32x1280xf32, #tpu.memory_space<vmem>>, vector<16xf32>,
          %parallel_loop3A_387 = arith.constant 29 : i32
          %parallel_loop3A_388 = arith.index_cast %parallel_loop3A_387 : i32 to index
          %parallel_loop3A_389 = arith.index_cast %parallel_loop3A_119 : i32 to index
          %parallel_loop3A_390 = tpu.vector_load %arg9[%parallel_loop3A_388, %parallel_loop3A_389] {strides = array<i32>} : memref<32x1280xf32, #tpu.memory_space<vmem>>, vector<16xf32>,
          tpu.vector_store %arg9[%parallel_loop3A_388, %parallel_loop3A_389], %parallel_loop3A_262 {strides = array<i32>} : memref<32x1280xf32, #tpu.memory_space<vmem>>, vector<16xf32>,
          %parallel_loop3A_391 = arith.constant 30 : i32
          %parallel_loop3A_392 = arith.index_cast %parallel_loop3A_391 : i32 to index
          %parallel_loop3A_393 = arith.index_cast %parallel_loop3A_119 : i32 to index
          %parallel_loop3A_394 = tpu.vector_load %arg9[%parallel_loop3A_392, %parallel_loop3A_393] {strides = array<i32>} : memref<32x1280xf32, #tpu.memory_space<vmem>>, vector<16xf32>,
          tpu.vector_store %arg9[%parallel_loop3A_392, %parallel_loop3A_393], %parallel_loop3A_266 {strides = array<i32>} : memref<32x1280xf32, #tpu.memory_space<vmem>>, vector<16xf32>,
          %parallel_loop3A_395 = arith.constant 31 : i32
          %parallel_loop3A_396 = arith.index_cast %parallel_loop3A_395 : i32 to index
          %parallel_loop3A_397 = arith.index_cast %parallel_loop3A_119 : i32 to index
          %parallel_loop3A_398 = tpu.vector_load %arg9[%parallel_loop3A_396, %parallel_loop3A_397] {strides = array<i32>} : memref<32x1280xf32, #tpu.memory_space<vmem>>, vector<16xf32>,
          tpu.vector_store %arg9[%parallel_loop3A_396, %parallel_loop3A_397], %parallel_loop3A_270 {strides = array<i32>} : memref<32x1280xf32, #tpu.memory_space<vmem>>, vector<16xf32>,
        } {sc.loop_unroll_factor = 1 : i64, sc.parallel_access}
        %dma_start3A_108 = arith.constant 0 : i32
        %dma_start3A_109 = tpu.memref_slice %arg4[%dma_start3A_108, %mul3A_96] : memref<32x1600000xf32, #tpu.memory_space<hbm>> -> memref<32x1280xf32, #tpu.memory_space<hbm>>
        %dma_start3A_110 = arith.constant 0 : i32
        %dma_start3A_111 = tpu.memref_slice %arg4[%dma_start3A_110, %mul3A_96] : memref<32x1600000xf32, #tpu.memory_space<hbm>> -> memref<32x1280xf32, #tpu.memory_space<hbm>>
        tpu.enqueue_dma source(%arg9 : memref<32x1280xf32, #tpu.memory_space<vmem>>) target(%dma_start3A_111 : memref<32x1280xf32, #tpu.memory_space<hbm>>) target_semaphore(%arg11 : memref<!tpu.dma_semaphore, #tpu.memory_space<semaphore_mem>>)
        %add3A_112 = arith.constant 64 : i32
        %add3A_113 = arith.addi %add3A_94, %add3A_112 : i32
        %lt3A_114 = arith.constant 1250 : i32
        %lt3A_115 = arith.cmpi slt, %add3A_113, %lt3A_114 : i32
        %convert_element_type3A_116 = arith.extui %lt3A_115 : i1 to i32
        %cond3A_117 = arith.constant 0 : i32
        %cond3A_118 = arith.cmpi ne, %convert_element_type3A_116, %cond3A_117 : i32
        scf.if %cond3A_118 {
          %mul3A_119 = arith.constant 1280 : i32
          %mul3A_120 = arith.muli %add3A_113, %mul3A_119 : i32
          %dma_start3A_121 = arith.constant 0 : i32
          %dma_start3A_122 = tpu.memref_slice %arg2[%dma_start3A_121, %mul3A_120] : memref<3x1600000xi32, #tpu.memory_space<hbm>> -> memref<3x1280xi32, #tpu.memory_space<hbm>>
          %dma_start3A_123 = arith.constant 0 : i32
          %dma_start3A_124 = tpu.memref_slice %arg2[%dma_start3A_123, %mul3A_120] : memref<3x1600000xi32, #tpu.memory_space<hbm>> -> memref<3x1280xi32, #tpu.memory_space<hbm>>
          tpu.enqueue_dma source(%dma_start3A_124 : memref<3x1280xi32, #tpu.memory_space<hbm>>) target(%arg7 : memref<3x1280xi32, #tpu.memory_space<vmem>>) target_semaphore(%arg13 : memref<!tpu.dma_semaphore, #tpu.memory_space<semaphore_mem>>)
        } else {
        }
      } else {
      }
    }
    %scan3A_38 = arith.constant 19 : i32
    %mul3A_39 = arith.constant 2 : i32
    %mul3A_40 = arith.muli %add3A, %mul3A_39 : i32
    %mul3A_41 = arith.constant 1280 : i32
    %mul3A_42 = arith.muli %mul3A_40, %mul3A_41 : i32
    %dma_wait3A = arith.constant 0 : i32
    %dma_wait3A_43 = tpu.memref_slice %arg4[%dma_wait3A, %mul3A_42] : memref<32x1600000xf32, #tpu.memory_space<hbm>> -> memref<32x1280xf32, #tpu.memory_space<hbm>>
    %dma_wait3A_44 = arith.constant 0 : i32
    %dma_wait3A_45 = tpu.memref_slice %arg4[%dma_wait3A_44, %mul3A_42] : memref<32x1600000xf32, #tpu.memory_space<hbm>> -> memref<32x1280xf32, #tpu.memory_space<hbm>>
    tpu.wait_dma2 semaphore(%arg10 : memref<!tpu.dma_semaphore, #tpu.memory_space<semaphore_mem>>) src(%arg8 : memref<32x1280xf32, #tpu.memory_space<vmem>>) dst(%dma_wait3A_45 : memref<32x1280xf32, #tpu.memory_space<hbm>>)
    %mul3A_46 = arith.constant 2 : i32
    %mul3A_47 = arith.muli %add3A, %mul3A_46 : i32
    %add3A_48 = arith.constant 1 : i32
    %add3A_49 = arith.addi %mul3A_47, %add3A_48 : i32
    %mul3A_50 = arith.constant 1280 : i32
    %mul3A_51 = arith.muli %add3A_49, %mul3A_50 : i32
    %dma_wait3A_52 = arith.constant 0 : i32
    %dma_wait3A_53 = tpu.memref_slice %arg4[%dma_wait3A_52, %mul3A_51] : memref<32x1600000xf32, #tpu.memory_space<hbm>> -> memref<32x1280xf32, #tpu.memory_space<hbm>>
    %dma_wait3A_54 = arith.constant 0 : i32
    %dma_wait3A_55 = tpu.memref_slice %arg4[%dma_wait3A_54, %mul3A_51] : memref<32x1600000xf32, #tpu.memory_space<hbm>> -> memref<32x1280xf32, #tpu.memory_space<hbm>>
    tpu.wait_dma2 semaphore(%arg11 : memref<!tpu.dma_semaphore, #tpu.memory_space<semaphore_mem>>) src(%arg9 : memref<32x1280xf32, #tpu.memory_space<vmem>>) dst(%dma_wait3A_55 : memref<32x1280xf32, #tpu.memory_space<hbm>>)
    return
  }
}

module attributes {stable_mosaic.version = 14 : i64} {
  func.func @_table_body(%arg0: memref<5x32xf32, #tpu.memory_space<vmem>>, %arg1: memref<6x32xf32, #tpu.memory_space<vmem>>, %arg2: memref<2x32xf32, #tpu.memory_space<vmem>>, %arg3: memref<60x33xf32, #tpu.memory_space<vmem>>) attributes {dimension_semantics = [], scalar_prefetch = 0 : i64, scratch_operands = 0 : i64, tpu.core_type = #tpu.core_type<tc>} {
    %get3A = arith.constant 0 : index
    %get3A_0 = arith.constant 0 : index
    %get3A_1 = vector.load %arg0[%get3A, %get3A_0] : memref<5x32xf32, #tpu.memory_space<vmem>>, vector<5x32xf32>
    %mul3A = arith.mulf %get3A_1, %get3A_1 : vector<5x32xf32>
    %reduce_sum3A = arith.constant dense<0.000000e+00> : vector<5xf32>
    %reduce_sum3A_2 = vector.multi_reduction <add>, %mul3A, %reduce_sum3A [1] : vector<5x32xf32> to vector<5xf32>
    %broadcast_in_dim3A = vector.shape_cast %reduce_sum3A_2 : vector<5xf32> to vector<5x1xf32>
    %sqrt3A = math.sqrt %broadcast_in_dim3A : vector<5x1xf32>
    %max3A = arith.constant 9.99999996E-13 : f32
    %max3A_3 = vector.broadcast %max3A : f32 to vector<5x1xf32>
    %max3A_4 = arith.maximumf %sqrt3A, %max3A_3 : vector<5x1xf32>
    %div3A = arith.constant 1.000000e+00 : f32
    %div3A_5 = vector.broadcast %div3A : f32 to vector<5x1xf32>
    %div3A_6 = arith.divf %div3A_5, %max3A_4 : vector<5x1xf32>
    %min3A = arith.constant 1.000000e+00 : f32
    %min3A_7 = vector.broadcast %min3A : f32 to vector<5x1xf32>
    %min3A_8 = arith.minimumf %min3A_7, %div3A_6 : vector<5x1xf32>
    %mul3A_9 = vector.broadcast %min3A_8 : vector<5x1xf32> to vector<5x32xf32>
    %mul3A_10 = arith.mulf %get3A_1, %mul3A_9 : vector<5x32xf32>
    %get3A_11 = arith.constant 0 : index
    %get3A_12 = arith.constant 0 : index
    %get3A_13 = vector.load %arg1[%get3A_11, %get3A_12] : memref<6x32xf32, #tpu.memory_space<vmem>>, vector<6x32xf32>
    %mul3A_14 = arith.mulf %get3A_13, %get3A_13 : vector<6x32xf32>
    %reduce_sum3A_15 = arith.constant dense<0.000000e+00> : vector<6xf32>
    %reduce_sum3A_16 = vector.multi_reduction <add>, %mul3A_14, %reduce_sum3A_15 [1] : vector<6x32xf32> to vector<6xf32>
    %broadcast_in_dim3A_17 = vector.shape_cast %reduce_sum3A_16 : vector<6xf32> to vector<6x1xf32>
    %sqrt3A_18 = math.sqrt %broadcast_in_dim3A_17 : vector<6x1xf32>
    %max3A_19 = arith.constant 9.99999996E-13 : f32
    %max3A_20 = vector.broadcast %max3A_19 : f32 to vector<6x1xf32>
    %max3A_21 = arith.maximumf %sqrt3A_18, %max3A_20 : vector<6x1xf32>
    %div3A_22 = arith.constant 1.000000e+00 : f32
    %div3A_23 = vector.broadcast %div3A_22 : f32 to vector<6x1xf32>
    %div3A_24 = arith.divf %div3A_23, %max3A_21 : vector<6x1xf32>
    %min3A_25 = arith.constant 1.000000e+00 : f32
    %min3A_26 = vector.broadcast %min3A_25 : f32 to vector<6x1xf32>
    %min3A_27 = arith.minimumf %min3A_26, %div3A_24 : vector<6x1xf32>
    %mul3A_28 = vector.broadcast %min3A_27 : vector<6x1xf32> to vector<6x32xf32>
    %mul3A_29 = arith.mulf %get3A_13, %mul3A_28 : vector<6x32xf32>
    %get3A_30 = arith.constant 0 : index
    %get3A_31 = arith.constant 0 : index
    %get3A_32 = vector.load %arg2[%get3A_30, %get3A_31] : memref<2x32xf32, #tpu.memory_space<vmem>>, vector<2x32xf32>
    %mul3A_33 = arith.mulf %get3A_32, %get3A_32 : vector<2x32xf32>
    %reduce_sum3A_34 = arith.constant dense<0.000000e+00> : vector<2xf32>
    %reduce_sum3A_35 = vector.multi_reduction <add>, %mul3A_33, %reduce_sum3A_34 [1] : vector<2x32xf32> to vector<2xf32>
    %broadcast_in_dim3A_36 = vector.shape_cast %reduce_sum3A_35 : vector<2xf32> to vector<2x1xf32>
    %sqrt3A_37 = math.sqrt %broadcast_in_dim3A_36 : vector<2x1xf32>
    %max3A_38 = arith.constant 9.99999996E-13 : f32
    %max3A_39 = vector.broadcast %max3A_38 : f32 to vector<2x1xf32>
    %max3A_40 = arith.maximumf %sqrt3A_37, %max3A_39 : vector<2x1xf32>
    %div3A_41 = arith.constant 1.000000e+00 : f32
    %div3A_42 = vector.broadcast %div3A_41 : f32 to vector<2x1xf32>
    %div3A_43 = arith.divf %div3A_42, %max3A_40 : vector<2x1xf32>
    %min3A_44 = arith.constant 1.000000e+00 : f32
    %min3A_45 = vector.broadcast %min3A_44 : f32 to vector<2x1xf32>
    %min3A_46 = arith.minimumf %min3A_45, %div3A_43 : vector<2x1xf32>
    %mul3A_47 = vector.broadcast %min3A_46 : vector<2x1xf32> to vector<2x32xf32>
    %mul3A_48 = arith.mulf %get3A_32, %mul3A_47 : vector<2x32xf32>
    %iota3A = tpu.iota {dimensions = array<i32: 0>} : vector<60x1xi32>
    %jit3A = arith.constant 12 : i32
    %div3A_49 = vector.broadcast %jit3A : i32 to vector<60x1xi32>
    %div3A_50 = arith.divsi %iota3A, %div3A_49 : vector<60x1xi32>
    %sign3A = arith.constant 0 : i32
    %sign3A_51 = vector.broadcast %sign3A : i32 to vector<60x1xi32>
    %sign3A_52 = arith.cmpi sgt, %iota3A, %sign3A_51 : vector<60x1xi32>
    %sign3A_53 = arith.extui %sign3A_52 : vector<60x1xi1> to vector<60x1xi32>
    %sign3A_54 = arith.constant 0 : i32
    %sign3A_55 = vector.broadcast %sign3A_54 : i32 to vector<60x1xi32>
    %sign3A_56 = arith.cmpi slt, %iota3A, %sign3A_55 : vector<60x1xi32>
    %sign3A_57 = arith.extui %sign3A_56 : vector<60x1xi1> to vector<60x1xi32>
    %sign3A_58 = arith.subi %sign3A_53, %sign3A_57 : vector<60x1xi32>
    %sign3A_59 = arith.constant 0 : i32
    %sign3A_60 = arith.cmpi sgt, %jit3A, %sign3A_59 : i32
    %sign3A_61 = arith.extui %sign3A_60 : i1 to i32
    %sign3A_62 = arith.constant 0 : i32
    %sign3A_63 = arith.cmpi slt, %jit3A, %sign3A_62 : i32
    %sign3A_64 = arith.extui %sign3A_63 : i1 to i32
    %sign3A_65 = arith.subi %sign3A_61, %sign3A_64 : i32
    %ne3A = vector.broadcast %sign3A_65 : i32 to vector<60x1xi32>
    %ne3A_66 = arith.cmpi ne, %sign3A_58, %ne3A : vector<60x1xi32>
    %rem3A = vector.broadcast %jit3A : i32 to vector<60x1xi32>
    %rem3A_67 = arith.remsi %iota3A, %rem3A : vector<60x1xi32>
    %ne3A_68 = arith.constant 0 : i32
    %ne3A_69 = vector.broadcast %ne3A_68 : i32 to vector<60x1xi32>
    %ne3A_70 = arith.cmpi ne, %rem3A_67, %ne3A_69 : vector<60x1xi32>
    %and3A = arith.andi %ne3A_66, %ne3A_70 : vector<60x1xi1>
    %sub3A = arith.constant 1 : i32
    %sub3A_71 = vector.broadcast %sub3A : i32 to vector<60x1xi32>
    %sub3A_72 = arith.subi %div3A_50, %sub3A_71 : vector<60x1xi32>
    %select_n3A = arith.select %and3A, %sub3A_72, %div3A_50 : vector<60x1xi1>, vector<60x1xi32>
    %iota3A_73 = tpu.iota {dimensions = array<i32: 1>} : vector<60x5xi32>
    %eq3A = vector.broadcast %select_n3A : vector<60x1xi32> to vector<60x5xi32>
    %eq3A_74 = arith.cmpi eq, %eq3A, %iota3A_73 : vector<60x5xi32>
    %convert_element_type3A = arith.extui %eq3A_74 : vector<60x5xi1> to vector<60x5xi32>
    %convert_element_type3A_75 = arith.sitofp %convert_element_type3A : vector<60x5xi32> to vector<60x5xf32>
    %jit3A_76 = arith.constant 2 : i32
    %div3A_77 = vector.broadcast %jit3A_76 : i32 to vector<60x1xi32>
    %div3A_78 = arith.divsi %iota3A, %div3A_77 : vector<60x1xi32>
    %sign3A_79 = arith.constant 0 : i32
    %sign3A_80 = vector.broadcast %sign3A_79 : i32 to vector<60x1xi32>
    %sign3A_81 = arith.cmpi sgt, %iota3A, %sign3A_80 : vector<60x1xi32>
    %sign3A_82 = arith.extui %sign3A_81 : vector<60x1xi1> to vector<60x1xi32>
    %sign3A_83 = arith.constant 0 : i32
    %sign3A_84 = vector.broadcast %sign3A_83 : i32 to vector<60x1xi32>
    %sign3A_85 = arith.cmpi slt, %iota3A, %sign3A_84 : vector<60x1xi32>
    %sign3A_86 = arith.extui %sign3A_85 : vector<60x1xi1> to vector<60x1xi32>
    %sign3A_87 = arith.subi %sign3A_82, %sign3A_86 : vector<60x1xi32>
    %sign3A_88 = arith.constant 0 : i32
    %sign3A_89 = arith.cmpi sgt, %jit3A_76, %sign3A_88 : i32
    %sign3A_90 = arith.extui %sign3A_89 : i1 to i32
    %sign3A_91 = arith.constant 0 : i32
    %sign3A_92 = arith.cmpi slt, %jit3A_76, %sign3A_91 : i32
    %sign3A_93 = arith.extui %sign3A_92 : i1 to i32
    %sign3A_94 = arith.subi %sign3A_90, %sign3A_93 : i32
    %ne3A_95 = vector.broadcast %sign3A_94 : i32 to vector<60x1xi32>
    %ne3A_96 = arith.cmpi ne, %sign3A_87, %ne3A_95 : vector<60x1xi32>
    %rem3A_97 = vector.broadcast %jit3A_76 : i32 to vector<60x1xi32>
    %rem3A_98 = arith.remsi %iota3A, %rem3A_97 : vector<60x1xi32>
    %ne3A_99 = arith.constant 0 : i32
    %ne3A_100 = vector.broadcast %ne3A_99 : i32 to vector<60x1xi32>
    %ne3A_101 = arith.cmpi ne, %rem3A_98, %ne3A_100 : vector<60x1xi32>
    %and3A_102 = arith.andi %ne3A_96, %ne3A_101 : vector<60x1xi1>
    %sub3A_103 = arith.constant 1 : i32
    %sub3A_104 = vector.broadcast %sub3A_103 : i32 to vector<60x1xi32>
    %sub3A_105 = arith.subi %div3A_78, %sub3A_104 : vector<60x1xi32>
    %select_n3A_106 = arith.select %and3A_102, %sub3A_105, %div3A_78 : vector<60x1xi1>, vector<60x1xi32>
    %jit3A_107 = arith.constant 6 : i32
    %eq3A_108 = arith.constant 0 : i32
    %eq3A_109 = arith.cmpi eq, %jit3A_107, %eq3A_108 : i32
    %jit3A_110 = arith.constant 1 : i32
    %select_n3A_111 = arith.select %eq3A_109, %jit3A_110, %jit3A_107 : i32
    %rem3A_112 = vector.broadcast %select_n3A_111 : i32 to vector<60x1xi32>
    %rem3A_113 = arith.remsi %select_n3A_106, %rem3A_112 : vector<60x1xi32>
    %ne3A_114 = arith.constant 0 : i32
    %ne3A_115 = vector.broadcast %ne3A_114 : i32 to vector<60x1xi32>
    %ne3A_116 = arith.cmpi ne, %rem3A_113, %ne3A_115 : vector<60x1xi32>
    %lt3A = arith.constant 0 : i32
    %lt3A_117 = vector.broadcast %lt3A : i32 to vector<60x1xi32>
    %lt3A_118 = arith.cmpi slt, %rem3A_113, %lt3A_117 : vector<60x1xi32>
    %lt3A_119 = arith.constant 0 : i32
    %lt3A_120 = arith.cmpi slt, %select_n3A_111, %lt3A_119 : i32
    %ne3A_121 = vector.broadcast %lt3A_120 : i1 to vector<60x1xi1>
    %ne3A_122 = vector.broadcast %ne3A_121 : vector<60x1xi1> to vector<60x1xi1>
    %ne3A_123 = arith.xori %lt3A_118, %ne3A_122 : vector<60x1xi1>
    %and3A_124 = arith.andi %ne3A_123, %ne3A_116 : vector<60x1xi1>
    %add3A = vector.broadcast %select_n3A_111 : i32 to vector<60x1xi32>
    %add3A_125 = arith.addi %rem3A_113, %add3A : vector<60x1xi32>
    %select_n3A_126 = arith.select %and3A_124, %add3A_125, %rem3A_113 : vector<60x1xi1>, vector<60x1xi32>
    %iota3A_127 = tpu.iota {dimensions = array<i32: 1>} : vector<60x6xi32>
    %eq3A_128 = vector.broadcast %select_n3A_126 : vector<60x1xi32> to vector<60x6xi32>
    %eq3A_129 = arith.cmpi eq, %eq3A_128, %iota3A_127 : vector<60x6xi32>
    %convert_element_type3A_130 = arith.extui %eq3A_129 : vector<60x6xi1> to vector<60x6xi32>
    %convert_element_type3A_131 = arith.sitofp %convert_element_type3A_130 : vector<60x6xi32> to vector<60x6xf32>
    %jit3A_132 = arith.constant 2 : i32
    %eq3A_133 = arith.constant 0 : i32
    %eq3A_134 = arith.cmpi eq, %jit3A_132, %eq3A_133 : i32
    %jit3A_135 = arith.constant 1 : i32
    %select_n3A_136 = arith.select %eq3A_134, %jit3A_135, %jit3A_132 : i32
    %rem3A_137 = vector.broadcast %select_n3A_136 : i32 to vector<60x1xi32>
    %rem3A_138 = arith.remsi %iota3A, %rem3A_137 : vector<60x1xi32>
    %ne3A_139 = arith.constant 0 : i32
    %ne3A_140 = vector.broadcast %ne3A_139 : i32 to vector<60x1xi32>
    %ne3A_141 = arith.cmpi ne, %rem3A_138, %ne3A_140 : vector<60x1xi32>
    %lt3A_142 = arith.constant 0 : i32
    %lt3A_143 = vector.broadcast %lt3A_142 : i32 to vector<60x1xi32>
    %lt3A_144 = arith.cmpi slt, %rem3A_138, %lt3A_143 : vector<60x1xi32>
    %lt3A_145 = arith.constant 0 : i32
    %lt3A_146 = arith.cmpi slt, %select_n3A_136, %lt3A_145 : i32
    %ne3A_147 = vector.broadcast %lt3A_146 : i1 to vector<60x1xi1>
    %ne3A_148 = vector.broadcast %ne3A_147 : vector<60x1xi1> to vector<60x1xi1>
    %ne3A_149 = arith.xori %lt3A_144, %ne3A_148 : vector<60x1xi1>
    %and3A_150 = arith.andi %ne3A_149, %ne3A_141 : vector<60x1xi1>
    %add3A_151 = vector.broadcast %select_n3A_136 : i32 to vector<60x1xi32>
    %add3A_152 = arith.addi %rem3A_138, %add3A_151 : vector<60x1xi32>
    %select_n3A_153 = arith.select %and3A_150, %add3A_152, %rem3A_138 : vector<60x1xi1>, vector<60x1xi32>
    %iota3A_154 = tpu.iota {dimensions = array<i32: 1>} : vector<60x2xi32>
    %eq3A_155 = vector.broadcast %select_n3A_153 : vector<60x1xi32> to vector<60x2xi32>
    %eq3A_156 = arith.cmpi eq, %eq3A_155, %iota3A_154 : vector<60x2xi32>
    %convert_element_type3A_157 = arith.extui %eq3A_156 : vector<60x2xi1> to vector<60x2xi32>
    %convert_element_type3A_158 = arith.sitofp %convert_element_type3A_157 : vector<60x2xi32> to vector<60x2xf32>
    %dot_general3A = arith.constant dense<0.000000e+00> : vector<60x32xf32>
    %dot_general3A_159 = tpu.matmul %convert_element_type3A_75, %mul3A_10, %dot_general3A {dimension_numbers = #tpu.dot_dimension_numbers<[1], [0], [0], [1], [0, 0, 1, 1], [], []>, precision = #tpu.contract_precision<fp32>, transpose_lhs_hint = false} : vector<60x5xf32>, vector<5x32xf32>, vector<60x32xf32> -> vector<60x32xf32>
    %dot_general3A_160 = arith.constant dense<0.000000e+00> : vector<60x32xf32>
    %dot_general3A_161 = tpu.matmul %convert_element_type3A_131, %mul3A_29, %dot_general3A_160 {dimension_numbers = #tpu.dot_dimension_numbers<[1], [0], [0], [1], [0, 0, 1, 1], [], []>, precision = #tpu.contract_precision<fp32>, transpose_lhs_hint = false} : vector<60x6xf32>, vector<6x32xf32>, vector<60x32xf32> -> vector<60x32xf32>
    %add3A_162 = arith.addf %dot_general3A_159, %dot_general3A_161 : vector<60x32xf32>
    %dot_general3A_163 = arith.constant dense<0.000000e+00> : vector<60x32xf32>
    %dot_general3A_164 = tpu.matmul %convert_element_type3A_158, %mul3A_48, %dot_general3A_163 {dimension_numbers = #tpu.dot_dimension_numbers<[1], [0], [0], [1], [0, 0, 1, 1], [], []>, precision = #tpu.contract_precision<fp32>, transpose_lhs_hint = false} : vector<60x2xf32>, vector<2x32xf32>, vector<60x32xf32> -> vector<60x32xf32>
    %add3A_165 = arith.addf %add3A_162, %dot_general3A_164 : vector<60x32xf32>
    %slice3A = vector.extract_strided_slice %add3A_165 {offsets = [0, 0], sizes = [60, 1], strides = [1, 1]} : vector<60x32xf32> to vector<60x1xf32>
    %concatenate3A = tpu.concatenate %add3A_165, %slice3A in 1 : vector<60x32xf32>, vector<60x1xf32> -> vector<60x33xf32>
    %swap3A = arith.constant 0 : index
    %swap3A_166 = arith.constant 0 : index
    %swap3A_167 = vector.load %arg3[%swap3A, %swap3A_166] : memref<60x33xf32, #tpu.memory_space<vmem>>, vector<60x33xf32>
    tpu.vector_store %arg3[%swap3A, %swap3A_166], %concatenate3A {strides = array<i32>} : memref<60x33xf32, #tpu.memory_space<vmem>>, vector<60x33xf32>,
    return
  }
}

</mosaic_0001>

<sc_bundles>
// kernel: kernel.4.cloned.1.call-start
scs
__scs_entry_jumppad:
0x0: {  	(pc) =	sbr.rel $0x88, $3  }
0x1: {  	(tag) =	ssettag $0x0;
	lr =	simm.s32 $0x1  }
0x2: {  	[smem:$0x3F9D] =	sst lr;
	_ =	strace $0xD0000000  }
0x3: {  	_ = 	snop  }
0x4: {  	_ = 	snop  }
0x5: {  	_ = 	snop  }
0x6: {  	_ = 	snop  }
0x7: {  	_ = 	snop  }
__scs_overlays_trampoline_lowered:
0x8: {  	[smem:$0x3FAC] =	sst s0  }
0x9: {  	[smem:$0x3FAD] =	sst s1  }
0xa: {  	[smem:$0x3FAE] =	sst s2  }
0xb: {  	[smem:$0x3FAF] =	sst s3  }
0xc: {  	[smem:$0x3FB0] =	sst s4  }
0xd: {  	[smem:$0x3FB1] =	sst s5  }
0xe: {  	[smem:$0x3FB2] =	sst s6  }
0xf: {  	[smem:$0x3FB3] =	sst s7  }
0x10: {  	[smem:$0x3FB4] =	sst s8  }
0x11: {  	[smem:$0x3FB5] =	sst s9;
	s0 =	simm.s32 @!p0 $0x0  }
0x12: {  	s1 =	sld [smem:$0x3F9B];
	s0 =	simm.s32 @p0 $0x1  }
0x13: {  	[smem:$0x3FB6] =	sst s0;
	s0 =	simm.s32 @!p1 $0x0  }
0x14: {  	s2 =	sld [smem:$0x3F9A];
	s0 =	simm.s32 @p1 $0x1  }
0x15: {  	[smem:$0x3FB7] =	sst s0;
	s0 =	simm.s32 @!p2 $0x0  }
0x16: {  	s3 =	sld [smem:$0x3FDB];
	s0 =	simm.s32 @p2 $0x1  }
0x17: {  	s4 =	simm.s32 $0x1BF5;
	[smem:$0x3FB9] =	sst s0  }
0x18: {  	s0 =	sld [smem:$0x3F9C];
	_ =	swait.ge [sflag:s4], $0x0  }
0x19: {  	s7 =	sld [smem:$0x3F9D]  }
0x1a: {  	s8 =	sadd.s32 $0xFFFFE003, lr  }
0x1b: {  	s9 =	sadd.s32 $0xFFFFFEF7, lr;
	s5 =	simm.s32 $0xFFFFFFFF;
	p2 =	slt.u32 s8, $0xFFFFF086  }
0x1c: {  	p1 =	slt.u32 s9, $0xF7A;
	s5 =	simm.s32 @!p2 $0x0  }
0x1d: {  	s5 =	simm.s32 @p1 $0x1;
	p0 =	seq.s32 s7, s2  }
0x1e: {  	s7 =	smul.u32 @!p0 $0xF7A, s2;
	p2 =	seq.s32 @!p0 s5, $0x0  }
0x1f: {  	s9 =	smul.u32 $0xF7A, s1;
	s8 =	simm.s32 @!p0 $0x1BF5;
	p2 =	por !p2, p0  }
0x20: {  	[sflag:s8] =	ssyncset.s32 @!p0 $0xFFFFF086;
	s6 =	sadd.s32 @!p0 s3, s7;
	s7 =	simm.s32 @!p0 $0x108  }
0x21: {  	s3 =	sadd.s32 s3, s9;
	s6 =	sadd.s32 @!p0 $0x88, s6;
	s7 =	simm.s32 @p2 $0x1082  }
0x22: {  	[simem:s7], [sflag:s8] =	dma.local @!p0 [hbm:s6], $0xF7A  }
0x23: {  	s9 =	sor.u32 $0xD0000000, s2;
	s6 =	simm.s32 $0x108;
	_ =	swait.ge @!p0 [sflag:s8], $0x0  }
0x24: {  	s3 =	sadd.s32 $0x88, s3;
	s6 =	simm.s32 @!p1 $0x1082;
	[sflag:s4] =	ssyncset.s32 $0xFFFFF086  }
0x25: {  	[simem:s6], [sflag:s4] =	dma.local [hbm:s3], $0xF7A  }
0x26: {  	[smem:$0x3F9D] =	sst s1;
	(tag) =	ssettag s2;
	_ =	strace s9  }
0x27: {  	s1 =	sld [smem:$0x3FAD]  }
0x28: {  	s2 =	sld [smem:$0x3FAE]  }
0x29: {  	s4 =	sld [smem:$0x3FB0]  }
0x2a: {  	p0 =	seq.s32 s5, $0x0;
	s5 =	sld [smem:$0x3FB1]  }
0x2b: {  	s6 =	sld [smem:$0x3FB2]  }
0x2c: {  	s7 =	sld [smem:$0x3FB3]  }
0x2d: {  	s3 =	simm.s32 $0x108;
	s8 =	sld [smem:$0x3FB4]  }
0x2e: {  	s3 =	simm.s32 @!p0 $0x1082;
	s9 =	sld [smem:$0x3FB5]  }
0x2f: {  	lr =	sadd.s32 s0, s3;
	s0 =	sld [smem:$0x3FAC]  }
0x30: {  	s3 =	sld [smem:$0x3FAF]  }
0x31: {  	[smem:$0x3FB8] =	sst s10  }
0x32: {  	s10 =	sld [smem:$0x3FB6];
	_ =	sdelay $0x3  }
0x33: {  	p0 =	seq.s32 s10, $0x1;
	s10 =	sld [smem:$0x3FB8];
	_ =	sdelay $0x3  }
0x34: {  	[smem:$0x3FB8] =	sst s10  }
0x35: {  	s10 =	sld [smem:$0x3FB7];
	_ =	sdelay $0x3  }
0x36: {  	p1 =	seq.s32 s10, $0x1;
	s10 =	sld [smem:$0x3FB8];
	_ =	sdelay $0x3  }
0x37: {  	[smem:$0x3FB8] =	sst s10  }
0x38: {  	s10 =	sld [smem:$0x3FB9]  }
0x39: {  	_ = 	snop;
	(pc) =	sbr.ind lr, $3  }
0x3a: {  	_ = 	snop  }
0x3b: {  	_ = 	snop  }
0x3c: {  	p2 =	seq.s32 s10, $0x1;
	s10 =	sld [smem:$0x3FB8]  }
0x3d: {  	_ =	shalt  }
0x3e: {  	_ =	shalt  }
0x3f: {  	_ =	shalt  }
0x40: {  	_ =	shalt  }
0x41: {  	_ =	shalt  }
0x42: {  	_ =	shalt  }
0x43: {  	_ =	shalt  }
0x44: {  	_ =	shalt  }
0x45: {  	_ =	shalt  }
0x46: {  	_ =	shalt  }
0x47: {  	_ =	shalt  }
0x48: {  	_ =	shalt  }
0x49: {  	_ =	shalt  }
0x4a: {  	_ =	shalt  }
0x4b: {  	_ =	shalt  }
0x4c: {  	_ =	shalt  }
0x4d: {  	_ =	shalt  }
0x4e: {  	_ =	shalt  }
0x4f: {  	_ =	shalt  }
0x50: {  	_ =	shalt  }
0x51: {  	_ =	shalt  }
0x52: {  	_ =	shalt  }
0x53: {  	_ =	shalt  }
0x54: {  	_ =	shalt  }
0x55: {  	_ =	shalt  }
0x56: {  	_ =	shalt  }
0x57: {  	_ =	shalt  }
0x58: {  	_ =	shalt  }
0x59: {  	_ =	shalt  }
0x5a: {  	_ =	shalt  }
0x5b: {  	_ =	shalt  }
0x5c: {  	_ =	shalt  }
0x5d: {  	_ =	shalt  }
0x5e: {  	_ =	shalt  }
0x5f: {  	_ =	shalt  }
0x60: {  	_ =	shalt  }
0x61: {  	_ =	shalt  }
0x62: {  	_ =	shalt  }
0x63: {  	_ =	shalt  }
0x64: {  	_ =	shalt  }
0x65: {  	_ =	shalt  }
0x66: {  	_ =	shalt  }
0x67: {  	_ =	shalt  }
0x68: {  	_ =	shalt  }
0x69: {  	_ =	shalt  }
0x6a: {  	_ =	shalt  }
0x6b: {  	_ =	shalt  }
0x6c: {  	_ =	shalt  }
0x6d: {  	_ =	shalt  }
0x6e: {  	_ =	shalt  }
0x6f: {  	_ =	shalt  }
0x70: {  	_ =	shalt  }
0x71: {  	_ =	shalt  }
0x72: {  	_ =	shalt  }
0x73: {  	_ =	shalt  }
0x74: {  	_ =	shalt  }
0x75: {  	_ =	shalt  }
0x76: {  	_ =	shalt  }
0x77: {  	_ =	shalt  }
0x78: {  	_ =	shalt  }
0x79: {  	_ =	shalt  }
0x7a: {  	_ =	shalt  }
0x7b: {  	_ =	shalt  }
0x7c: {  	_ =	shalt  }
0x7d: {  	_ =	shalt  }
0x7e: {  	_ =	shalt  }
0x7f: {  	_ =	shalt  }
0x80: {  	_ =	shalt  }
0x81: {  	_ =	shalt  }
0x82: {  	_ =	shalt  }
0x83: {  	_ =	shalt  }
0x84: {  	_ =	shalt  }
0x85: {  	_ =	shalt  }
0x86: {  	_ =	shalt  }
0x87: {  	_ =	shalt  }
.Lfunc_end0:
.L_simem_size_0:
called_computation_lowered:
.L_overlay_start_0:
0x88: {  	s2 =	sld [smem:$0x3FD9]  }
0x89: {  	s3 =	sld [smem:$0x3FFE];
	_ =	sdelay $0x1  }
0x8a: {  	s1 =	srdreg.scid  }
0x8b: {  	s0 =	sand.u32 $0x1, s1  }
0x8c: {  	s17 =	sshll.u32 s0, $0xA;
	s2 =	sadd.s32 s3, s2  }
0x8d: {  	s2 =	sadd.s32 s2, s17  }
0x8e: {  	[smem:$0x3FC4] =	sst s2  }
0x8f: {  	_ = 	snop  }
0x90: {  	s2 =	sld [smem:$0x3FC9]  }
0x91: {  	s18 =	sld [smem:$0x3FD0];
	(tm) =	ssettm $0x1  }
0x92: {  	s4 =	sld [smem:$0x3FFB];
	_ =	sdelay $0x3  }
0x93: {  	_ =	strace s4  }
0x94: {  	s4 =	sld [smem:$0x3FFC];
	_ =	sdelay $0x3  }
0x95: {  	_ =	strace s4  }
0x96: {  	s4 =	sld [smem:$0x3FFD];
	_ =	sdelay $0x3  }
0x97: {  	_ =	strace s4  }
0x98: {  	_ =	strace $0x8FFFFFFF  }
0x99: {  	s19 =	sld [smem:$0x3FDB];
	_ =	sdelay $0x1  }
0x9a: {  	s5 =	simm.s32 $_scs_section_size  }
0x9b: {  	s6 =	simm.s32 $_size__tile_overlayer_lowered;
	s7 =	simm.s32 $_tile_overlayer_lowered  }
0x9c: {  	s22 =	simm.s32 $0x1BFF;
	s21 =	sshll.u32 s7, $0x1;
	s4 =	sadd.s32 s5, s19  }
0x9d: {  	s8 =	simm.s32 $0x0;
	s20 =	sshll.u32 s6, $0x1;
	s6 =	sadd.s32 s21, s4  }
0x9e: {  	[timem:s8], [sflag:s22] =	dma.local [hbm:s6], s20  }
0x9f: {  	_ =	swait.ge [sflag:s22], s20  }
0xa0: {  	s5 =	ssub.s32 $0x0, s20;
	[sflag:s22] =	ssyncset.done $0x0  }
0xa1: {  	[sflag:s22] =	ssyncadd.s32 s5;
	_ =	sdelay $0x1  }
0xa2: {  	s23 =	simm.s32 $0x1B8B  }
0xa3: {  	_ =	swait.ge [sflag:s23], $0x1  }
0xa4: {  	[sflag:s23] =	ssyncset.done $0x0  }
0xa5: {  	s25 =	simm.s32 $0x1B8E;
	s24 =	sld [smem:$0x3FFE];
	[sflag:s23] =	ssyncadd.s32 $0xFFFFFFFF  }
0xa6: {  	s26 =	simm.s32 $execute0_lowered;
	[smem:$0x3FD2] =	sst s25  }
0xa7: {  	s6 =	sshll.u32 s26, $0x1;
	_ =	strace $0x80000046;
	[dreg:$0x1] =	wrdreg $0xFFFFFFFF  }
0xa8: {  	s28 =	simm.s32 $_size_execute0_lowered;
	s4 =	sadd.s32 s4, s6;
	[dreg:$0x0] =	wrdreg $0x0  }
0xa9: {  	s6 =	sshll.u32 s28, $0x1;
	[dreg:$0x2] =	wrdreg s4  }
0xaa: {  	[dreg:$0x3] =	wrdreg s6  }
0xab: {  	[dreg:$0x4] =	wrdreg $0xC0  }
0xac: {  	_ =	task [dreg:s8], $0x5FFFF  }
0xad: {  	[dreg:$0x1] =	wrdreg $0xFFFFFFFF  }
0xae: {  	[dreg:$0x0] =	wrdreg $0x60  }
0xaf: {  	[dreg:$0x2] =	wrdreg s2  }
0xb0: {  	[dreg:$0x3] =	wrdreg s24  }
0xb1: {  	[dreg:$0x4] =	wrdreg s18  }
0xb2: {  	[dreg:$0x5] =	wrdreg $0x9  }
0xb3: {  	_ =	task.clear_ibuf [dreg:s8], $0x6FFFF;
	_ =	strace $0x90000046  }
0xb4: {  	s29 =	simm.s32 $0x9;
	_ =	strace $0x80000048  }
0xb5: {  	_ =	swait.ge [sflag:s29], $0x1  }
0xb6: {  	[sflag:s29] =	ssyncadd.s32 $0xFFFFFFFF  }
0xb7: {  	_ =	strace $0x90000048  }
0xb8: {  	_ =	sfence  }
0xb9: {  	s30 =	sld [smem:$0x0];
	_ =	sdelay $0x2  }
0xba: {  	s31 =	sshll.u32 s1, $0xD;
	s1 =	sshrl.u32 s1, $0x2  }
0xbb: {  	s3 =	sand.u32 $0x4000, s31;
	s1 =	sadd.s32 s1, s30  }
0xbc: {  	s0 =	sor.u32 s3, s0;
	s1 =	sshll.u32 s1, $0x11  }
0xbd: {  	s0 =	sor.u32 s1, s0  }
0xbe: {  	s0 =	sadd.s32 $0x8F2B, s0  }
0xbf: {  	[sflag:s0] =	ssyncadd.remote.s32 $0x1  }
0xc0: {  	_ =	sfence.sel $0xFFFF  }
0xc1: {  	[dreg:$0x0] =	wrdreg $0xFFFFFFFF;
	(pc) =	sbr.abs _section_cstart, $3  }
0xc2: {  	[dreg:$0x1] =	wrdreg $0xFFFFFFFF  }
0xc3: {  	_ =	task.clear_ibuf [dreg:s8], $0x2FFFF;
	_ =	strace $0x9FFFFFFF  }
0xc4: {  	(tm) =	ssettm $0x7FFFFFFF  }
0xc5: {  	_ =	shalt  }
tec
execute0_lowered:
.L_overlay_start_1:
0x0: {  	(tag) =	ssettag $0x1  }
0x1: {  	s1 =	rddreg [dreg:$0x0]  }
0x2: {  	s0 =	rddreg [dreg:$0x1];
	s2 =	srdreg.scid  }
0x3: {  	s4 =	stileid.u32;
	s3 =	rddreg [dreg:$0x2]  }
0x4: {  	s14 =	simm.s32 $0x5;
	s16 =	simm.s32 $0x2800;
	s17 =	simm.s32 $0xC35000  }
0x5: {  	s18 =	simm.s32 $0x3000;
	s20 =	simm.s32 $0xD000;
	s21 =	simm.s32 $0x3  }
0x6: {  	s22 =	simm.s32 $0x1;
	s2 =	sand.u32 $0x1, s2;
	s5 =	sshll.u32 s4, $0x1  }
0x7: {  	s23 =	simm.s32 $0x4;
	s24 =	simm.s32 $0x2;
	s5 =	sor.u32 s2, s5  }
0x8: {  	s25 =	simm.s32 $0x0;
	s4 =	simm.s32 $0x0;
	s8 =	smul.u32 $0xA00, s5  }
0x9: {  	s0 =	sadd.s32 $0xA00, s0;
	[smem:$0x7FF] =	sst s4;
	s7 =	smul.u32 $0x2800, s5  }
0xa: {  	s2 =	ssub.s32 $0x2, s2;
	_ =	strace $0x80000047;
	s9 =	smul.u32 $0x500, s5  }
.Ltmp0:
0xb: {  	[dreg:$0x4] =	wrdreg s0;
	s30 =	sshrl.u32 s2, $0x1;
	(pc) =	sbr.rel .LBB2_1-.Ltmp0, $4  }
0xc: {  	s0 =	ssub.s32 s2, s30;
	s31 =	sshrl.u32 s7, $0x3;
	s11 =	sadd.s32 $0x500, s8  }
0xd: {  	s7 =	sadd.s32 s1, s9;
	s8 =	sadd.s32 s3, s8;
	s13 =	smax.u32 s0, $0x1  }
0xe: {  	s2 =	sadd.s32 s1, s31;
	s10 =	sshrl.u32 s11, $0x1;
	s11 =	sadd.s32 s3, s11  }
0xf: {  	s9 =	sadd.s32 $0xA000, s2;
	s10 =	sadd.s32 s1, s10;
	s12 =	sadd.s32 $0xA280, s2  }
.LBB2_13:
0x10: {  	s25 =	sadd.s32 $0x1, s25  }
0x11: {  	_ =	swait.ge [sflag:s22], $0xA000;
	p0 =	sne.s32 s25, s13  }
.Ltmp1:
0x12: {  	[sflag:s22] =	ssyncset.done $0x0;
	(pc) =	sbr.rel @!p0 .LBB2_14-.Ltmp1, $4  }
0x13: {  	[sflag:s22] =	ssyncadd.s32 $0xFFFF6000  }
0x14: {  	_ =	swait.ge [sflag:s24], $0xA000  }
0x15: {  	[sflag:s24] =	ssyncset.done $0x0  }
0x16: {  	[sflag:s24] =	ssyncadd.s32 $0xFFFF6000  }
.LBB2_1:
0x17: {  	s0 =	rddreg [dreg:$0x4]  }
0x18: {  	[tilespmem:s4], [sflag:$0x5] =	stream.linear.gather [hbm4b:s0+s4], $0x800, $0x38;
	[tilespmem:$0x17000] =	vst v63  }
0x19: {  	_ =	swait.ge [sflag:s14], $0x800  }
0x1a: {  	[sflag:s14] =	ssyncset.done $0x0  }
0x1b: {  	s26 =	simm.s32 $0x800;
	[sflag:s14] =	ssyncadd.s32 $0xFFFFF800  }
0x1c: {  	[tilespmem:s26], [sflag:$0x5] =	stream.linear.gather [hbm4b:s7+s4], $0x1400, $0x38;
	[tilespmem:$0x17000] =	vst v63  }
0x1d: {  	s29 =	simm.s32 $0x0;
	s30 =	simm.s32 $0x0;
	_ =	swait.ge [sflag:s14], $0x1400  }
0x1e: {  	s2 =	sand.u32 $0x70, s29;
	s0 =	sand.u32 $0x3FFFFE00, s30;
	[sflag:s14] =	ssyncset.done $0x0  }
0x1f: {  	s0 =	sor.u32 s2, s0;
	[sflag:s14] =	ssyncadd.s32 $0xFFFFEC00  }
0x20: {  	v0 =	vld [tilespmem:s0+$0x800]  }
0x21: {  	v1 =	vld [tilespmem:s0+$0x880]  }
0x22: {  	v2 =	vld [tilespmem:s0+$0x900];
	_ =	sdelay $0x3  }
0x23: {  	v0 =	vmul.u32 $0x18C, v0;
	v1 =	vmul.u32 $0x42, v1  }
0x24: {  	v2 =	vmul.u32 $0x21, v2  }
0x25: {  	s28 =	simm.s32 $0x10;
	s31 =	simm.s32 $0x40;
	v0 =	vadd.s32 v0, v1  }
0x26: {  	s26 =	sand.u32 $0x70, s28;
	s0 =	sand.u32 $0x3FFFFE00, s31;
	v11 =	vadd.s32 v2, v0  }
0x27: {  	s0 =	sor.u32 s26, s0;
	v1 =	vadd.s32 $0x1, v11  }
0x28: {  	v27 =	vld [tilespmem:s0+$0x900];
	v2 =	vadd.s32 $0x2, v11  }
0x29: {  	v28 =	vld [tilespmem:s0+$0x800];
	v3 =	vadd.s32 $0x3, v11  }
0x2a: {  	v35 =	vld [tilespmem:s0+$0x880];
	v4 =	vadd.s32 $0x4, v11  }
0x2b: {  	v5 =	vadd.s32 $0x5, v11;
	v0 =	vld.idx.msk [tilespmem:v11+s4+$0x0], $0xffff  }
0x2c: {  	v26 =	vld.idx.msk [tilespmem:v1+s4+$0x0], $0xffff;
	v1 =	vadd.s32 $0x6, v11  }
0x2d: {  	v25 =	vld.idx.msk [tilespmem:v2+s4+$0x0], $0xffff;
	v2 =	vadd.s32 $0x7, v11  }
0x2e: {  	v24 =	vld.idx.msk [tilespmem:v3+s4+$0x0], $0xffff;
	v3 =	vadd.s32 $0x8, v11  }
0x2f: {  	v23 =	vld.idx.msk [tilespmem:v4+s4+$0x0], $0xffff;
	v4 =	vadd.s32 $0x9, v11  }
0x30: {  	v22 =	vld.idx.msk [tilespmem:v5+s4+$0x0], $0xffff;
	v5 =	vadd.s32 $0xA, v11  }
0x31: {  	v21 =	vld.idx.msk [tilespmem:v1+s4+$0x0], $0xffff;
	v1 =	vadd.s32 $0xB, v11  }
0x32: {  	v20 =	vld.idx.msk [tilespmem:v2+s4+$0x0], $0xffff;
	v2 =	vadd.s32 $0xC, v11  }
0x33: {  	v19 =	vld.idx.msk [tilespmem:v3+s4+$0x0], $0xffff;
	v3 =	vadd.s32 $0xD, v11  }
0x34: {  	v18 =	vld.idx.msk [tilespmem:v4+s4+$0x0], $0xffff;
	v4 =	vadd.s32 $0xE, v11  }
0x35: {  	v17 =	vld.idx.msk [tilespmem:v5+s4+$0x0], $0xffff;
	v5 =	vadd.s32 $0xF, v11  }
0x36: {  	v16 =	vld.idx.msk [tilespmem:v1+s4+$0x0], $0xffff;
	v1 =	vadd.s32 $0x10, v11  }
0x37: {  	v15 =	vld.idx.msk [tilespmem:v2+s4+$0x0], $0xffff;
	v2 =	vadd.s32 $0x11, v11  }
0x38: {  	v14 =	vld.idx.msk [tilespmem:v3+s4+$0x0], $0xffff;
	v3 =	vadd.s32 $0x12, v11  }
0x39: {  	v13 =	vld.idx.msk [tilespmem:v4+s4+$0x0], $0xffff;
	v4 =	vadd.s32 $0x13, v11  }
0x3a: {  	v12 =	vld.idx.msk [tilespmem:v5+s4+$0x0], $0xffff;
	v5 =	vadd.s32 $0x14, v11  }
0x3b: {  	v10 =	vld.idx.msk [tilespmem:v1+s4+$0x0], $0xffff;
	v1 =	vadd.s32 $0x15, v11  }
0x3c: {  	v9 =	vld.idx.msk [tilespmem:v2+s4+$0x0], $0xffff;
	v2 =	vadd.s32 $0x16, v11  }
0x3d: {  	v7 =	vadd.s32 $0x17, v11;
	v8 =	vld.idx.msk [tilespmem:v3+s4+$0x0], $0xffff  }
0x3e: {  	v29 =	vadd.s32 $0x18, v11;
	v6 =	vld.idx.msk [tilespmem:v4+s4+$0x0], $0xffff  }
0x3f: {  	v30 =	vadd.s32 $0x1F, v11;
	v5 =	vld.idx.msk [tilespmem:v5+s4+$0x0], $0xffff  }
0x40: {  	v34 =	vadd.s32 $0x19, v11;
	v4 =	vld.idx.msk [tilespmem:v1+s4+$0x0], $0xffff  }
0x41: {  	v36 =	vadd.s32 $0x1A, v11;
	v3 =	vld.idx.msk [tilespmem:v2+s4+$0x0], $0xffff  }
0x42: {  	v33 =	vadd.s32 $0x1B, v11;
	v2 =	vld.idx.msk [tilespmem:v7+s4+$0x0], $0xffff  }
0x43: {  	v32 =	vadd.s32 $0x1C, v11;
	v1 =	vld.idx.msk [tilespmem:v29+s4+$0x0], $0xffff  }
0x44: {  	v31 =	vadd.s32 $0x1D, v11;
	v29 =	vld.idx.msk [tilespmem:v30+s4+$0x0], $0xffff  }
0x45: {  	v7 =	vld.idx.msk [tilespmem:v34+s4+$0x0], $0xffff;
	v30 =	vadd.s32 $0x1E, v11  }
0x46: {  	v35 =	vmul.u32 $0x42, v35;
	v34 =	vmul.u32 $0x18C, v28;
	v11 =	vld.idx.msk [tilespmem:v36+s4+$0x0], $0xffff  }
.LBB2_2:
0x47: {  	v27 =	vmul.u32 $0x21, v27;
	v28 =	vld.idx.msk [tilespmem:v33+s4+$0x0], $0xffff;
	s0 =	sshll.u32 s29, $0x3;
	s29 =	smov.u32 s28;
	s28 =	sadd.s32 $0x10, s28  }
0x48: {  	s15 =	sshll.u32 s28, $0x2;
	p0 =	slt.u32 s28, $0x4F0;
	v33 =	vadd.s32 v34, v35;
	v34 =	vld.idx.msk [tilespmem:v32+s4+$0x0], $0xffff;
	s0 =	sand.u32 $0x3FFFFC00, s0  }
0x49: {  	s30 =	sand.u32 $0x70, s28;
	s15 =	sand.u32 $0x3FFFFE00, s15;
	v35 =	vadd.s32 v27, v33;
	v36 =	vld.idx.msk [tilespmem:v31+s4+$0x0], $0xffff;
	s0 =	sor.u32 s2, s0  }
0x4a: {  	s2 =	smov.u32 s26;
	s26 =	smov.u32 s30;
	s15 =	sor.u32 s30, s15;
	v31 =	vadd.s32 $0x1, v35;
	v37 =	vld.idx.msk [tilespmem:v30+s4+$0x0], $0xffff;
	[tilespmem:s0+$0xAB80] =	vst v29  }
0x4b: {  	v29 =	vadd.s32 $0x2, v35;
	v27 =	vld [tilespmem:s15+$0x900];
	[tilespmem:s0+$0x3080] =	vst v26  }
0x4c: {  	v30 =	vadd.s32 $0x3, v35;
	v38 =	vld [tilespmem:s15+$0x800];
	[tilespmem:s0+$0x3100] =	vst v25  }
0x4d: {  	v32 =	vadd.s32 $0x4, v35;
	v39 =	vld [tilespmem:s15+$0x880];
	[tilespmem:s0+$0x3180] =	vst v24  }
0x4e: {  	v33 =	vadd.s32 $0x5, v35;
	v40 =	vld.idx.msk [tilespmem:v35+s4+$0x0], $0xffff;
	[tilespmem:s0+$0x3200] =	vst v23  }
0x4f: {  	v26 =	vld.idx.msk [tilespmem:v31+s4+$0x0], $0xffff;
	v31 =	vadd.s32 $0x6, v35;
	[tilespmem:s0+$0x3280] =	vst v22  }
0x50: {  	v25 =	vld.idx.msk [tilespmem:v29+s4+$0x0], $0xffff;
	v29 =	vadd.s32 $0x7, v35;
	[tilespmem:s0+$0x3300] =	vst v21  }
0x51: {  	v24 =	vld.idx.msk [tilespmem:v30+s4+$0x0], $0xffff;
	v30 =	vadd.s32 $0x8, v35;
	[tilespmem:s0+$0x3380] =	vst v20  }
0x52: {  	v23 =	vld.idx.msk [tilespmem:v32+s4+$0x0], $0xffff;
	v32 =	vadd.s32 $0x9, v35;
	[tilespmem:s0+$0x5800] =	vst v19  }
0x53: {  	v22 =	vld.idx.msk [tilespmem:v33+s4+$0x0], $0xffff;
	v33 =	vadd.s32 $0xA, v35;
	[tilespmem:s0+$0x5880] =	vst v18  }
0x54: {  	v21 =	vld.idx.msk [tilespmem:v31+s4+$0x0], $0xffff;
	v31 =	vadd.s32 $0xB, v35;
	[tilespmem:s0+$0x5900] =	vst v17  }
0x55: {  	v20 =	vld.idx.msk [tilespmem:v29+s4+$0x0], $0xffff;
	v29 =	vadd.s32 $0xC, v35;
	[tilespmem:s0+$0x5980] =	vst v16  }
0x56: {  	v19 =	vld.idx.msk [tilespmem:v30+s4+$0x0], $0xffff;
	v30 =	vadd.s32 $0xD, v35;
	[tilespmem:s0+$0x5A00] =	vst v15  }
0x57: {  	v18 =	vld.idx.msk [tilespmem:v32+s4+$0x0], $0xffff;
	v32 =	vadd.s32 $0xE, v35;
	[tilespmem:s0+$0x5A80] =	vst v14  }
0x58: {  	v17 =	vld.idx.msk [tilespmem:v33+s4+$0x0], $0xffff;
	v33 =	vadd.s32 $0xF, v35;
	[tilespmem:s0+$0x5B00] =	vst v13  }
0x59: {  	v16 =	vld.idx.msk [tilespmem:v31+s4+$0x0], $0xffff;
	v31 =	vadd.s32 $0x10, v35;
	[tilespmem:s0+$0x5B80] =	vst v12  }
0x5a: {  	v15 =	vld.idx.msk [tilespmem:v29+s4+$0x0], $0xffff;
	v29 =	vadd.s32 $0x11, v35;
	[tilespmem:s0+$0x8000] =	vst v10  }
0x5b: {  	v14 =	vld.idx.msk [tilespmem:v30+s4+$0x0], $0xffff;
	v30 =	vadd.s32 $0x12, v35;
	[tilespmem:s0+$0x8080] =	vst v9  }
0x5c: {  	v13 =	vld.idx.msk [tilespmem:v32+s4+$0x0], $0xffff;
	v32 =	vadd.s32 $0x13, v35;
	[tilespmem:s0+$0x8100] =	vst v8  }
0x5d: {  	v12 =	vld.idx.msk [tilespmem:v33+s4+$0x0], $0xffff;
	v33 =	vadd.s32 $0x14, v35;
	[tilespmem:s0+$0x8180] =	vst v6  }
0x5e: {  	v10 =	vld.idx.msk [tilespmem:v31+s4+$0x0], $0xffff;
	v31 =	vadd.s32 $0x15, v35;
	[tilespmem:s0+$0x8200] =	vst v5  }
0x5f: {  	v9 =	vld.idx.msk [tilespmem:v29+s4+$0x0], $0xffff;
	v29 =	vadd.s32 $0x16, v35;
	[tilespmem:s0+$0x8280] =	vst v4  }
0x60: {  	v8 =	vld.idx.msk [tilespmem:v30+s4+$0x0], $0xffff;
	v30 =	vadd.s32 $0x17, v35;
	[tilespmem:s0+$0x8300] =	vst v3  }
0x61: {  	v6 =	vld.idx.msk [tilespmem:v32+s4+$0x0], $0xffff;
	v32 =	vadd.s32 $0x18, v35;
	[tilespmem:s0+$0x8380] =	vst v2  }
0x62: {  	v41 =	vadd.s32 $0x1F, v35;
	v5 =	vld.idx.msk [tilespmem:v33+s4+$0x0], $0xffff;
	[tilespmem:s0+$0xA800] =	vst v1  }
0x63: {  	v42 =	vadd.s32 $0x19, v35;
	v4 =	vld.idx.msk [tilespmem:v31+s4+$0x0], $0xffff;
	[tilespmem:s0+$0xA880] =	vst v7  }
0x64: {  	v43 =	vadd.s32 $0x1A, v35;
	v3 =	vld.idx.msk [tilespmem:v29+s4+$0x0], $0xffff;
	[tilespmem:s0+$0xA900] =	vst v11  }
.Ltmp2:
0x65: {  	v33 =	vadd.s32 $0x1B, v35;
	v2 =	vld.idx.msk [tilespmem:v30+s4+$0x0], $0xffff;
	[tilespmem:s0+$0xA980] =	vst v28;
	(pc) =	sbr.rel @p0 .LBB2_2-.Ltmp2, $4  }
0x66: {  	v1 =	vld.idx.msk [tilespmem:v32+s4+$0x0], $0xffff;
	v32 =	vadd.s32 $0x1C, v35;
	[tilespmem:s0+$0xAA00] =	vst v34  }
0x67: {  	v31 =	vadd.s32 $0x1D, v35;
	v29 =	vld.idx.msk [tilespmem:v41+s4+$0x0], $0xffff;
	[tilespmem:s0+$0xAA80] =	vst v36  }
0x68: {  	v30 =	vadd.s32 $0x1E, v35;
	v7 =	vld.idx.msk [tilespmem:v42+s4+$0x0], $0xffff;
	[tilespmem:s0+$0xAB00] =	vst v37  }
0x69: {  	v34 =	vmul.u32 $0x18C, v38;
	v35 =	vmul.u32 $0x42, v39;
	v11 =	vld.idx.msk [tilespmem:v43+s4+$0x0], $0xffff;
	[tilespmem:s0+$0x3000] =	vst v0;
	v0 =	vmov v40  }
0x6a: {  	_ = 	snop  }
0x6b: {  	v27 =	vmul.u32 $0x21, v27  }
0x6c: {  	v28 =	vadd.s32 v34, v35  }
0x6d: {  	v27 =	vadd.s32 v27, v28  }
0x6e: {  	s0 =	sshll.u32 s29, $0x3;
	v32 =	vld.idx.msk [tilespmem:v32+s4+$0x0], $0xffff;
	v57 =	vadd.s32 $0x1, v27  }
0x6f: {  	v31 =	vld.idx.msk [tilespmem:v31+s4+$0x0], $0xffff;
	s0 =	sand.u32 $0x3FFFFC00, s0;
	v58 =	vadd.s32 $0x2, v27  }
0x70: {  	v30 =	vld.idx.msk [tilespmem:v30+s4+$0x0], $0xffff;
	s0 =	sor.u32 s2, s0;
	v59 =	vadd.s32 $0x3, v27  }
0x71: {  	v28 =	vld.idx.msk [tilespmem:v33+s4+$0x0], $0xffff;
	v36 =	vadd.s32 $0x4, v27;
	[tilespmem:s0+$0xAB80] =	vst v29  }
0x72: {  	v37 =	vadd.s32 $0x5, v27;
	[tilespmem:s0+$0x3080] =	vst v26;
	v29 =	vld.idx.msk [tilespmem:v27+s4+$0x0], $0xffff  }
0x73: {  	v60 =	vadd.s32 $0x6, v27;
	[tilespmem:s0+$0x3100] =	vst v25;
	v26 =	vld.idx.msk [tilespmem:v57+s4+$0x0], $0xffff  }
0x74: {  	v61 =	vadd.s32 $0x7, v27;
	[tilespmem:s0+$0x3180] =	vst v24;
	v25 =	vld.idx.msk [tilespmem:v58+s4+$0x0], $0xffff  }
0x75: {  	v62 =	vadd.s32 $0x8, v27;
	[tilespmem:s0+$0x3200] =	vst v23;
	v24 =	vld.idx.msk [tilespmem:v59+s4+$0x0], $0xffff  }
0x76: {  	v63 =	vadd.s32 $0x9, v27;
	[tilespmem:s0+$0x3280] =	vst v22;
	v23 =	vld.idx.msk [tilespmem:v36+s4+$0x0], $0xffff  }
0x77: {  	v40 =	vadd.s32 $0xA, v27;
	[tilespmem:s0+$0x3300] =	vst v21;
	v22 =	vld.idx.msk [tilespmem:v37+s4+$0x0], $0xffff  }
0x78: {  	v41 =	vadd.s32 $0xB, v27;
	[tilespmem:s0+$0x3380] =	vst v20;
	v21 =	vld.idx.msk [tilespmem:v60+s4+$0x0], $0xffff  }
0x79: {  	v42 =	vadd.s32 $0xC, v27;
	[tilespmem:s0+$0x5800] =	vst v19;
	v20 =	vld.idx.msk [tilespmem:v61+s4+$0x0], $0xffff  }
0x7a: {  	v43 =	vadd.s32 $0xD, v27;
	[tilespmem:s0+$0x5880] =	vst v18;
	v19 =	vld.idx.msk [tilespmem:v62+s4+$0x0], $0xffff  }
0x7b: {  	v44 =	vadd.s32 $0xE, v27;
	[tilespmem:s0+$0x5900] =	vst v17;
	v18 =	vld.idx.msk [tilespmem:v63+s4+$0x0], $0xffff  }
0x7c: {  	v45 =	vadd.s32 $0xF, v27;
	[tilespmem:s0+$0x5980] =	vst v16;
	v17 =	vld.idx.msk [tilespmem:v40+s4+$0x0], $0xffff  }
0x7d: {  	v46 =	vadd.s32 $0x10, v27;
	[tilespmem:s0+$0x5A00] =	vst v15;
	v16 =	vld.idx.msk [tilespmem:v41+s4+$0x0], $0xffff  }
0x7e: {  	v47 =	vadd.s32 $0x11, v27;
	[tilespmem:s0+$0x5A80] =	vst v14;
	v15 =	vld.idx.msk [tilespmem:v42+s4+$0x0], $0xffff  }
0x7f: {  	v48 =	vadd.s32 $0x12, v27;
	[tilespmem:s0+$0x5B00] =	vst v13;
	v14 =	vld.idx.msk [tilespmem:v43+s4+$0x0], $0xffff  }
0x80: {  	v49 =	vadd.s32 $0x13, v27;
	[tilespmem:s0+$0x5B80] =	vst v12;
	v13 =	vld.idx.msk [tilespmem:v44+s4+$0x0], $0xffff  }
0x81: {  	v50 =	vadd.s32 $0x14, v27;
	[tilespmem:s0+$0x8000] =	vst v10;
	v12 =	vld.idx.msk [tilespmem:v45+s4+$0x0], $0xffff  }
0x82: {  	v51 =	vadd.s32 $0x15, v27;
	[tilespmem:s0+$0x8080] =	vst v9;
	v10 =	vld.idx.msk [tilespmem:v46+s4+$0x0], $0xffff  }
0x83: {  	v52 =	vadd.s32 $0x16, v27;
	[tilespmem:s0+$0x8100] =	vst v8;
	v9 =	vld.idx.msk [tilespmem:v47+s4+$0x0], $0xffff  }
0x84: {  	v53 =	vadd.s32 $0x17, v27;
	[tilespmem:s0+$0x8180] =	vst v6;
	v8 =	vld.idx.msk [tilespmem:v48+s4+$0x0], $0xffff  }
0x85: {  	v54 =	vadd.s32 $0x18, v27;
	[tilespmem:s0+$0x8200] =	vst v5;
	v6 =	vld.idx.msk [tilespmem:v49+s4+$0x0], $0xffff  }
0x86: {  	v55 =	vadd.s32 $0x1F, v27;
	[tilespmem:s0+$0x8280] =	vst v4;
	v5 =	vld.idx.msk [tilespmem:v50+s4+$0x0], $0xffff  }
0x87: {  	v56 =	vadd.s32 $0x19, v27;
	[tilespmem:s0+$0x8300] =	vst v3;
	v4 =	vld.idx.msk [tilespmem:v51+s4+$0x0], $0xffff  }
0x88: {  	[tilespmem:s0+$0xA880] =	vst v7;
	v7 =	vadd.s32 $0x1D, v27;
	v3 =	vld.idx.msk [tilespmem:v52+s4+$0x0], $0xffff  }
0x89: {  	[tilespmem:s0+$0x8380] =	vst v2;
	v57 =	vadd.s32 $0x1A, v27;
	v2 =	vld.idx.msk [tilespmem:v53+s4+$0x0], $0xffff  }
0x8a: {  	[tilespmem:s0+$0xA800] =	vst v1;
	v58 =	vadd.s32 $0x1B, v27;
	v1 =	vld.idx.msk [tilespmem:v54+s4+$0x0], $0xffff  }
0x8b: {  	[tilespmem:s0+$0x3000] =	vst v0;
	v59 =	vadd.s32 $0x1C, v27;
	v37 =	vld.idx.msk [tilespmem:v55+s4+$0x0], $0xffff  }
0x8c: {  	[tilespmem:s0+$0xA900] =	vst v11;
	v11 =	vld.idx.msk [tilespmem:v56+s4+$0x0], $0xffff;
	v27 =	vadd.s32 $0x1E, v27  }
0x8d: {  	[tilespmem:s0+$0xAA00] =	vst v32;
	v7 =	vld.idx.msk [tilespmem:v7+s4+$0x0], $0xffff  }
0x8e: {  	s6 =	sshll.u32 s28, $0x3;
	[tilespmem:s0+$0xA980] =	vst v28;
	v28 =	vld.idx.msk [tilespmem:v57+s4+$0x0], $0xffff  }
0x8f: {  	s2 =	sand.u32 $0x3FFFFC00, s6;
	[tilespmem:s0+$0xAA80] =	vst v31;
	v60 =	vld.idx.msk [tilespmem:v58+s4+$0x0], $0xffff  }
0x90: {  	s15 =	sor.u32 s26, s2;
	[tilespmem:s0+$0xAB00] =	vst v30;
	v31 =	vld.idx.msk [tilespmem:v59+s4+$0x0], $0xffff  }
0x91: {  	v0 =	vld.idx.msk [tilespmem:v27+s4+$0x0], $0xffff;
	[tilespmem:s15+$0xAB80] =	vst v37  }
0x92: {  	[tilespmem:s15+$0x3080] =	vst v26  }
0x93: {  	[tilespmem:s15+$0x3100] =	vst v25  }
0x94: {  	[tilespmem:s15+$0x3180] =	vst v24  }
0x95: {  	[tilespmem:s15+$0x3200] =	vst v23  }
0x96: {  	[tilespmem:s15+$0x3280] =	vst v22  }
0x97: {  	[tilespmem:s15+$0x3300] =	vst v21  }
0x98: {  	[tilespmem:s15+$0x3380] =	vst v20  }
0x99: {  	[tilespmem:s15+$0x5800] =	vst v19  }
0x9a: {  	[tilespmem:s15+$0x5880] =	vst v18  }
0x9b: {  	[tilespmem:s15+$0x5900] =	vst v17  }
0x9c: {  	[tilespmem:s15+$0x5980] =	vst v16  }
0x9d: {  	[tilespmem:s15+$0x5A00] =	vst v15  }
0x9e: {  	[tilespmem:s15+$0x5A80] =	vst v14  }
0x9f: {  	[tilespmem:s15+$0x5B00] =	vst v13  }
0xa0: {  	[tilespmem:s15+$0x5B80] =	vst v12  }
0xa1: {  	[tilespmem:s15+$0x8000] =	vst v10  }
0xa2: {  	[tilespmem:s15+$0x8080] =	vst v9  }
0xa3: {  	[tilespmem:s15+$0x8100] =	vst v8  }
0xa4: {  	[tilespmem:s15+$0x8180] =	vst v6  }
0xa5: {  	[tilespmem:s15+$0x8200] =	vst v5  }
0xa6: {  	[tilespmem:s15+$0x8280] =	vst v4  }
0xa7: {  	[tilespmem:s15+$0x8300] =	vst v3  }
0xa8: {  	[tilespmem:s15+$0x8380] =	vst v2  }
0xa9: {  	[tilespmem:s15+$0xA800] =	vst v1  }
0xaa: {  	[tilespmem:s15+$0xA880] =	vst v11  }
0xab: {  	[tilespmem:s15+$0xAA80] =	vst v7  }
0xac: {  	[tilespmem:s15+$0x3000] =	vst v29  }
0xad: {  	[tilespmem:s15+$0xA900] =	vst v28  }
0xae: {  	[tilespmem:s15+$0xA980] =	vst v60  }
0xaf: {  	[tilespmem:s15+$0xAA00] =	vst v31  }
0xb0: {  	[tilespmem:s15+$0xAB00] =	vst v0  }
0xb1: {  	[hbm4b:s8+s16] =	stream.strided.scatter [tilespmem:s18], [sflag:$0x1], $0xA000, s17, s16, $0x38;
	[tilespmem:$0x17000] =	vst v63  }
0xb2: {  	s19 =	simm.s32 $0x800  }
0xb3: {  	[tilespmem:s19], [sflag:$0x3] =	stream.linear.gather [hbm4b:s9+s4], $0x1400, $0x38;
	[tilespmem:$0x17000] =	vst v63  }
0xb4: {  	s26 =	simm.s32 $0x1C00  }
0xb5: {  	[tilespmem:s26], [sflag:$0x5] =	stream.linear.gather [hbm4b:s10+s4], $0x1400, $0x38;
	[tilespmem:$0x17000] =	vst v63  }
0xb6: {  	s29 =	simm.s32 $0x0;
	s30 =	simm.s32 $0x0;
	_ =	swait.ge [sflag:s14], $0x1400  }
0xb7: {  	s2 =	sand.u32 $0x70, s29;
	s0 =	sand.u32 $0x3FFFFE00, s30;
	[sflag:s14] =	ssyncset.done $0x0  }
0xb8: {  	s0 =	sor.u32 s2, s0;
	[sflag:s14] =	ssyncadd.s32 $0xFFFFEC00  }
0xb9: {  	v0 =	vld [tilespmem:s0+$0x1C00]  }
0xba: {  	v1 =	vld [tilespmem:s0+$0x1C80]  }
0xbb: {  	v2 =	vld [tilespmem:s0+$0x1D00];
	_ =	sdelay $0x3  }
0xbc: {  	v0 =	vmul.u32 $0x18C, v0;
	v1 =	vmul.u32 $0x42, v1  }
0xbd: {  	v2 =	vmul.u32 $0x21, v2  }
0xbe: {  	s28 =	simm.s32 $0x10;
	s31 =	simm.s32 $0x40;
	v0 =	vadd.s32 v0, v1  }
0xbf: {  	s26 =	sand.u32 $0x70, s28;
	s0 =	sand.u32 $0x3FFFFE00, s31;
	v11 =	vadd.s32 v2, v0  }
0xc0: {  	s0 =	sor.u32 s26, s0;
	v1 =	vadd.s32 $0x1, v11  }
0xc1: {  	v27 =	vld [tilespmem:s0+$0x1D00];
	v2 =	vadd.s32 $0x2, v11  }
0xc2: {  	v28 =	vld [tilespmem:s0+$0x1C00];
	v3 =	vadd.s32 $0x3, v11  }
0xc3: {  	v61 =	vld [tilespmem:s0+$0x1C80];
	v4 =	vadd.s32 $0x4, v11  }
0xc4: {  	v5 =	vadd.s32 $0x5, v11;
	v0 =	vld.idx.msk [tilespmem:v11+s4+$0x0], $0xffff  }
0xc5: {  	v26 =	vld.idx.msk [tilespmem:v1+s4+$0x0], $0xffff;
	v1 =	vadd.s32 $0x6, v11  }
0xc6: {  	v25 =	vld.idx.msk [tilespmem:v2+s4+$0x0], $0xffff;
	v2 =	vadd.s32 $0x7, v11  }
0xc7: {  	v24 =	vld.idx.msk [tilespmem:v3+s4+$0x0], $0xffff;
	v3 =	vadd.s32 $0x8, v11  }
0xc8: {  	v23 =	vld.idx.msk [tilespmem:v4+s4+$0x0], $0xffff;
	v4 =	vadd.s32 $0x9, v11  }
0xc9: {  	v22 =	vld.idx.msk [tilespmem:v5+s4+$0x0], $0xffff;
	v5 =	vadd.s32 $0xA, v11  }
0xca: {  	v21 =	vld.idx.msk [tilespmem:v1+s4+$0x0], $0xffff;
	v1 =	vadd.s32 $0xB, v11  }
0xcb: {  	v20 =	vld.idx.msk [tilespmem:v2+s4+$0x0], $0xffff;
	v2 =	vadd.s32 $0xC, v11  }
0xcc: {  	v19 =	vld.idx.msk [tilespmem:v3+s4+$0x0], $0xffff;
	v3 =	vadd.s32 $0xD, v11  }
0xcd: {  	v18 =	vld.idx.msk [tilespmem:v4+s4+$0x0], $0xffff;
	v4 =	vadd.s32 $0xE, v11  }
0xce: {  	v17 =	vld.idx.msk [tilespmem:v5+s4+$0x0], $0xffff;
	v5 =	vadd.s32 $0xF, v11  }
0xcf: {  	v16 =	vld.idx.msk [tilespmem:v1+s4+$0x0], $0xffff;
	v1 =	vadd.s32 $0x10, v11  }
0xd0: {  	v15 =	vld.idx.msk [tilespmem:v2+s4+$0x0], $0xffff;
	v2 =	vadd.s32 $0x11, v11  }
0xd1: {  	v14 =	vld.idx.msk [tilespmem:v3+s4+$0x0], $0xffff;
	v3 =	vadd.s32 $0x12, v11  }
0xd2: {  	v13 =	vld.idx.msk [tilespmem:v4+s4+$0x0], $0xffff;
	v4 =	vadd.s32 $0x13, v11  }
0xd3: {  	v12 =	vld.idx.msk [tilespmem:v5+s4+$0x0], $0xffff;
	v5 =	vadd.s32 $0x14, v11  }
0xd4: {  	v10 =	vld.idx.msk [tilespmem:v1+s4+$0x0], $0xffff;
	v1 =	vadd.s32 $0x15, v11  }
0xd5: {  	v9 =	vld.idx.msk [tilespmem:v2+s4+$0x0], $0xffff;
	v2 =	vadd.s32 $0x16, v11  }
0xd6: {  	v7 =	vadd.s32 $0x17, v11;
	v8 =	vld.idx.msk [tilespmem:v3+s4+$0x0], $0xffff  }
0xd7: {  	v29 =	vadd.s32 $0x18, v11;
	v6 =	vld.idx.msk [tilespmem:v4+s4+$0x0], $0xffff  }
0xd8: {  	v30 =	vadd.s32 $0x1F, v11;
	v5 =	vld.idx.msk [tilespmem:v5+s4+$0x0], $0xffff  }
0xd9: {  	v62 =	vadd.s32 $0x19, v11;
	v4 =	vld.idx.msk [tilespmem:v1+s4+$0x0], $0xffff  }
0xda: {  	v63 =	vadd.s32 $0x1A, v11;
	v3 =	vld.idx.msk [tilespmem:v2+s4+$0x0], $0xffff  }
0xdb: {  	v33 =	vadd.s32 $0x1B, v11;
	v2 =	vld.idx.msk [tilespmem:v7+s4+$0x0], $0xffff  }
0xdc: {  	v32 =	vadd.s32 $0x1C, v11;
	v1 =	vld.idx.msk [tilespmem:v29+s4+$0x0], $0xffff  }
0xdd: {  	v31 =	vadd.s32 $0x1D, v11;
	v29 =	vld.idx.msk [tilespmem:v30+s4+$0x0], $0xffff  }
0xde: {  	v7 =	vld.idx.msk [tilespmem:v62+s4+$0x0], $0xffff;
	v30 =	vadd.s32 $0x1E, v11  }
0xdf: {  	v34 =	vmul.u32 $0x18C, v28;
	v35 =	vmul.u32 $0x42, v61;
	v11 =	vld.idx.msk [tilespmem:v63+s4+$0x0], $0xffff  }
.LBB2_4:
0xe0: {  	v27 =	vmul.u32 $0x21, v27;
	v28 =	vld.idx.msk [tilespmem:v33+s4+$0x0], $0xffff;
	s0 =	sshll.u32 s29, $0x3;
	s29 =	smov.u32 s28;
	s28 =	sadd.s32 $0x10, s28  }
0xe1: {  	s15 =	sshll.u32 s28, $0x2;
	p0 =	slt.u32 s28, $0x4F0;
	v33 =	vadd.s32 v34, v35;
	v34 =	vld.idx.msk [tilespmem:v32+s4+$0x0], $0xffff;
	s0 =	sand.u32 $0x3FFFFC00, s0  }
0xe2: {  	s30 =	sand.u32 $0x70, s28;
	s15 =	sand.u32 $0x3FFFFE00, s15;
	v35 =	vadd.s32 v27, v33;
	v36 =	vld.idx.msk [tilespmem:v31+s4+$0x0], $0xffff;
	s0 =	sor.u32 s2, s0  }
0xe3: {  	s2 =	smov.u32 s26;
	s26 =	smov.u32 s30;
	s15 =	sor.u32 s30, s15;
	v31 =	vadd.s32 $0x1, v35;
	v37 =	vld.idx.msk [tilespmem:v30+s4+$0x0], $0xffff;
	[tilespmem:s0+$0x14B80] =	vst v29  }
0xe4: {  	v29 =	vadd.s32 $0x2, v35;
	v27 =	vld [tilespmem:s15+$0x1D00];
	[tilespmem:s0+$0xD080] =	vst v26  }
0xe5: {  	v30 =	vadd.s32 $0x3, v35;
	v38 =	vld [tilespmem:s15+$0x1C00];
	[tilespmem:s0+$0xD100] =	vst v25  }
0xe6: {  	v32 =	vadd.s32 $0x4, v35;
	v39 =	vld [tilespmem:s15+$0x1C80];
	[tilespmem:s0+$0xD180] =	vst v24  }
0xe7: {  	v33 =	vadd.s32 $0x5, v35;
	v40 =	vld.idx.msk [tilespmem:v35+s4+$0x0], $0xffff;
	[tilespmem:s0+$0xD200] =	vst v23  }
0xe8: {  	v26 =	vld.idx.msk [tilespmem:v31+s4+$0x0], $0xffff;
	v31 =	vadd.s32 $0x6, v35;
	[tilespmem:s0+$0xD280] =	vst v22  }
0xe9: {  	v25 =	vld.idx.msk [tilespmem:v29+s4+$0x0], $0xffff;
	v29 =	vadd.s32 $0x7, v35;
	[tilespmem:s0+$0xD300] =	vst v21  }
0xea: {  	v24 =	vld.idx.msk [tilespmem:v30+s4+$0x0], $0xffff;
	v30 =	vadd.s32 $0x8, v35;
	[tilespmem:s0+$0xD380] =	vst v20  }
0xeb: {  	v23 =	vld.idx.msk [tilespmem:v32+s4+$0x0], $0xffff;
	v32 =	vadd.s32 $0x9, v35;
	[tilespmem:s0+$0xF800] =	vst v19  }
0xec: {  	v22 =	vld.idx.msk [tilespmem:v33+s4+$0x0], $0xffff;
	v33 =	vadd.s32 $0xA, v35;
	[tilespmem:s0+$0xF880] =	vst v18  }
0xed: {  	v21 =	vld.idx.msk [tilespmem:v31+s4+$0x0], $0xffff;
	v31 =	vadd.s32 $0xB, v35;
	[tilespmem:s0+$0xF900] =	vst v17  }
0xee: {  	v20 =	vld.idx.msk [tilespmem:v29+s4+$0x0], $0xffff;
	v29 =	vadd.s32 $0xC, v35;
	[tilespmem:s0+$0xF980] =	vst v16  }
0xef: {  	v19 =	vld.idx.msk [tilespmem:v30+s4+$0x0], $0xffff;
	v30 =	vadd.s32 $0xD, v35;
	[tilespmem:s0+$0xFA00] =	vst v15  }
0xf0: {  	v18 =	vld.idx.msk [tilespmem:v32+s4+$0x0], $0xffff;
	v32 =	vadd.s32 $0xE, v35;
	[tilespmem:s0+$0xFA80] =	vst v14  }
0xf1: {  	v17 =	vld.idx.msk [tilespmem:v33+s4+$0x0], $0xffff;
	v33 =	vadd.s32 $0xF, v35;
	[tilespmem:s0+$0xFB00] =	vst v13  }
0xf2: {  	v16 =	vld.idx.msk [tilespmem:v31+s4+$0x0], $0xffff;
	v31 =	vadd.s32 $0x10, v35;
	[tilespmem:s0+$0xFB80] =	vst v12  }
0xf3: {  	v15 =	vld.idx.msk [tilespmem:v29+s4+$0x0], $0xffff;
	v29 =	vadd.s32 $0x11, v35;
	[tilespmem:s0+$0x12000] =	vst v10  }
0xf4: {  	v14 =	vld.idx.msk [tilespmem:v30+s4+$0x0], $0xffff;
	v30 =	vadd.s32 $0x12, v35;
	[tilespmem:s0+$0x12080] =	vst v9  }
0xf5: {  	v13 =	vld.idx.msk [tilespmem:v32+s4+$0x0], $0xffff;
	v32 =	vadd.s32 $0x13, v35;
	[tilespmem:s0+$0x12100] =	vst v8  }
0xf6: {  	v12 =	vld.idx.msk [tilespmem:v33+s4+$0x0], $0xffff;
	v33 =	vadd.s32 $0x14, v35;
	[tilespmem:s0+$0x12180] =	vst v6  }
0xf7: {  	v10 =	vld.idx.msk [tilespmem:v31+s4+$0x0], $0xffff;
	v31 =	vadd.s32 $0x15, v35;
	[tilespmem:s0+$0x12200] =	vst v5  }
0xf8: {  	v9 =	vld.idx.msk [tilespmem:v29+s4+$0x0], $0xffff;
	v29 =	vadd.s32 $0x16, v35;
	[tilespmem:s0+$0x12280] =	vst v4  }
0xf9: {  	v8 =	vld.idx.msk [tilespmem:v30+s4+$0x0], $0xffff;
	v30 =	vadd.s32 $0x17, v35;
	[tilespmem:s0+$0x12300] =	vst v3  }
0xfa: {  	v6 =	vld.idx.msk [tilespmem:v32+s4+$0x0], $0xffff;
	v32 =	vadd.s32 $0x18, v35;
	[tilespmem:s0+$0x12380] =	vst v2  }
0xfb: {  	v41 =	vadd.s32 $0x1F, v35;
	v5 =	vld.idx.msk [tilespmem:v33+s4+$0x0], $0xffff;
	[tilespmem:s0+$0x14800] =	vst v1  }
0xfc: {  	v42 =	vadd.s32 $0x19, v35;
	v4 =	vld.idx.msk [tilespmem:v31+s4+$0x0], $0xffff;
	[tilespmem:s0+$0x14880] =	vst v7  }
0xfd: {  	v43 =	vadd.s32 $0x1A, v35;
	v3 =	vld.idx.msk [tilespmem:v29+s4+$0x0], $0xffff;
	[tilespmem:s0+$0x14900] =	vst v11  }
.Ltmp3:
0xfe: {  	v33 =	vadd.s32 $0x1B, v35;
	v2 =	vld.idx.msk [tilespmem:v30+s4+$0x0], $0xffff;
	[tilespmem:s0+$0x14980] =	vst v28;
	(pc) =	sbr.rel @p0 .LBB2_4-.Ltmp3, $4  }
0xff: {  	v1 =	vld.idx.msk [tilespmem:v32+s4+$0x0], $0xffff;
	v32 =	vadd.s32 $0x1C, v35;
	[tilespmem:s0+$0x14A00] =	vst v34  }
0x100: {  	v31 =	vadd.s32 $0x1D, v35;
	v29 =	vld.idx.msk [tilespmem:v41+s4+$0x0], $0xffff;
	[tilespmem:s0+$0x14A80] =	vst v36  }
0x101: {  	v30 =	vadd.s32 $0x1E, v35;
	v7 =	vld.idx.msk [tilespmem:v42+s4+$0x0], $0xffff;
	[tilespmem:s0+$0x14B00] =	vst v37  }
0x102: {  	v34 =	vmul.u32 $0x18C, v38;
	v35 =	vmul.u32 $0x42, v39;
	v11 =	vld.idx.msk [tilespmem:v43+s4+$0x0], $0xffff;
	[tilespmem:s0+$0xD000] =	vst v0;
	v0 =	vmov v40  }
0x103: {  	_ = 	snop  }
0x104: {  	v27 =	vmul.u32 $0x21, v27  }
0x105: {  	v28 =	vadd.s32 v34, v35  }
0x106: {  	v27 =	vadd.s32 v27, v28  }
0x107: {  	s0 =	sshll.u32 s29, $0x3;
	v32 =	vld.idx.msk [tilespmem:v32+s4+$0x0], $0xffff;
	v46 =	vadd.s32 $0x1, v27  }
0x108: {  	v31 =	vld.idx.msk [tilespmem:v31+s4+$0x0], $0xffff;
	s0 =	sand.u32 $0x3FFFFC00, s0;
	v47 =	vadd.s32 $0x2, v27  }
0x109: {  	v30 =	vld.idx.msk [tilespmem:v30+s4+$0x0], $0xffff;
	s0 =	sor.u32 s2, s0;
	v48 =	vadd.s32 $0x3, v27  }
0x10a: {  	v28 =	vld.idx.msk [tilespmem:v33+s4+$0x0], $0xffff;
	v36 =	vadd.s32 $0x4, v27;
	[tilespmem:s0+$0x14B80] =	vst v29  }
0x10b: {  	v37 =	vadd.s32 $0x5, v27;
	[tilespmem:s0+$0xD080] =	vst v26;
	v29 =	vld.idx.msk [tilespmem:v27+s4+$0x0], $0xffff  }
0x10c: {  	v49 =	vadd.s32 $0x6, v27;
	[tilespmem:s0+$0xD100] =	vst v25;
	v26 =	vld.idx.msk [tilespmem:v46+s4+$0x0], $0xffff  }
0x10d: {  	v50 =	vadd.s32 $0x7, v27;
	[tilespmem:s0+$0xD180] =	vst v24;
	v25 =	vld.idx.msk [tilespmem:v47+s4+$0x0], $0xffff  }
0x10e: {  	v51 =	vadd.s32 $0x8, v27;
	[tilespmem:s0+$0xD200] =	vst v23;
	v24 =	vld.idx.msk [tilespmem:v48+s4+$0x0], $0xffff  }
0x10f: {  	v52 =	vadd.s32 $0x9, v27;
	[tilespmem:s0+$0xD280] =	vst v22;
	v23 =	vld.idx.msk [tilespmem:v36+s4+$0x0], $0xffff  }
0x110: {  	v53 =	vadd.s32 $0xA, v27;
	[tilespmem:s0+$0xD300] =	vst v21;
	v22 =	vld.idx.msk [tilespmem:v37+s4+$0x0], $0xffff  }
0x111: {  	v54 =	vadd.s32 $0xB, v27;
	[tilespmem:s0+$0xD380] =	vst v20;
	v21 =	vld.idx.msk [tilespmem:v49+s4+$0x0], $0xffff  }
0x112: {  	v55 =	vadd.s32 $0xC, v27;
	[tilespmem:s0+$0xF800] =	vst v19;
	v20 =	vld.idx.msk [tilespmem:v50+s4+$0x0], $0xffff  }
0x113: {  	v56 =	vadd.s32 $0xD, v27;
	[tilespmem:s0+$0xF880] =	vst v18;
	v19 =	vld.idx.msk [tilespmem:v51+s4+$0x0], $0xffff  }
0x114: {  	v57 =	vadd.s32 $0xE, v27;
	[tilespmem:s0+$0xF900] =	vst v17;
	v18 =	vld.idx.msk [tilespmem:v52+s4+$0x0], $0xffff  }
0x115: {  	v58 =	vadd.s32 $0xF, v27;
	[tilespmem:s0+$0xF980] =	vst v16;
	v17 =	vld.idx.msk [tilespmem:v53+s4+$0x0], $0xffff  }
0x116: {  	v59 =	vadd.s32 $0x10, v27;
	[tilespmem:s0+$0xFA00] =	vst v15;
	v16 =	vld.idx.msk [tilespmem:v54+s4+$0x0], $0xffff  }
0x117: {  	v60 =	vadd.s32 $0x11, v27;
	[tilespmem:s0+$0xFA80] =	vst v14;
	v15 =	vld.idx.msk [tilespmem:v55+s4+$0x0], $0xffff  }
0x118: {  	v61 =	vadd.s32 $0x12, v27;
	[tilespmem:s0+$0xFB00] =	vst v13;
	v14 =	vld.idx.msk [tilespmem:v56+s4+$0x0], $0xffff  }
0x119: {  	v62 =	vadd.s32 $0x13, v27;
	[tilespmem:s0+$0xFB80] =	vst v12;
	v13 =	vld.idx.msk [tilespmem:v57+s4+$0x0], $0xffff  }
0x11a: {  	v63 =	vadd.s32 $0x14, v27;
	[tilespmem:s0+$0x12000] =	vst v10;
	v12 =	vld.idx.msk [tilespmem:v58+s4+$0x0], $0xffff  }
0x11b: {  	v41 =	vadd.s32 $0x15, v27;
	[tilespmem:s0+$0x12080] =	vst v9;
	v40 =	vld.idx.msk [tilespmem:v59+s4+$0x0], $0xffff  }
0x11c: {  	v43 =	vadd.s32 $0x16, v27;
	[tilespmem:s0+$0x12100] =	vst v8;
	v42 =	vld.idx.msk [tilespmem:v60+s4+$0x0], $0xffff  }
0x11d: {  	v45 =	vadd.s32 $0x17, v27;
	[tilespmem:s0+$0x12180] =	vst v6;
	v44 =	vld.idx.msk [tilespmem:v61+s4+$0x0], $0xffff  }
0x11e: {  	[tilespmem:s0+$0x12200] =	vst v5;
	v46 =	vld.idx.msk [tilespmem:v62+s4+$0x0], $0xffff;
	v47 =	vadd.s32 $0x18, v27  }
0x11f: {  	[tilespmem:s0+$0x12280] =	vst v4;
	v48 =	vld.idx.msk [tilespmem:v63+s4+$0x0], $0xffff;
	v49 =	vadd.s32 $0x1F, v27  }
0x120: {  	[tilespmem:s0+$0x12300] =	vst v3;
	v50 =	vld.idx.msk [tilespmem:v41+s4+$0x0], $0xffff;
	v51 =	vadd.s32 $0x19, v27  }
0x121: {  	[tilespmem:s0+$0x12380] =	vst v2;
	v52 =	vld.idx.msk [tilespmem:v43+s4+$0x0], $0xffff;
	v53 =	vadd.s32 $0x1A, v27  }
0x122: {  	[tilespmem:s0+$0x14800] =	vst v1;
	v54 =	vld.idx.msk [tilespmem:v45+s4+$0x0], $0xffff;
	v55 =	vadd.s32 $0x1B, v27  }
0x123: {  	[tilespmem:s0+$0x14880] =	vst v7;
	v57 =	vadd.s32 $0x1C, v27;
	v56 =	vld.idx.msk [tilespmem:v47+s4+$0x0], $0xffff  }
0x124: {  	[tilespmem:s0+$0xD000] =	vst v0;
	v58 =	vadd.s32 $0x1D, v27;
	v37 =	vld.idx.msk [tilespmem:v49+s4+$0x0], $0xffff  }
0x125: {  	[tilespmem:s0+$0x14900] =	vst v11;
	v27 =	vadd.s32 $0x1E, v27;
	v59 =	vld.idx.msk [tilespmem:v51+s4+$0x0], $0xffff  }
0x126: {  	[tilespmem:s0+$0x14A00] =	vst v32;
	v60 =	vld.idx.msk [tilespmem:v53+s4+$0x0], $0xffff  }
0x127: {  	s29 =	sshll.u32 s28, $0x3;
	[tilespmem:s0+$0x14A80] =	vst v31;
	v61 =	vld.idx.msk [tilespmem:v55+s4+$0x0], $0xffff  }
0x128: {  	s2 =	sand.u32 $0x3FFFFC00, s29;
	[tilespmem:s0+$0x14B00] =	vst v30;
	v62 =	vld.idx.msk [tilespmem:v57+s4+$0x0], $0xffff  }
0x129: {  	s30 =	sor.u32 s26, s2;
	[tilespmem:s0+$0x14980] =	vst v28;
	v7 =	vld.idx.msk [tilespmem:v58+s4+$0x0], $0xffff  }
0x12a: {  	v63 =	vld.idx.msk [tilespmem:v27+s4+$0x0], $0xffff;
	[tilespmem:s30+$0xD080] =	vst v26  }
0x12b: {  	[tilespmem:s30+$0xD100] =	vst v25  }
0x12c: {  	[tilespmem:s30+$0xD180] =	vst v24  }
0x12d: {  	[tilespmem:s30+$0xD200] =	vst v23  }
0x12e: {  	[tilespmem:s30+$0xD280] =	vst v22  }
0x12f: {  	[tilespmem:s30+$0xD300] =	vst v21  }
0x130: {  	[tilespmem:s30+$0xD380] =	vst v20  }
0x131: {  	[tilespmem:s30+$0xF800] =	vst v19  }
0x132: {  	[tilespmem:s30+$0xF880] =	vst v18  }
0x133: {  	[tilespmem:s30+$0xF900] =	vst v17  }
0x134: {  	[tilespmem:s30+$0xF980] =	vst v16  }
0x135: {  	[tilespmem:s30+$0xFA00] =	vst v15  }
0x136: {  	[tilespmem:s30+$0xFA80] =	vst v14  }
0x137: {  	[tilespmem:s30+$0xFB00] =	vst v13  }
0x138: {  	[tilespmem:s30+$0xFB80] =	vst v12  }
0x139: {  	[tilespmem:s30+$0x12000] =	vst v40  }
0x13a: {  	[tilespmem:s30+$0x12080] =	vst v42  }
0x13b: {  	[tilespmem:s30+$0x12100] =	vst v44  }
0x13c: {  	[tilespmem:s30+$0x12180] =	vst v46  }
0x13d: {  	[tilespmem:s30+$0x12200] =	vst v48  }
0x13e: {  	[tilespmem:s30+$0x12280] =	vst v50  }
0x13f: {  	[tilespmem:s30+$0x12300] =	vst v52  }
0x140: {  	[tilespmem:s30+$0x12380] =	vst v54  }
0x141: {  	[tilespmem:s30+$0xD000] =	vst v29  }
0x142: {  	[tilespmem:s30+$0x14B80] =	vst v37  }
0x143: {  	[tilespmem:s30+$0x14800] =	vst v56  }
0x144: {  	[tilespmem:s30+$0x14880] =	vst v59  }
0x145: {  	[tilespmem:s30+$0x14900] =	vst v60  }
0x146: {  	[tilespmem:s30+$0x14980] =	vst v61  }
0x147: {  	[tilespmem:s30+$0x14A00] =	vst v62  }
.Ltmp4:
0x148: {  	[tilespmem:s30+$0x14A80] =	vst v7;
	(pc) =	sbr.rel .LBB2_6-.Ltmp4, $4  }
0x149: {  	[tilespmem:s30+$0x14B00] =	vst v63  }
0x14a: {  	[hbm4b:s11+s16] =	stream.strided.scatter [tilespmem:s20], [sflag:$0x2], $0xA000, s17, s16, $0x38;
	[tilespmem:$0x17000] =	vst v63  }
0x14b: {  	s31 =	simm.s32 $0x1C00;
	s26 =	simm.s32 $0x1  }
0x14c: {  	[tilespmem:s31], [sflag:$0x4] =	stream.linear.gather [hbm4b:s12+s4], $0x1400, $0x38;
	[tilespmem:$0x17000] =	vst v63  }
.LBB2_12:
0x14d: {  	s26 =	sadd.s32 $0x1, s26  }
0x14e: {  	p0 =	sne.s32 s26, $0x14  }
.Ltmp5:
0x14f: {  	_ = 	snop;
	(pc) =	sbr.rel @!p0 .LBB2_13-.Ltmp5, $1  }
0x150: {  	_ =	sdelay $0x3  }
.LBB2_6:
0x151: {  	s0 =	sshll.u32 s26, $0x5  }
0x152: {  	s28 =	sor.u32 s5, s0  }
0x153: {  	p0 =	sgt.u32 s28, $0x270  }
.Ltmp6:
0x154: {  	_ = 	snop;
	(pc) =	sbr.rel @p0 .LBB2_12-.Ltmp6, $1  }
0x155: {  	_ =	sdelay $0x3  }
0x156: {  	_ =	swait.ge [sflag:s21], $0x1400  }
0x157: {  	[sflag:s21] =	ssyncset.done $0x0  }
0x158: {  	[sflag:s21] =	ssyncadd.s32 $0xFFFFEC00  }
0x159: {  	s31 =	simm.s32 $0x0;
	s0 =	simm.s32 $0x0;
	_ =	swait.ge [sflag:s22], $0xA000  }
0x15a: {  	s2 =	sand.u32 $0x70, s31;
	s0 =	sand.u32 $0x3FFFFE00, s0;
	[sflag:s22] =	ssyncset.done $0x0  }
0x15b: {  	s0 =	sor.u32 s2, s0;
	[sflag:s22] =	ssyncadd.s32 $0xFFFF6000  }
0x15c: {  	v0 =	vld [tilespmem:s0+$0x800]  }
0x15d: {  	v1 =	vld [tilespmem:s0+$0x880]  }
0x15e: {  	v2 =	vld [tilespmem:s0+$0x900];
	_ =	sdelay $0x3  }
0x15f: {  	v0 =	vmul.u32 $0x18C, v0;
	v1 =	vmul.u32 $0x42, v1  }
0x160: {  	v2 =	vmul.u32 $0x21, v2  }
0x161: {  	s30 =	simm.s32 $0x10;
	s19 =	simm.s32 $0x40;
	v0 =	vadd.s32 v0, v1  }
0x162: {  	s29 =	sand.u32 $0x70, s30;
	s0 =	sand.u32 $0x3FFFFE00, s19;
	v11 =	vadd.s32 v2, v0  }
0x163: {  	s0 =	sor.u32 s29, s0;
	v1 =	vadd.s32 $0x1, v11  }
0x164: {  	v27 =	vld [tilespmem:s0+$0x900];
	v2 =	vadd.s32 $0x2, v11  }
0x165: {  	v28 =	vld [tilespmem:s0+$0x800];
	v3 =	vadd.s32 $0x3, v11  }
0x166: {  	v35 =	vld [tilespmem:s0+$0x880];
	v4 =	vadd.s32 $0x4, v11  }
0x167: {  	v5 =	vadd.s32 $0x5, v11;
	v0 =	vld.idx.msk [tilespmem:v11+s4+$0x0], $0xffff  }
0x168: {  	v26 =	vld.idx.msk [tilespmem:v1+s4+$0x0], $0xffff;
	v1 =	vadd.s32 $0x6, v11  }
0x169: {  	v25 =	vld.idx.msk [tilespmem:v2+s4+$0x0], $0xffff;
	v2 =	vadd.s32 $0x7, v11  }
0x16a: {  	v24 =	vld.idx.msk [tilespmem:v3+s4+$0x0], $0xffff;
	v3 =	vadd.s32 $0x8, v11  }
0x16b: {  	v23 =	vld.idx.msk [tilespmem:v4+s4+$0x0], $0xffff;
	v4 =	vadd.s32 $0x9, v11  }
0x16c: {  	v22 =	vld.idx.msk [tilespmem:v5+s4+$0x0], $0xffff;
	v5 =	vadd.s32 $0xA, v11  }
0x16d: {  	v21 =	vld.idx.msk [tilespmem:v1+s4+$0x0], $0xffff;
	v1 =	vadd.s32 $0xB, v11  }
0x16e: {  	v20 =	vld.idx.msk [tilespmem:v2+s4+$0x0], $0xffff;
	v2 =	vadd.s32 $0xC, v11  }
0x16f: {  	v19 =	vld.idx.msk [tilespmem:v3+s4+$0x0], $0xffff;
	v3 =	vadd.s32 $0xD, v11  }
0x170: {  	v18 =	vld.idx.msk [tilespmem:v4+s4+$0x0], $0xffff;
	v4 =	vadd.s32 $0xE, v11  }
0x171: {  	v17 =	vld.idx.msk [tilespmem:v5+s4+$0x0], $0xffff;
	v5 =	vadd.s32 $0xF, v11  }
0x172: {  	v16 =	vld.idx.msk [tilespmem:v1+s4+$0x0], $0xffff;
	v1 =	vadd.s32 $0x10, v11  }
0x173: {  	v15 =	vld.idx.msk [tilespmem:v2+s4+$0x0], $0xffff;
	v2 =	vadd.s32 $0x11, v11  }
0x174: {  	v14 =	vld.idx.msk [tilespmem:v3+s4+$0x0], $0xffff;
	v3 =	vadd.s32 $0x12, v11  }
0x175: {  	v13 =	vld.idx.msk [tilespmem:v4+s4+$0x0], $0xffff;
	v4 =	vadd.s32 $0x13, v11  }
0x176: {  	v12 =	vld.idx.msk [tilespmem:v5+s4+$0x0], $0xffff;
	v5 =	vadd.s32 $0x14, v11  }
0x177: {  	v10 =	vld.idx.msk [tilespmem:v1+s4+$0x0], $0xffff;
	v1 =	vadd.s32 $0x15, v11  }
0x178: {  	v9 =	vld.idx.msk [tilespmem:v2+s4+$0x0], $0xffff;
	v2 =	vadd.s32 $0x16, v11  }
0x179: {  	v7 =	vadd.s32 $0x17, v11;
	v8 =	vld.idx.msk [tilespmem:v3+s4+$0x0], $0xffff  }
0x17a: {  	v29 =	vadd.s32 $0x18, v11;
	v6 =	vld.idx.msk [tilespmem:v4+s4+$0x0], $0xffff  }
0x17b: {  	v30 =	vadd.s32 $0x1F, v11;
	v5 =	vld.idx.msk [tilespmem:v5+s4+$0x0], $0xffff  }
0x17c: {  	v34 =	vadd.s32 $0x19, v11;
	v4 =	vld.idx.msk [tilespmem:v1+s4+$0x0], $0xffff  }
0x17d: {  	v36 =	vadd.s32 $0x1A, v11;
	v3 =	vld.idx.msk [tilespmem:v2+s4+$0x0], $0xffff  }
0x17e: {  	v33 =	vadd.s32 $0x1B, v11;
	v2 =	vld.idx.msk [tilespmem:v7+s4+$0x0], $0xffff  }
0x17f: {  	v32 =	vadd.s32 $0x1C, v11;
	v1 =	vld.idx.msk [tilespmem:v29+s4+$0x0], $0xffff  }
0x180: {  	v31 =	vadd.s32 $0x1D, v11;
	v29 =	vld.idx.msk [tilespmem:v30+s4+$0x0], $0xffff  }
0x181: {  	v7 =	vld.idx.msk [tilespmem:v34+s4+$0x0], $0xffff;
	v30 =	vadd.s32 $0x1E, v11  }
0x182: {  	v35 =	vmul.u32 $0x42, v35;
	v34 =	vmul.u32 $0x18C, v28;
	v11 =	vld.idx.msk [tilespmem:v36+s4+$0x0], $0xffff  }
.LBB2_8:
0x183: {  	v27 =	vmul.u32 $0x21, v27;
	v28 =	vld.idx.msk [tilespmem:v33+s4+$0x0], $0xffff;
	s0 =	sshll.u32 s31, $0x3;
	s31 =	smov.u32 s30;
	s30 =	sadd.s32 $0x10, s30  }
0x184: {  	s15 =	sshll.u32 s30, $0x2;
	p0 =	slt.u32 s30, $0x4F0;
	v33 =	vadd.s32 v34, v35;
	v34 =	vld.idx.msk [tilespmem:v32+s4+$0x0], $0xffff;
	s0 =	sand.u32 $0x3FFFFC00, s0  }
0x185: {  	s19 =	sand.u32 $0x70, s30;
	s15 =	sand.u32 $0x3FFFFE00, s15;
	v35 =	vadd.s32 v27, v33;
	v36 =	vld.idx.msk [tilespmem:v31+s4+$0x0], $0xffff;
	s0 =	sor.u32 s2, s0  }
0x186: {  	s2 =	smov.u32 s29;
	s29 =	smov.u32 s19;
	s15 =	sor.u32 s19, s15;
	v31 =	vadd.s32 $0x1, v35;
	v37 =	vld.idx.msk [tilespmem:v30+s4+$0x0], $0xffff;
	[tilespmem:s0+$0xAB80] =	vst v29  }
0x187: {  	v29 =	vadd.s32 $0x2, v35;
	v27 =	vld [tilespmem:s15+$0x900];
	[tilespmem:s0+$0x3080] =	vst v26  }
0x188: {  	v30 =	vadd.s32 $0x3, v35;
	v38 =	vld [tilespmem:s15+$0x800];
	[tilespmem:s0+$0x3100] =	vst v25  }
0x189: {  	v32 =	vadd.s32 $0x4, v35;
	v39 =	vld [tilespmem:s15+$0x880];
	[tilespmem:s0+$0x3180] =	vst v24  }
0x18a: {  	v33 =	vadd.s32 $0x5, v35;
	v40 =	vld.idx.msk [tilespmem:v35+s4+$0x0], $0xffff;
	[tilespmem:s0+$0x3200] =	vst v23  }
0x18b: {  	v26 =	vld.idx.msk [tilespmem:v31+s4+$0x0], $0xffff;
	v31 =	vadd.s32 $0x6, v35;
	[tilespmem:s0+$0x3280] =	vst v22  }
0x18c: {  	v25 =	vld.idx.msk [tilespmem:v29+s4+$0x0], $0xffff;
	v29 =	vadd.s32 $0x7, v35;
	[tilespmem:s0+$0x3300] =	vst v21  }
0x18d: {  	v24 =	vld.idx.msk [tilespmem:v30+s4+$0x0], $0xffff;
	v30 =	vadd.s32 $0x8, v35;
	[tilespmem:s0+$0x3380] =	vst v20  }
0x18e: {  	v23 =	vld.idx.msk [tilespmem:v32+s4+$0x0], $0xffff;
	v32 =	vadd.s32 $0x9, v35;
	[tilespmem:s0+$0x5800] =	vst v19  }
0x18f: {  	v22 =	vld.idx.msk [tilespmem:v33+s4+$0x0], $0xffff;
	v33 =	vadd.s32 $0xA, v35;
	[tilespmem:s0+$0x5880] =	vst v18  }
0x190: {  	v21 =	vld.idx.msk [tilespmem:v31+s4+$0x0], $0xffff;
	v31 =	vadd.s32 $0xB, v35;
	[tilespmem:s0+$0x5900] =	vst v17  }
0x191: {  	v20 =	vld.idx.msk [tilespmem:v29+s4+$0x0], $0xffff;
	v29 =	vadd.s32 $0xC, v35;
	[tilespmem:s0+$0x5980] =	vst v16  }
0x192: {  	v19 =	vld.idx.msk [tilespmem:v30+s4+$0x0], $0xffff;
	v30 =	vadd.s32 $0xD, v35;
	[tilespmem:s0+$0x5A00] =	vst v15  }
0x193: {  	v18 =	vld.idx.msk [tilespmem:v32+s4+$0x0], $0xffff;
	v32 =	vadd.s32 $0xE, v35;
	[tilespmem:s0+$0x5A80] =	vst v14  }
0x194: {  	v17 =	vld.idx.msk [tilespmem:v33+s4+$0x0], $0xffff;
	v33 =	vadd.s32 $0xF, v35;
	[tilespmem:s0+$0x5B00] =	vst v13  }
0x195: {  	v16 =	vld.idx.msk [tilespmem:v31+s4+$0x0], $0xffff;
	v31 =	vadd.s32 $0x10, v35;
	[tilespmem:s0+$0x5B80] =	vst v12  }
0x196: {  	v15 =	vld.idx.msk [tilespmem:v29+s4+$0x0], $0xffff;
	v29 =	vadd.s32 $0x11, v35;
	[tilespmem:s0+$0x8000] =	vst v10  }
0x197: {  	v14 =	vld.idx.msk [tilespmem:v30+s4+$0x0], $0xffff;
	v30 =	vadd.s32 $0x12, v35;
	[tilespmem:s0+$0x8080] =	vst v9  }
0x198: {  	v13 =	vld.idx.msk [tilespmem:v32+s4+$0x0], $0xffff;
	v32 =	vadd.s32 $0x13, v35;
	[tilespmem:s0+$0x8100] =	vst v8  }
0x199: {  	v12 =	vld.idx.msk [tilespmem:v33+s4+$0x0], $0xffff;
	v33 =	vadd.s32 $0x14, v35;
	[tilespmem:s0+$0x8180] =	vst v6  }
0x19a: {  	v10 =	vld.idx.msk [tilespmem:v31+s4+$0x0], $0xffff;
	v31 =	vadd.s32 $0x15, v35;
	[tilespmem:s0+$0x8200] =	vst v5  }
0x19b: {  	v9 =	vld.idx.msk [tilespmem:v29+s4+$0x0], $0xffff;
	v29 =	vadd.s32 $0x16, v35;
	[tilespmem:s0+$0x8280] =	vst v4  }
0x19c: {  	v8 =	vld.idx.msk [tilespmem:v30+s4+$0x0], $0xffff;
	v30 =	vadd.s32 $0x17, v35;
	[tilespmem:s0+$0x8300] =	vst v3  }
0x19d: {  	v6 =	vld.idx.msk [tilespmem:v32+s4+$0x0], $0xffff;
	v32 =	vadd.s32 $0x18, v35;
	[tilespmem:s0+$0x8380] =	vst v2  }
0x19e: {  	v41 =	vadd.s32 $0x1F, v35;
	v5 =	vld.idx.msk [tilespmem:v33+s4+$0x0], $0xffff;
	[tilespmem:s0+$0xA800] =	vst v1  }
0x19f: {  	v42 =	vadd.s32 $0x19, v35;
	v4 =	vld.idx.msk [tilespmem:v31+s4+$0x0], $0xffff;
	[tilespmem:s0+$0xA880] =	vst v7  }
0x1a0: {  	v43 =	vadd.s32 $0x1A, v35;
	v3 =	vld.idx.msk [tilespmem:v29+s4+$0x0], $0xffff;
	[tilespmem:s0+$0xA900] =	vst v11  }
.Ltmp7:
0x1a1: {  	v33 =	vadd.s32 $0x1B, v35;
	v2 =	vld.idx.msk [tilespmem:v30+s4+$0x0], $0xffff;
	[tilespmem:s0+$0xA980] =	vst v28;
	(pc) =	sbr.rel @p0 .LBB2_8-.Ltmp7, $4  }
0x1a2: {  	v1 =	vld.idx.msk [tilespmem:v32+s4+$0x0], $0xffff;
	v32 =	vadd.s32 $0x1C, v35;
	[tilespmem:s0+$0xAA00] =	vst v34  }
0x1a3: {  	v31 =	vadd.s32 $0x1D, v35;
	v29 =	vld.idx.msk [tilespmem:v41+s4+$0x0], $0xffff;
	[tilespmem:s0+$0xAA80] =	vst v36  }
0x1a4: {  	v30 =	vadd.s32 $0x1E, v35;
	v7 =	vld.idx.msk [tilespmem:v42+s4+$0x0], $0xffff;
	[tilespmem:s0+$0xAB00] =	vst v37  }
0x1a5: {  	v34 =	vmul.u32 $0x18C, v38;
	v35 =	vmul.u32 $0x42, v39;
	v11 =	vld.idx.msk [tilespmem:v43+s4+$0x0], $0xffff;
	[tilespmem:s0+$0x3000] =	vst v0;
	v0 =	vmov v40  }
0x1a6: {  	_ = 	snop  }
0x1a7: {  	v27 =	vmul.u32 $0x21, v27  }
0x1a8: {  	v28 =	vadd.s32 v34, v35  }
0x1a9: {  	v27 =	vadd.s32 v27, v28  }
0x1aa: {  	s0 =	sshll.u32 s31, $0x3;
	v32 =	vld.idx.msk [tilespmem:v32+s4+$0x0], $0xffff;
	v57 =	vadd.s32 $0x1, v27  }
0x1ab: {  	v31 =	vld.idx.msk [tilespmem:v31+s4+$0x0], $0xffff;
	s0 =	sand.u32 $0x3FFFFC00, s0;
	v58 =	vadd.s32 $0x2, v27  }
0x1ac: {  	v30 =	vld.idx.msk [tilespmem:v30+s4+$0x0], $0xffff;
	s0 =	sor.u32 s2, s0;
	v59 =	vadd.s32 $0x3, v27  }
0x1ad: {  	v28 =	vld.idx.msk [tilespmem:v33+s4+$0x0], $0xffff;
	v36 =	vadd.s32 $0x4, v27;
	[tilespmem:s0+$0xAB80] =	vst v29  }
0x1ae: {  	v37 =	vadd.s32 $0x5, v27;
	[tilespmem:s0+$0x3080] =	vst v26;
	v29 =	vld.idx.msk [tilespmem:v27+s4+$0x0], $0xffff  }
0x1af: {  	v60 =	vadd.s32 $0x6, v27;
	[tilespmem:s0+$0x3100] =	vst v25;
	v26 =	vld.idx.msk [tilespmem:v57+s4+$0x0], $0xffff  }
0x1b0: {  	v61 =	vadd.s32 $0x7, v27;
	[tilespmem:s0+$0x3180] =	vst v24;
	v25 =	vld.idx.msk [tilespmem:v58+s4+$0x0], $0xffff  }
0x1b1: {  	v62 =	vadd.s32 $0x8, v27;
	[tilespmem:s0+$0x3200] =	vst v23;
	v24 =	vld.idx.msk [tilespmem:v59+s4+$0x0], $0xffff  }
0x1b2: {  	v63 =	vadd.s32 $0x9, v27;
	[tilespmem:s0+$0x3280] =	vst v22;
	v23 =	vld.idx.msk [tilespmem:v36+s4+$0x0], $0xffff  }
0x1b3: {  	v40 =	vadd.s32 $0xA, v27;
	[tilespmem:s0+$0x3300] =	vst v21;
	v22 =	vld.idx.msk [tilespmem:v37+s4+$0x0], $0xffff  }
0x1b4: {  	v41 =	vadd.s32 $0xB, v27;
	[tilespmem:s0+$0x3380] =	vst v20;
	v21 =	vld.idx.msk [tilespmem:v60+s4+$0x0], $0xffff  }
0x1b5: {  	v42 =	vadd.s32 $0xC, v27;
	[tilespmem:s0+$0x5800] =	vst v19;
	v20 =	vld.idx.msk [tilespmem:v61+s4+$0x0], $0xffff  }
0x1b6: {  	v43 =	vadd.s32 $0xD, v27;
	[tilespmem:s0+$0x5880] =	vst v18;
	v19 =	vld.idx.msk [tilespmem:v62+s4+$0x0], $0xffff  }
0x1b7: {  	v44 =	vadd.s32 $0xE, v27;
	[tilespmem:s0+$0x5900] =	vst v17;
	v18 =	vld.idx.msk [tilespmem:v63+s4+$0x0], $0xffff  }
0x1b8: {  	v45 =	vadd.s32 $0xF, v27;
	[tilespmem:s0+$0x5980] =	vst v16;
	v17 =	vld.idx.msk [tilespmem:v40+s4+$0x0], $0xffff  }
0x1b9: {  	v46 =	vadd.s32 $0x10, v27;
	[tilespmem:s0+$0x5A00] =	vst v15;
	v16 =	vld.idx.msk [tilespmem:v41+s4+$0x0], $0xffff  }
0x1ba: {  	v47 =	vadd.s32 $0x11, v27;
	[tilespmem:s0+$0x5A80] =	vst v14;
	v15 =	vld.idx.msk [tilespmem:v42+s4+$0x0], $0xffff  }
0x1bb: {  	v48 =	vadd.s32 $0x12, v27;
	[tilespmem:s0+$0x5B00] =	vst v13;
	v14 =	vld.idx.msk [tilespmem:v43+s4+$0x0], $0xffff  }
0x1bc: {  	v49 =	vadd.s32 $0x13, v27;
	[tilespmem:s0+$0x5B80] =	vst v12;
	v13 =	vld.idx.msk [tilespmem:v44+s4+$0x0], $0xffff  }
0x1bd: {  	v50 =	vadd.s32 $0x14, v27;
	[tilespmem:s0+$0x8000] =	vst v10;
	v12 =	vld.idx.msk [tilespmem:v45+s4+$0x0], $0xffff  }
0x1be: {  	v51 =	vadd.s32 $0x15, v27;
	[tilespmem:s0+$0x8080] =	vst v9;
	v10 =	vld.idx.msk [tilespmem:v46+s4+$0x0], $0xffff  }
0x1bf: {  	v52 =	vadd.s32 $0x16, v27;
	[tilespmem:s0+$0x8100] =	vst v8;
	v9 =	vld.idx.msk [tilespmem:v47+s4+$0x0], $0xffff  }
0x1c0: {  	v53 =	vadd.s32 $0x17, v27;
	[tilespmem:s0+$0x8180] =	vst v6;
	v8 =	vld.idx.msk [tilespmem:v48+s4+$0x0], $0xffff  }
0x1c1: {  	v54 =	vadd.s32 $0x18, v27;
	[tilespmem:s0+$0x8200] =	vst v5;
	v6 =	vld.idx.msk [tilespmem:v49+s4+$0x0], $0xffff  }
0x1c2: {  	v55 =	vadd.s32 $0x1F, v27;
	[tilespmem:s0+$0x8280] =	vst v4;
	v5 =	vld.idx.msk [tilespmem:v50+s4+$0x0], $0xffff  }
0x1c3: {  	v56 =	vadd.s32 $0x19, v27;
	[tilespmem:s0+$0x8300] =	vst v3;
	v4 =	vld.idx.msk [tilespmem:v51+s4+$0x0], $0xffff  }
0x1c4: {  	[tilespmem:s0+$0xA880] =	vst v7;
	v7 =	vadd.s32 $0x1D, v27;
	v3 =	vld.idx.msk [tilespmem:v52+s4+$0x0], $0xffff  }
0x1c5: {  	[tilespmem:s0+$0x8380] =	vst v2;
	v57 =	vadd.s32 $0x1A, v27;
	v2 =	vld.idx.msk [tilespmem:v53+s4+$0x0], $0xffff  }
0x1c6: {  	[tilespmem:s0+$0xA800] =	vst v1;
	v58 =	vadd.s32 $0x1B, v27;
	v1 =	vld.idx.msk [tilespmem:v54+s4+$0x0], $0xffff  }
0x1c7: {  	[tilespmem:s0+$0x3000] =	vst v0;
	v59 =	vadd.s32 $0x1C, v27;
	v37 =	vld.idx.msk [tilespmem:v55+s4+$0x0], $0xffff  }
0x1c8: {  	[tilespmem:s0+$0xA900] =	vst v11;
	v11 =	vld.idx.msk [tilespmem:v56+s4+$0x0], $0xffff;
	v27 =	vadd.s32 $0x1E, v27  }
0x1c9: {  	[tilespmem:s0+$0xAA00] =	vst v32;
	v7 =	vld.idx.msk [tilespmem:v7+s4+$0x0], $0xffff  }
0x1ca: {  	s19 =	sshll.u32 s30, $0x3;
	[tilespmem:s0+$0xA980] =	vst v28;
	v28 =	vld.idx.msk [tilespmem:v57+s4+$0x0], $0xffff  }
0x1cb: {  	s2 =	sand.u32 $0x3FFFFC00, s19;
	[tilespmem:s0+$0xAA80] =	vst v31;
	v60 =	vld.idx.msk [tilespmem:v58+s4+$0x0], $0xffff  }
0x1cc: {  	s6 =	sor.u32 s29, s2;
	[tilespmem:s0+$0xAB00] =	vst v30;
	v31 =	vld.idx.msk [tilespmem:v59+s4+$0x0], $0xffff  }
0x1cd: {  	v0 =	vld.idx.msk [tilespmem:v27+s4+$0x0], $0xffff;
	[tilespmem:s6+$0xAB80] =	vst v37  }
0x1ce: {  	[tilespmem:s6+$0x3080] =	vst v26  }
0x1cf: {  	[tilespmem:s6+$0x3100] =	vst v25  }
0x1d0: {  	[tilespmem:s6+$0x3180] =	vst v24  }
0x1d1: {  	[tilespmem:s6+$0x3200] =	vst v23  }
0x1d2: {  	[tilespmem:s6+$0x3280] =	vst v22  }
0x1d3: {  	[tilespmem:s6+$0x3300] =	vst v21  }
0x1d4: {  	[tilespmem:s6+$0x3380] =	vst v20  }
0x1d5: {  	[tilespmem:s6+$0x5800] =	vst v19  }
0x1d6: {  	[tilespmem:s6+$0x5880] =	vst v18  }
0x1d7: {  	[tilespmem:s6+$0x5900] =	vst v17  }
0x1d8: {  	[tilespmem:s6+$0x5980] =	vst v16  }
0x1d9: {  	[tilespmem:s6+$0x5A00] =	vst v15  }
0x1da: {  	[tilespmem:s6+$0x5A80] =	vst v14  }
0x1db: {  	[tilespmem:s6+$0x5B00] =	vst v13  }
0x1dc: {  	[tilespmem:s6+$0x5B80] =	vst v12  }
0x1dd: {  	[tilespmem:s6+$0x8000] =	vst v10  }
0x1de: {  	[tilespmem:s6+$0x8080] =	vst v9  }
0x1df: {  	[tilespmem:s6+$0x8100] =	vst v8  }
0x1e0: {  	[tilespmem:s6+$0x8180] =	vst v6  }
0x1e1: {  	[tilespmem:s6+$0x8200] =	vst v5  }
0x1e2: {  	[tilespmem:s6+$0x8280] =	vst v4  }
0x1e3: {  	[tilespmem:s6+$0x8300] =	vst v3  }
0x1e4: {  	[tilespmem:s6+$0x8380] =	vst v2  }
0x1e5: {  	[tilespmem:s6+$0xA800] =	vst v1  }
0x1e6: {  	[tilespmem:s6+$0xA880] =	vst v11  }
0x1e7: {  	[tilespmem:s6+$0xAA80] =	vst v7  }
0x1e8: {  	p0 =	sgt.u32 s28, $0x250;
	[tilespmem:s6+$0x3000] =	vst v29  }
0x1e9: {  	s2 =	smul.u32 @!p0 $0x2800, s28;
	[tilespmem:s6+$0xA900] =	vst v28  }
0x1ea: {  	s15 =	smul.u32 $0xA00, s28;
	[tilespmem:s6+$0xA980] =	vst v60  }
0x1eb: {  	s0 =	sshrl.u32 @!p0 s2, $0x3;
	[tilespmem:s6+$0xAA00] =	vst v31  }
0x1ec: {  	s19 =	sadd.s32 s3, s15;
	s29 =	sadd.s32 @!p0 s1, s0;
	[tilespmem:s6+$0xAB00] =	vst v0  }
0x1ed: {  	[hbm4b:s19+s16] =	stream.strided.scatter [tilespmem:s18], [sflag:$0x1], $0xA000, s17, s16, $0x38;
	[tilespmem:$0x17000] =	vst v63  }
0x1ee: {  	s15 =	simm.s32 @!p0 $0x800;
	s2 =	simm.s32 @!p0 $0x0;
	s0 =	sadd.s32 @!p0 $0xA000, s29  }
0x1ef: {  	[tilespmem:s15], [sflag:$0x3] =	stream.linear.gather @!p0 [hbm4b:s0+s2], $0x1400, $0x38;
	[tilespmem:$0x17000] =	vst v63  }
0x1f0: {  	_ =	swait.ge [sflag:s23], $0x1400  }
0x1f1: {  	[sflag:s23] =	ssyncset.done $0x0  }
0x1f2: {  	[sflag:s23] =	ssyncadd.s32 $0xFFFFEC00  }
0x1f3: {  	s6 =	simm.s32 $0x0;
	s2 =	simm.s32 $0x0;
	_ =	swait.ge [sflag:s24], $0xA000  }
0x1f4: {  	s15 =	sand.u32 $0x3FFFFE00, s6;
	s0 =	sand.u32 $0x70, s2;
	[sflag:s24] =	ssyncset.done $0x0  }
0x1f5: {  	s15 =	sor.u32 s0, s15;
	[sflag:s24] =	ssyncadd.s32 $0xFFFF6000  }
0x1f6: {  	v0 =	vld [tilespmem:s15+$0x1C00]  }
0x1f7: {  	v1 =	vld [tilespmem:s15+$0x1C80]  }
0x1f8: {  	v2 =	vld [tilespmem:s15+$0x1D00];
	_ =	sdelay $0x3  }
0x1f9: {  	v0 =	vmul.u32 $0x18C, v0;
	v1 =	vmul.u32 $0x42, v1  }
0x1fa: {  	v2 =	vmul.u32 $0x21, v2  }
0x1fb: {  	s31 =	simm.s32 $0x10;
	s19 =	simm.s32 $0x40;
	v0 =	vadd.s32 v0, v1  }
0x1fc: {  	s30 =	sand.u32 $0x70, s31;
	s15 =	sand.u32 $0x3FFFFE00, s19;
	v11 =	vadd.s32 v2, v0  }
0x1fd: {  	s15 =	sor.u32 s30, s15;
	v1 =	vadd.s32 $0x1, v11  }
0x1fe: {  	v27 =	vld [tilespmem:s15+$0x1D00];
	v2 =	vadd.s32 $0x2, v11  }
0x1ff: {  	v28 =	vld [tilespmem:s15+$0x1C00];
	v3 =	vadd.s32 $0x3, v11  }
0x200: {  	v61 =	vld [tilespmem:s15+$0x1C80];
	v4 =	vadd.s32 $0x4, v11  }
0x201: {  	v5 =	vadd.s32 $0x5, v11;
	v0 =	vld.idx.msk [tilespmem:v11+s4+$0x0], $0xffff  }
0x202: {  	v26 =	vld.idx.msk [tilespmem:v1+s4+$0x0], $0xffff;
	v1 =	vadd.s32 $0x6, v11  }
0x203: {  	v25 =	vld.idx.msk [tilespmem:v2+s4+$0x0], $0xffff;
	v2 =	vadd.s32 $0x7, v11  }
0x204: {  	v24 =	vld.idx.msk [tilespmem:v3+s4+$0x0], $0xffff;
	v3 =	vadd.s32 $0x8, v11  }
0x205: {  	v23 =	vld.idx.msk [tilespmem:v4+s4+$0x0], $0xffff;
	v4 =	vadd.s32 $0x9, v11  }
0x206: {  	v22 =	vld.idx.msk [tilespmem:v5+s4+$0x0], $0xffff;
	v5 =	vadd.s32 $0xA, v11  }
0x207: {  	v21 =	vld.idx.msk [tilespmem:v1+s4+$0x0], $0xffff;
	v1 =	vadd.s32 $0xB, v11  }
0x208: {  	v20 =	vld.idx.msk [tilespmem:v2+s4+$0x0], $0xffff;
	v2 =	vadd.s32 $0xC, v11  }
0x209: {  	v19 =	vld.idx.msk [tilespmem:v3+s4+$0x0], $0xffff;
	v3 =	vadd.s32 $0xD, v11  }
0x20a: {  	v18 =	vld.idx.msk [tilespmem:v4+s4+$0x0], $0xffff;
	v4 =	vadd.s32 $0xE, v11  }
0x20b: {  	v17 =	vld.idx.msk [tilespmem:v5+s4+$0x0], $0xffff;
	v5 =	vadd.s32 $0xF, v11  }
0x20c: {  	v16 =	vld.idx.msk [tilespmem:v1+s4+$0x0], $0xffff;
	v1 =	vadd.s32 $0x10, v11  }
0x20d: {  	v15 =	vld.idx.msk [tilespmem:v2+s4+$0x0], $0xffff;
	v2 =	vadd.s32 $0x11, v11  }
0x20e: {  	v14 =	vld.idx.msk [tilespmem:v3+s4+$0x0], $0xffff;
	v3 =	vadd.s32 $0x12, v11  }
0x20f: {  	v13 =	vld.idx.msk [tilespmem:v4+s4+$0x0], $0xffff;
	v4 =	vadd.s32 $0x13, v11  }
0x210: {  	v12 =	vld.idx.msk [tilespmem:v5+s4+$0x0], $0xffff;
	v5 =	vadd.s32 $0x14, v11  }
0x211: {  	v10 =	vld.idx.msk [tilespmem:v1+s4+$0x0], $0xffff;
	v1 =	vadd.s32 $0x15, v11  }
0x212: {  	v9 =	vld.idx.msk [tilespmem:v2+s4+$0x0], $0xffff;
	v2 =	vadd.s32 $0x16, v11  }
0x213: {  	v7 =	vadd.s32 $0x17, v11;
	v8 =	vld.idx.msk [tilespmem:v3+s4+$0x0], $0xffff  }
0x214: {  	v29 =	vadd.s32 $0x18, v11;
	v6 =	vld.idx.msk [tilespmem:v4+s4+$0x0], $0xffff  }
0x215: {  	v30 =	vadd.s32 $0x1F, v11;
	v5 =	vld.idx.msk [tilespmem:v5+s4+$0x0], $0xffff  }
0x216: {  	v62 =	vadd.s32 $0x19, v11;
	v4 =	vld.idx.msk [tilespmem:v1+s4+$0x0], $0xffff  }
0x217: {  	v63 =	vadd.s32 $0x1A, v11;
	v3 =	vld.idx.msk [tilespmem:v2+s4+$0x0], $0xffff  }
0x218: {  	v33 =	vadd.s32 $0x1B, v11;
	v2 =	vld.idx.msk [tilespmem:v7+s4+$0x0], $0xffff  }
0x219: {  	v32 =	vadd.s32 $0x1C, v11;
	v1 =	vld.idx.msk [tilespmem:v29+s4+$0x0], $0xffff  }
0x21a: {  	v31 =	vadd.s32 $0x1D, v11;
	v29 =	vld.idx.msk [tilespmem:v30+s4+$0x0], $0xffff  }
0x21b: {  	v7 =	vld.idx.msk [tilespmem:v62+s4+$0x0], $0xffff;
	v30 =	vadd.s32 $0x1E, v11  }
0x21c: {  	v34 =	vmul.u32 $0x18C, v28;
	v35 =	vmul.u32 $0x42, v61;
	v11 =	vld.idx.msk [tilespmem:v63+s4+$0x0], $0xffff  }
.LBB2_10:
0x21d: {  	v27 =	vmul.u32 $0x21, v27;
	v28 =	vld.idx.msk [tilespmem:v33+s4+$0x0], $0xffff;
	s15 =	sshll.u32 s2, $0x3;
	s2 =	smov.u32 s31;
	s31 =	sadd.s32 $0x10, s31  }
0x21e: {  	s19 =	sshll.u32 s31, $0x2;
	p1 =	slt.u32 s31, $0x4F0;
	v33 =	vadd.s32 v34, v35;
	v34 =	vld.idx.msk [tilespmem:v32+s4+$0x0], $0xffff;
	s15 =	sand.u32 $0x3FFFFC00, s15  }
0x21f: {  	s6 =	sand.u32 $0x70, s31;
	s19 =	sand.u32 $0x3FFFFE00, s19;
	v35 =	vadd.s32 v27, v33;
	v36 =	vld.idx.msk [tilespmem:v31+s4+$0x0], $0xffff;
	s15 =	sor.u32 s0, s15  }
0x220: {  	s0 =	smov.u32 s30;
	s30 =	smov.u32 s6;
	s19 =	sor.u32 s6, s19;
	v31 =	vadd.s32 $0x1, v35;
	v37 =	vld.idx.msk [tilespmem:v30+s4+$0x0], $0xffff;
	[tilespmem:s15+$0x14B80] =	vst v29  }
0x221: {  	v29 =	vadd.s32 $0x2, v35;
	v27 =	vld [tilespmem:s19+$0x1D00];
	[tilespmem:s15+$0xD080] =	vst v26  }
0x222: {  	v30 =	vadd.s32 $0x3, v35;
	v38 =	vld [tilespmem:s19+$0x1C00];
	[tilespmem:s15+$0xD100] =	vst v25  }
0x223: {  	v32 =	vadd.s32 $0x4, v35;
	v39 =	vld [tilespmem:s19+$0x1C80];
	[tilespmem:s15+$0xD180] =	vst v24  }
0x224: {  	v33 =	vadd.s32 $0x5, v35;
	v40 =	vld.idx.msk [tilespmem:v35+s4+$0x0], $0xffff;
	[tilespmem:s15+$0xD200] =	vst v23  }
0x225: {  	v26 =	vld.idx.msk [tilespmem:v31+s4+$0x0], $0xffff;
	v31 =	vadd.s32 $0x6, v35;
	[tilespmem:s15+$0xD280] =	vst v22  }
0x226: {  	v25 =	vld.idx.msk [tilespmem:v29+s4+$0x0], $0xffff;
	v29 =	vadd.s32 $0x7, v35;
	[tilespmem:s15+$0xD300] =	vst v21  }
0x227: {  	v24 =	vld.idx.msk [tilespmem:v30+s4+$0x0], $0xffff;
	v30 =	vadd.s32 $0x8, v35;
	[tilespmem:s15+$0xD380] =	vst v20  }
0x228: {  	v23 =	vld.idx.msk [tilespmem:v32+s4+$0x0], $0xffff;
	v32 =	vadd.s32 $0x9, v35;
	[tilespmem:s15+$0xF800] =	vst v19  }
0x229: {  	v22 =	vld.idx.msk [tilespmem:v33+s4+$0x0], $0xffff;
	v33 =	vadd.s32 $0xA, v35;
	[tilespmem:s15+$0xF880] =	vst v18  }
0x22a: {  	v21 =	vld.idx.msk [tilespmem:v31+s4+$0x0], $0xffff;
	v31 =	vadd.s32 $0xB, v35;
	[tilespmem:s15+$0xF900] =	vst v17  }
0x22b: {  	v20 =	vld.idx.msk [tilespmem:v29+s4+$0x0], $0xffff;
	v29 =	vadd.s32 $0xC, v35;
	[tilespmem:s15+$0xF980] =	vst v16  }
0x22c: {  	v19 =	vld.idx.msk [tilespmem:v30+s4+$0x0], $0xffff;
	v30 =	vadd.s32 $0xD, v35;
	[tilespmem:s15+$0xFA00] =	vst v15  }
0x22d: {  	v18 =	vld.idx.msk [tilespmem:v32+s4+$0x0], $0xffff;
	v32 =	vadd.s32 $0xE, v35;
	[tilespmem:s15+$0xFA80] =	vst v14  }
0x22e: {  	v17 =	vld.idx.msk [tilespmem:v33+s4+$0x0], $0xffff;
	v33 =	vadd.s32 $0xF, v35;
	[tilespmem:s15+$0xFB00] =	vst v13  }
0x22f: {  	v16 =	vld.idx.msk [tilespmem:v31+s4+$0x0], $0xffff;
	v31 =	vadd.s32 $0x10, v35;
	[tilespmem:s15+$0xFB80] =	vst v12  }
0x230: {  	v15 =	vld.idx.msk [tilespmem:v29+s4+$0x0], $0xffff;
	v29 =	vadd.s32 $0x11, v35;
	[tilespmem:s15+$0x12000] =	vst v10  }
0x231: {  	v14 =	vld.idx.msk [tilespmem:v30+s4+$0x0], $0xffff;
	v30 =	vadd.s32 $0x12, v35;
	[tilespmem:s15+$0x12080] =	vst v9  }
0x232: {  	v13 =	vld.idx.msk [tilespmem:v32+s4+$0x0], $0xffff;
	v32 =	vadd.s32 $0x13, v35;
	[tilespmem:s15+$0x12100] =	vst v8  }
0x233: {  	v12 =	vld.idx.msk [tilespmem:v33+s4+$0x0], $0xffff;
	v33 =	vadd.s32 $0x14, v35;
	[tilespmem:s15+$0x12180] =	vst v6  }
0x234: {  	v10 =	vld.idx.msk [tilespmem:v31+s4+$0x0], $0xffff;
	v31 =	vadd.s32 $0x15, v35;
	[tilespmem:s15+$0x12200] =	vst v5  }
0x235: {  	v9 =	vld.idx.msk [tilespmem:v29+s4+$0x0], $0xffff;
	v29 =	vadd.s32 $0x16, v35;
	[tilespmem:s15+$0x12280] =	vst v4  }
0x236: {  	v8 =	vld.idx.msk [tilespmem:v30+s4+$0x0], $0xffff;
	v30 =	vadd.s32 $0x17, v35;
	[tilespmem:s15+$0x12300] =	vst v3  }
0x237: {  	v6 =	vld.idx.msk [tilespmem:v32+s4+$0x0], $0xffff;
	v32 =	vadd.s32 $0x18, v35;
	[tilespmem:s15+$0x12380] =	vst v2  }
0x238: {  	v41 =	vadd.s32 $0x1F, v35;
	v5 =	vld.idx.msk [tilespmem:v33+s4+$0x0], $0xffff;
	[tilespmem:s15+$0x14800] =	vst v1  }
0x239: {  	v42 =	vadd.s32 $0x19, v35;
	v4 =	vld.idx.msk [tilespmem:v31+s4+$0x0], $0xffff;
	[tilespmem:s15+$0x14880] =	vst v7  }
0x23a: {  	v43 =	vadd.s32 $0x1A, v35;
	v3 =	vld.idx.msk [tilespmem:v29+s4+$0x0], $0xffff;
	[tilespmem:s15+$0x14900] =	vst v11  }
.Ltmp8:
0x23b: {  	v33 =	vadd.s32 $0x1B, v35;
	v2 =	vld.idx.msk [tilespmem:v30+s4+$0x0], $0xffff;
	[tilespmem:s15+$0x14980] =	vst v28;
	(pc) =	sbr.rel @p1 .LBB2_10-.Ltmp8, $4  }
0x23c: {  	v1 =	vld.idx.msk [tilespmem:v32+s4+$0x0], $0xffff;
	v32 =	vadd.s32 $0x1C, v35;
	[tilespmem:s15+$0x14A00] =	vst v34  }
0x23d: {  	v31 =	vadd.s32 $0x1D, v35;
	v29 =	vld.idx.msk [tilespmem:v41+s4+$0x0], $0xffff;
	[tilespmem:s15+$0x14A80] =	vst v36  }
0x23e: {  	v30 =	vadd.s32 $0x1E, v35;
	v7 =	vld.idx.msk [tilespmem:v42+s4+$0x0], $0xffff;
	[tilespmem:s15+$0x14B00] =	vst v37  }
0x23f: {  	v34 =	vmul.u32 $0x18C, v38;
	v35 =	vmul.u32 $0x42, v39;
	v11 =	vld.idx.msk [tilespmem:v43+s4+$0x0], $0xffff;
	[tilespmem:s15+$0xD000] =	vst v0;
	v0 =	vmov v40  }
0x240: {  	_ = 	snop  }
0x241: {  	v27 =	vmul.u32 $0x21, v27  }
0x242: {  	v28 =	vadd.s32 v34, v35  }
0x243: {  	v27 =	vadd.s32 v27, v28  }
0x244: {  	s2 =	sshll.u32 s2, $0x3;
	v32 =	vld.idx.msk [tilespmem:v32+s4+$0x0], $0xffff;
	v46 =	vadd.s32 $0x1, v27  }
0x245: {  	v31 =	vld.idx.msk [tilespmem:v31+s4+$0x0], $0xffff;
	s2 =	sand.u32 $0x3FFFFC00, s2;
	v47 =	vadd.s32 $0x2, v27  }
0x246: {  	v30 =	vld.idx.msk [tilespmem:v30+s4+$0x0], $0xffff;
	s0 =	sor.u32 s0, s2;
	v48 =	vadd.s32 $0x3, v27  }
0x247: {  	v28 =	vld.idx.msk [tilespmem:v33+s4+$0x0], $0xffff;
	v36 =	vadd.s32 $0x4, v27;
	[tilespmem:s0+$0x14B80] =	vst v29  }
0x248: {  	v37 =	vadd.s32 $0x5, v27;
	[tilespmem:s0+$0xD080] =	vst v26;
	v29 =	vld.idx.msk [tilespmem:v27+s4+$0x0], $0xffff  }
0x249: {  	v49 =	vadd.s32 $0x6, v27;
	[tilespmem:s0+$0xD100] =	vst v25;
	v26 =	vld.idx.msk [tilespmem:v46+s4+$0x0], $0xffff  }
0x24a: {  	v50 =	vadd.s32 $0x7, v27;
	[tilespmem:s0+$0xD180] =	vst v24;
	v25 =	vld.idx.msk [tilespmem:v47+s4+$0x0], $0xffff  }
0x24b: {  	v51 =	vadd.s32 $0x8, v27;
	[tilespmem:s0+$0xD200] =	vst v23;
	v24 =	vld.idx.msk [tilespmem:v48+s4+$0x0], $0xffff  }
0x24c: {  	v52 =	vadd.s32 $0x9, v27;
	[tilespmem:s0+$0xD280] =	vst v22;
	v23 =	vld.idx.msk [tilespmem:v36+s4+$0x0], $0xffff  }
0x24d: {  	v53 =	vadd.s32 $0xA, v27;
	[tilespmem:s0+$0xD300] =	vst v21;
	v22 =	vld.idx.msk [tilespmem:v37+s4+$0x0], $0xffff  }
0x24e: {  	v54 =	vadd.s32 $0xB, v27;
	[tilespmem:s0+$0xD380] =	vst v20;
	v21 =	vld.idx.msk [tilespmem:v49+s4+$0x0], $0xffff  }
0x24f: {  	v55 =	vadd.s32 $0xC, v27;
	[tilespmem:s0+$0xF800] =	vst v19;
	v20 =	vld.idx.msk [tilespmem:v50+s4+$0x0], $0xffff  }
0x250: {  	v56 =	vadd.s32 $0xD, v27;
	[tilespmem:s0+$0xF880] =	vst v18;
	v19 =	vld.idx.msk [tilespmem:v51+s4+$0x0], $0xffff  }
0x251: {  	v57 =	vadd.s32 $0xE, v27;
	[tilespmem:s0+$0xF900] =	vst v17;
	v18 =	vld.idx.msk [tilespmem:v52+s4+$0x0], $0xffff  }
0x252: {  	v58 =	vadd.s32 $0xF, v27;
	[tilespmem:s0+$0xF980] =	vst v16;
	v17 =	vld.idx.msk [tilespmem:v53+s4+$0x0], $0xffff  }
0x253: {  	v59 =	vadd.s32 $0x10, v27;
	[tilespmem:s0+$0xFA00] =	vst v15;
	v16 =	vld.idx.msk [tilespmem:v54+s4+$0x0], $0xffff  }
0x254: {  	v60 =	vadd.s32 $0x11, v27;
	[tilespmem:s0+$0xFA80] =	vst v14;
	v15 =	vld.idx.msk [tilespmem:v55+s4+$0x0], $0xffff  }
0x255: {  	v61 =	vadd.s32 $0x12, v27;
	[tilespmem:s0+$0xFB00] =	vst v13;
	v14 =	vld.idx.msk [tilespmem:v56+s4+$0x0], $0xffff  }
0x256: {  	v62 =	vadd.s32 $0x13, v27;
	[tilespmem:s0+$0xFB80] =	vst v12;
	v13 =	vld.idx.msk [tilespmem:v57+s4+$0x0], $0xffff  }
0x257: {  	v63 =	vadd.s32 $0x14, v27;
	[tilespmem:s0+$0x12000] =	vst v10;
	v12 =	vld.idx.msk [tilespmem:v58+s4+$0x0], $0xffff  }
0x258: {  	v41 =	vadd.s32 $0x15, v27;
	[tilespmem:s0+$0x12080] =	vst v9;
	v40 =	vld.idx.msk [tilespmem:v59+s4+$0x0], $0xffff  }
0x259: {  	v43 =	vadd.s32 $0x16, v27;
	[tilespmem:s0+$0x12100] =	vst v8;
	v42 =	vld.idx.msk [tilespmem:v60+s4+$0x0], $0xffff  }
0x25a: {  	v45 =	vadd.s32 $0x17, v27;
	[tilespmem:s0+$0x12180] =	vst v6;
	v44 =	vld.idx.msk [tilespmem:v61+s4+$0x0], $0xffff  }
0x25b: {  	[tilespmem:s0+$0x12200] =	vst v5;
	v46 =	vld.idx.msk [tilespmem:v62+s4+$0x0], $0xffff;
	v47 =	vadd.s32 $0x18, v27  }
0x25c: {  	[tilespmem:s0+$0x12280] =	vst v4;
	v48 =	vld.idx.msk [tilespmem:v63+s4+$0x0], $0xffff;
	v49 =	vadd.s32 $0x1F, v27  }
0x25d: {  	[tilespmem:s0+$0x12300] =	vst v3;
	v50 =	vld.idx.msk [tilespmem:v41+s4+$0x0], $0xffff;
	v51 =	vadd.s32 $0x19, v27  }
0x25e: {  	[tilespmem:s0+$0x12380] =	vst v2;
	v52 =	vld.idx.msk [tilespmem:v43+s4+$0x0], $0xffff;
	v53 =	vadd.s32 $0x1A, v27  }
0x25f: {  	[tilespmem:s0+$0x14800] =	vst v1;
	v54 =	vld.idx.msk [tilespmem:v45+s4+$0x0], $0xffff;
	v55 =	vadd.s32 $0x1B, v27  }
0x260: {  	[tilespmem:s0+$0x14880] =	vst v7;
	v57 =	vadd.s32 $0x1C, v27;
	v56 =	vld.idx.msk [tilespmem:v47+s4+$0x0], $0xffff  }
0x261: {  	[tilespmem:s0+$0xD000] =	vst v0;
	v58 =	vadd.s32 $0x1D, v27;
	v37 =	vld.idx.msk [tilespmem:v49+s4+$0x0], $0xffff  }
0x262: {  	[tilespmem:s0+$0x14900] =	vst v11;
	v27 =	vadd.s32 $0x1E, v27;
	v59 =	vld.idx.msk [tilespmem:v51+s4+$0x0], $0xffff  }
0x263: {  	[tilespmem:s0+$0x14A00] =	vst v32;
	v60 =	vld.idx.msk [tilespmem:v53+s4+$0x0], $0xffff  }
0x264: {  	s15 =	sshll.u32 s31, $0x3;
	[tilespmem:s0+$0x14A80] =	vst v31;
	v61 =	vld.idx.msk [tilespmem:v55+s4+$0x0], $0xffff  }
0x265: {  	s2 =	sand.u32 $0x3FFFFC00, s15;
	[tilespmem:s0+$0x14B00] =	vst v30;
	v62 =	vld.idx.msk [tilespmem:v57+s4+$0x0], $0xffff  }
0x266: {  	s19 =	sor.u32 s30, s2;
	[tilespmem:s0+$0x14980] =	vst v28;
	v7 =	vld.idx.msk [tilespmem:v58+s4+$0x0], $0xffff  }
0x267: {  	v63 =	vld.idx.msk [tilespmem:v27+s4+$0x0], $0xffff;
	[tilespmem:s19+$0xD080] =	vst v26  }
0x268: {  	[tilespmem:s19+$0xD100] =	vst v25  }
0x269: {  	[tilespmem:s19+$0xD180] =	vst v24  }
0x26a: {  	[tilespmem:s19+$0xD200] =	vst v23  }
0x26b: {  	[tilespmem:s19+$0xD280] =	vst v22  }
0x26c: {  	[tilespmem:s19+$0xD300] =	vst v21  }
0x26d: {  	[tilespmem:s19+$0xD380] =	vst v20  }
0x26e: {  	[tilespmem:s19+$0xF800] =	vst v19  }
0x26f: {  	[tilespmem:s19+$0xF880] =	vst v18  }
0x270: {  	[tilespmem:s19+$0xF900] =	vst v17  }
0x271: {  	[tilespmem:s19+$0xF980] =	vst v16  }
0x272: {  	[tilespmem:s19+$0xFA00] =	vst v15  }
0x273: {  	[tilespmem:s19+$0xFA80] =	vst v14  }
0x274: {  	[tilespmem:s19+$0xFB00] =	vst v13  }
0x275: {  	[tilespmem:s19+$0xFB80] =	vst v12  }
0x276: {  	[tilespmem:s19+$0x12000] =	vst v40  }
0x277: {  	[tilespmem:s19+$0x12080] =	vst v42  }
0x278: {  	[tilespmem:s19+$0x12100] =	vst v44  }
0x279: {  	[tilespmem:s19+$0x12180] =	vst v46  }
0x27a: {  	[tilespmem:s19+$0x12200] =	vst v48  }
0x27b: {  	[tilespmem:s19+$0x12280] =	vst v50  }
0x27c: {  	[tilespmem:s19+$0x12300] =	vst v52  }
0x27d: {  	[tilespmem:s19+$0x12380] =	vst v54  }
0x27e: {  	[tilespmem:s19+$0xD000] =	vst v29  }
0x27f: {  	[tilespmem:s19+$0x14B80] =	vst v37  }
0x280: {  	[tilespmem:s19+$0x14800] =	vst v56  }
0x281: {  	[tilespmem:s19+$0x14880] =	vst v59  }
0x282: {  	s30 =	smul.u32 $0x5000, s28;
	[tilespmem:s19+$0x14900] =	vst v60  }
0x283: {  	[tilespmem:s19+$0x14980] =	vst v61  }
0x284: {  	s2 =	sshrl.u32 s30, $0x3;
	[tilespmem:s19+$0x14A00] =	vst v62  }
.Ltmp9:
0x285: {  	s2 =	sadd.s32 s3, s2;
	[tilespmem:s19+$0x14A80] =	vst v7;
	(pc) =	sbr.rel .LBB2_12-.Ltmp9, $4  }
0x286: {  	s31 =	sadd.s32 $0x500, s2;
	[tilespmem:s19+$0x14B00] =	vst v63  }
0x287: {  	[hbm4b:s31+s16] =	stream.strided.scatter [tilespmem:s20], [sflag:$0x2], $0xA000, s17, s16, $0x38;
	[tilespmem:$0x17000] =	vst v63  }
0x288: {  	s6 =	simm.s32 @!p0 $0x1C00;
	s0 =	sadd.s32 @!p0 $0xA280, s29;
	s2 =	simm.s32 @!p0 $0x0  }
0x289: {  	[tilespmem:s6], [sflag:$0x4] =	stream.linear.gather @!p0 [hbm4b:s0+s2], $0x1400, $0x38;
	[tilespmem:$0x17000] =	vst v63  }
.LBB2_14:
0x28a: {  	_ =	sfence.sel $0x180000  }
0x28b: {  	[bflag:$0x0] =	sbarrier.arrive $0xFFFF  }
0x28c: {  	_ =	strace $0x90000047  }
0x28d: {  	s0 =	stileid.u32;
	[bflag:$0x2] =	sbarrier.arrive $0xFFFF  }
0x28e: {  	p0 =	sne.s32 s0, $0x0;
	s0 =	rddreg [dreg:$0x3]  }
0x28f: {  	s0 =	sadd.s32 @!p0 $0x100000, s0  }
0x290: {  	[sflag:s0] =	ssyncadd.tile.s32 @!p0 $0x1;
	_ =	shalt  }
.Lfunc_end2:
_tile_overlayer_lowered:
.L_overlay_start_2:
0x291: {  	(tag) =	ssettag $0x2  }
0x292: {  	s0 =	rddreg [dreg:$0x0];
	s2 =	stileid.u32  }
0x293: {  	s1 =	rddreg [dreg:$0x1];
	p0 =	sne.s32 s2, $0x0  }
0x294: {  	s3 =	rddreg [dreg:$0x2];
	[bflag:$0x3] =	sbarrier.arrive $0xFFFF;
	s2 =	simm.s32 @!p0 $0x1C05  }
0x295: {  	[timem:s3], [sflag:s2] =	dma.local @!p0 [hbm:s0], s1  }
0x296: {  	s0 =	simm.s32 @!p0 $0x5  }
0x297: {  	_ =	swait.ge @!p0 [sflag:s0], s1  }
0x298: {  	s1 =	ssub.s32 @!p0 $0x0, s1;
	[sflag:s0] =	ssyncset.done @!p0 $0x0  }
0x299: {  	[sflag:s0] =	ssyncadd.s32 @!p0 s1  }
0x29a: {  	[bflag:$0x3] =	sbarrier.arrive $0xFFFF  }
0x29b: {  	_ =	shalt  }

</sc_bundles>
